<compile_context>
chip_gen: v7x
topology: tpu7x:2x2x1
jax: 0.10.2.dev20260603
libtpu: 0.0.44.dev20260713+nightly
codegen_flags: <defaults>
</compile_context>

<pallas_src>
import functools

import jax
import jax.numpy as jnp
from jax import lax
from jax.experimental import pallas as pl
from jax.experimental.pallas import tpu as pltpu
from jax.experimental.pallas import tpu_sc as plsc

_NC = 2
_NS = 16
_L = 16


def _spline_body(Q, B, K, D, T, b_per_w,
                 qt_hbm, knots_hbm, x0_hbm, x1_hbm, t_hbm, out_hbm,
                 t_v, q_v, a16_v, x0buf, x1buf, xt_v, o_v, idx_s,
                 isem0, isem1, osem0, osem1):
    isems = (isem0, isem1)
    osems = (osem0, osem1)
    wid = lax.axis_index("s") * _NC + lax.axis_index("c")
    b_base = wid * b_per_w

    pltpu.sync_copy(t_hbm, t_v)
    pltpu.sync_copy(qt_hbm, q_v)
    pltpu.sync_copy(x0_hbm.at[pl.ds(b_base, b_per_w)], x0buf)
    pltpu.sync_copy(x1_hbm.at[pl.ds(b_base, b_per_w)], x1buf)

    ones_i = jnp.full((_L,), 1, jnp.int32)
    zeros_i = jnp.full((_L,), 0, jnp.int32)
    tmax_i = jnp.full((_L,), T - 2, jnp.int32)
    eps_f = jnp.full((_L,), 1e-10, jnp.float32)

    @pl.loop(0, Q // _L)
    def _prelude(c):
        qv = q_v[pl.ds(c * _L, _L)]
        left = jnp.full((_L,), 0, jnp.int32)
        for tc in range(T // _L):
            tv = t_v[pl.ds(tc * _L, _L)]
            for l in range(_L):
                tb = jnp.broadcast_to(tv[l], (_L,))
                left = left + jnp.where(tb < qv, ones_i, zeros_i)
        idx = jnp.minimum(jnp.maximum(left - ones_i, zeros_i), tmax_i)
        idxp1 = idx + ones_i
        t0 = jnp.full((_L,), 0.0, jnp.float32)
        t1 = t0
        for tc in range(T // _L):
            tv = t_v[pl.ds(tc * _L, _L)]
            for l in range(_L):
                tb = jnp.broadcast_to(tv[l], (_L,))
                jv = jnp.full((_L,), tc * _L + l, jnp.int32)
                t0 = jnp.where(jv == idx, tb, t0)
                t1 = jnp.where(jv == idxp1, tb, t1)
        a = (qv - t0) / (t1 - t0 + eps_f)
        for l in range(_L):
            idx_s[c * _L + l] = idx[l]
            a16_v[c * _L + l] = jnp.broadcast_to(a[l], (_L,))

    def in_desc(slot, b):
        return pltpu.make_async_copy(
            knots_hbm.at[:, b, :],
            xt_v.at[pl.ds(slot * T + 1, K)], isems[slot])

    def out_desc(slot, b):
        return pltpu.make_async_copy(o_v.at[slot], out_hbm.at[b], osems[slot])

    def compute(slot, local_b):
        for c in range(D // _L):
            xt_v[slot * T, pl.ds(c * _L, _L)] = \
                x0buf[local_b, pl.ds(c * _L, _L)]
            xt_v[slot * T + T - 1, pl.ds(c * _L, _L)] = \
                x1buf[local_b, pl.ds(c * _L, _L)]

        nch = D // _L

        def row_off(qi):
            return idx_s[qi] + slot * T

        def load_q(qi, r):
            va = a16_v[qi]
            v0s = [xt_v[r, pl.ds(c * _L, _L)] for c in range(nch)]
            v1s = [xt_v[r + 1, pl.ds(c * _L, _L)] for c in range(nch)]
            return tuple([va] + v0s + v1s)

        def store_q(qi, regs):
            va = regs[0]
            v0s = regs[1:1 + nch]
            v1s = regs[1 + nch:]
            for c in range(nch):
                o_v[slot, qi, pl.ds(c * _L, _L)] = \
                    v0s[c] + va * (v1s[c] - v0s[c])

        @plsc.parallel_loop(0, Q, unroll=2)
        def _per_q(qi):
            store_q(qi, load_q(qi, row_off(qi)))

    in_desc(0, b_base).start()
    in_desc(1, b_base + 1).start()

    @pl.loop(0, b_per_w, step=2)
    def _main(g):
        for slot in range(2):
            b = g + slot
            in_desc(slot, b_base).wait()

            @pl.when(b >= 2)
            def _():
                out_desc(slot, b_base).wait()

            compute(slot, b)
            out_desc(slot, b_base + b).start()

            @pl.when(b + 2 < b_per_w)
            def _():
                in_desc(slot, b_base + b + 2).start()

    out_desc(0, b_base).wait()
    out_desc(1, b_base).wait()


def kernel(query_t, knots, x0, x1, spline_discr):
    B, K, D = knots.shape
    T = K + 2
    Q = query_t.shape[0]
    n_workers = _NC * _NS
    b_per_w = B // n_workers

    t_lin = spline_discr[:, 0]
    x0r = x0[0]
    x1r = x1[0]
    knots_t = jnp.transpose(knots, (1, 0, 2))

    mesh = plsc.VectorSubcoreMesh(core_axis_name="c", subcore_axis_name="s")
    body = functools.partial(_spline_body, Q, B, K, D, T, b_per_w)
    sc_call = pl.kernel(
        body,
        out_type=jax.ShapeDtypeStruct((B, Q, D), jnp.float32),
        mesh=mesh,
        scratch_types=[
            pltpu.VMEM((T,), jnp.float32),
            pltpu.VMEM((Q,), jnp.float32),
            pltpu.VMEM((Q, _L), jnp.float32),
            pltpu.VMEM((b_per_w, D), jnp.float32),
            pltpu.VMEM((b_per_w, D), jnp.float32),
            pltpu.VMEM((2 * T, D), jnp.float32),
            pltpu.VMEM((2, Q, D), jnp.float32),
            pltpu.SMEM((Q,), jnp.int32),
            pltpu.SemaphoreType.DMA,
            pltpu.SemaphoreType.DMA,
            pltpu.SemaphoreType.DMA,
            pltpu.SemaphoreType.DMA,
        ],
    )
    return sc_call(query_t, knots_t, x0r, x1r, t_lin)

# --- scband reference (transcript-rebuilt; emitter-appended) ---
"""Pipeline reference for scband-end-point-spline-18124761989444 (READ-ONLY COPY).

The authoritative reference and input builder live on the scoring server;
editing this copy changes nothing except your own understanding.
"""

import jax, jax.numpy as jnp
import numpy as np


def linear_interp1d(t, xt, query_t):
    # t: [T, B] monotonically increasing knot times per batch
    # xt: [T, B, D] knot values
    # query_t: [Q, B] query times
    velocities = (xt[1:] - xt[:-1]) / (t[1:] - t[:-1] + 1e-10)[..., None]  # [T-1, B, D]

    def per_batch(t_b, xt_b, v_b, q_b):
        # t_b: [T], xt_b: [T, D], v_b: [T-1, D], q_b: [Q]
        left = jnp.searchsorted(t_b, q_b, side='left')
        idx = jnp.clip(left - 1, 0, t_b.shape[0] - 2)
        return xt_b[idx] + v_b[idx] * (q_b - t_b[idx])[:, None]  # [Q, D]

    # vmap over the batch axis (axis=1 of t/xt/velocities/query_t)
    yt = jax.vmap(per_batch, in_axes=(1, 1, 1, 1), out_axes=1)(t, xt, velocities, query_t)
    return yt  # [Q, B, D]


def setup_inputs(seed: int = 0) -> dict:
    key = jax.random.key(seed)
    k1, k2, k3, k4 = jax.random.split(key, 4)
    B, D, K, Q = 4096, 128, 62, 128
    T = K + 2  # total discretization points including endpoints
    knots = jax.random.normal(k1, (B, K, D), dtype=jnp.float32)  # learned param 'knots'
    x0 = jax.random.normal(k2, (1, B, D), dtype=jnp.float32)
    x1 = jax.random.normal(k3, (1, B, D), dtype=jnp.float32)
    # sorted time discretization in [0, 1], shared across batch (shape [T, B])
    spline_discr = jnp.broadcast_to(
        jnp.linspace(0.0, 1.0, T, dtype=jnp.float32)[:, None], (T, B)
    )
    query_t = jax.random.uniform(k4, (Q,), dtype=jnp.float32)
    return {
        'query_t': query_t,
        'knots': knots,
        'x0': x0,
        'x1': x1,
        'spline_discr': spline_discr,
    }


def reference(query_t, knots, x0, x1, spline_discr):
    # faithful translation of EndPointSpline.__call__
    qt = jnp.repeat(query_t[:, None], repeats=knots.shape[0], axis=-1)  # [Q, B]
    xt = jnp.concatenate([x0, knots.transpose(1, 0, 2), x1], axis=0)   # [T, B, D]
    yt = linear_interp1d(spline_discr, xt, qt)                         # [Q, B, D]
    return yt.transpose(1, 0, 2)                                       # [B, Q, D]

if __name__ == "__main__":
    import jax
    _d = setup_inputs()
    print(jax.jit(kernel)(*tuple(_d.values())))

</pallas_src>

<mosaic_0001>
#map = affine_map<(d0, d1) -> (0)>
#map1 = affine_map<(d0, d1) -> (0, 0, 0)>
#map2 = affine_map<(d0, d1) -> (0, 0)>
module attributes {stable_mosaic.version = 14 : i64} {
  func.func @_spline_body(%arg0: i32, %arg1: i32, %arg2: memref<128xf32, #tpu.memory_space<hbm>>, %arg3: memref<62x4096x128xf32, #tpu.memory_space<hbm>>, %arg4: memref<4096x128xf32, #tpu.memory_space<hbm>>, %arg5: memref<4096x128xf32, #tpu.memory_space<hbm>>, %arg6: memref<64xf32, #tpu.memory_space<hbm>>, %arg7: memref<4096x128x128xf32, #tpu.memory_space<hbm>>, %arg8: memref<64xf32, #tpu.memory_space<vmem>>, %arg9: memref<128xf32, #tpu.memory_space<vmem>>, %arg10: memref<128x16xf32, #tpu.memory_space<vmem>>, %arg11: memref<128x128xf32, #tpu.memory_space<vmem>>, %arg12: memref<128x128xf32, #tpu.memory_space<vmem>>, %arg13: memref<128x128xf32, #tpu.memory_space<vmem>>, %arg14: memref<2x128x128xf32, #tpu.memory_space<vmem>>, %arg15: memref<128xi32, #tpu.memory_space<smem>>, %arg16: memref<!tpu.dma_semaphore, #tpu.memory_space<semaphore_mem>>, %arg17: memref<!tpu.dma_semaphore, #tpu.memory_space<semaphore_mem>>, %arg18: memref<!tpu.dma_semaphore, #tpu.memory_space<semaphore_mem>>, %arg19: memref<!tpu.dma_semaphore, #tpu.memory_space<semaphore_mem>>) attributes {dimension_semantics = [#tpu.dimension_semantics<core_parallel>, #tpu.dimension_semantics<subcore_parallel>], iteration_bounds = array<i64: 2, 16>, scalar_prefetch = 0 : i64, scratch_operands = 12 : i64, tpu.core_type = #tpu.core_type<sc_vector_subcore>, window_params = [{transform_indices = #map}, {transform_indices = #map1}, {transform_indices = #map2}, {transform_indices = #map2}, {transform_indices = #map}, {transform_indices = #map1}]} {
    %mul3A = arith.constant 2 : i32
    %mul3A_0 = arith.muli %arg1, %mul3A : i32
    %add3A = arith.addi %mul3A_0, %arg0 : i32
    %mul3A_1 = arith.constant 128 : i32
    %mul3A_2 = arith.muli %add3A, %mul3A_1 : i32
    "tpu.region"() ({
      %run_scoped3A = tpu.sem_alloc : memref<!tpu.dma_semaphore, #tpu.memory_space<semaphore_mem>>
      tpu.enqueue_dma source(%arg6 : memref<64xf32, #tpu.memory_space<hbm>>) target(%arg8 : memref<64xf32, #tpu.memory_space<vmem>>) target_semaphore(%run_scoped3A : memref<!tpu.dma_semaphore, #tpu.memory_space<semaphore_mem>>)
      tpu.wait_dma2 semaphore(%run_scoped3A : memref<!tpu.dma_semaphore, #tpu.memory_space<semaphore_mem>>) src(%arg6 : memref<64xf32, #tpu.memory_space<hbm>>) dst(%arg8 : memref<64xf32, #tpu.memory_space<vmem>>)
      tpu.yield
    }) : () -> ()
    "tpu.region"() ({
      %run_scoped3A = tpu.sem_alloc : memref<!tpu.dma_semaphore, #tpu.memory_space<semaphore_mem>>
      tpu.enqueue_dma source(%arg2 : memref<128xf32, #tpu.memory_space<hbm>>) target(%arg9 : memref<128xf32, #tpu.memory_space<vmem>>) target_semaphore(%run_scoped3A : memref<!tpu.dma_semaphore, #tpu.memory_space<semaphore_mem>>)
      tpu.wait_dma2 semaphore(%run_scoped3A : memref<!tpu.dma_semaphore, #tpu.memory_space<semaphore_mem>>) src(%arg2 : memref<128xf32, #tpu.memory_space<hbm>>) dst(%arg9 : memref<128xf32, #tpu.memory_space<vmem>>)
      tpu.yield
    }) : () -> ()
    "tpu.region"() ({
      %run_scoped3A = tpu.sem_alloc : memref<!tpu.dma_semaphore, #tpu.memory_space<semaphore_mem>>
      %dma_start3A_81 = arith.constant 0 : i32
      %dma_start3A_82 = tpu.memref_slice %arg4[%mul3A_2, %dma_start3A_81] : memref<4096x128xf32, #tpu.memory_space<hbm>> -> memref<128x128xf32, #tpu.memory_space<hbm>>
      %dma_start3A_83 = arith.constant 0 : i32
      %dma_start3A_84 = tpu.memref_slice %arg4[%mul3A_2, %dma_start3A_83] : memref<4096x128xf32, #tpu.memory_space<hbm>> -> memref<128x128xf32, #tpu.memory_space<hbm>>
      tpu.enqueue_dma source(%dma_start3A_84 : memref<128x128xf32, #tpu.memory_space<hbm>>) target(%arg11 : memref<128x128xf32, #tpu.memory_space<vmem>>) target_semaphore(%run_scoped3A : memref<!tpu.dma_semaphore, #tpu.memory_space<semaphore_mem>>)
      %dma_wait3A_85 = arith.constant 0 : i32
      %dma_wait3A_86 = tpu.memref_slice %arg4[%mul3A_2, %dma_wait3A_85] : memref<4096x128xf32, #tpu.memory_space<hbm>> -> memref<128x128xf32, #tpu.memory_space<hbm>>
      %dma_wait3A_87 = arith.constant 0 : i32
      %dma_wait3A_88 = tpu.memref_slice %arg4[%mul3A_2, %dma_wait3A_87] : memref<4096x128xf32, #tpu.memory_space<hbm>> -> memref<128x128xf32, #tpu.memory_space<hbm>>
      tpu.wait_dma2 semaphore(%run_scoped3A : memref<!tpu.dma_semaphore, #tpu.memory_space<semaphore_mem>>) src(%dma_wait3A_88 : memref<128x128xf32, #tpu.memory_space<hbm>>) dst(%arg11 : memref<128x128xf32, #tpu.memory_space<vmem>>)
      tpu.yield
    }) : () -> ()
    "tpu.region"() ({
      %run_scoped3A = tpu.sem_alloc : memref<!tpu.dma_semaphore, #tpu.memory_space<semaphore_mem>>
      %dma_start3A_81 = arith.constant 0 : i32
      %dma_start3A_82 = tpu.memref_slice %arg5[%mul3A_2, %dma_start3A_81] : memref<4096x128xf32, #tpu.memory_space<hbm>> -> memref<128x128xf32, #tpu.memory_space<hbm>>
      %dma_start3A_83 = arith.constant 0 : i32
      %dma_start3A_84 = tpu.memref_slice %arg5[%mul3A_2, %dma_start3A_83] : memref<4096x128xf32, #tpu.memory_space<hbm>> -> memref<128x128xf32, #tpu.memory_space<hbm>>
      tpu.enqueue_dma source(%dma_start3A_84 : memref<128x128xf32, #tpu.memory_space<hbm>>) target(%arg12 : memref<128x128xf32, #tpu.memory_space<vmem>>) target_semaphore(%run_scoped3A : memref<!tpu.dma_semaphore, #tpu.memory_space<semaphore_mem>>)
      %dma_wait3A_85 = arith.constant 0 : i32
      %dma_wait3A_86 = tpu.memref_slice %arg5[%mul3A_2, %dma_wait3A_85] : memref<4096x128xf32, #tpu.memory_space<hbm>> -> memref<128x128xf32, #tpu.memory_space<hbm>>
      %dma_wait3A_87 = arith.constant 0 : i32
      %dma_wait3A_88 = tpu.memref_slice %arg5[%mul3A_2, %dma_wait3A_87] : memref<4096x128xf32, #tpu.memory_space<hbm>> -> memref<128x128xf32, #tpu.memory_space<hbm>>
      tpu.wait_dma2 semaphore(%run_scoped3A : memref<!tpu.dma_semaphore, #tpu.memory_space<semaphore_mem>>) src(%dma_wait3A_88 : memref<128x128xf32, #tpu.memory_space<hbm>>) dst(%arg12 : memref<128x128xf32, #tpu.memory_space<vmem>>)
      tpu.yield
    }) : () -> ()
    %broadcast_in_dim3A = arith.constant 1 : i32
    %broadcast_in_dim3A_3 = vector.broadcast %broadcast_in_dim3A : i32 to vector<16xi32>
    %broadcast_in_dim3A_4 = arith.constant 0 : i32
    %broadcast_in_dim3A_5 = vector.broadcast %broadcast_in_dim3A_4 : i32 to vector<16xi32>
    %broadcast_in_dim3A_6 = arith.constant 62 : i32
    %broadcast_in_dim3A_7 = vector.broadcast %broadcast_in_dim3A_6 : i32 to vector<16xi32>
    %broadcast_in_dim3A_8 = arith.constant 1.000000e-10 : f32
    %broadcast_in_dim3A_9 = vector.broadcast %broadcast_in_dim3A_8 : f32 to vector<16xf32>
    %scan3A = arith.constant 0 : i32
    %scan3A_10 = arith.constant 8 : i32
    %scan3A_11 = arith.addi %scan3A, %scan3A_10 : i32
    %scan3A_12 = arith.constant 1 : i32
    scf.for %scan3A_81 = %scan3A to %scan3A_11 step %scan3A_12  : i32 {
      %mul3A_82 = arith.constant 1 : i32
      %mul3A_83 = arith.muli %scan3A_81, %mul3A_82 : i32
      %add3A_84 = arith.constant 0 : i32
      %add3A_85 = arith.addi %add3A_84, %mul3A_83 : i32
      %mul3A_86 = arith.constant 16 : i32
      %mul3A_87 = arith.muli %add3A_85, %mul3A_86 : i32
      %get3A = arith.index_cast %mul3A_87 : i32 to index
      %get3A_88 = tpu.vector_load %arg9[%get3A] {strides = array<i32>} : memref<128xf32, #tpu.memory_space<vmem>>, vector<16xf32>,
      %get3A_89 = vector.shape_cast %get3A_88 : vector<16xf32> to vector<16xf32>
      %broadcast_in_dim3A_90 = arith.constant 0 : i32
      %broadcast_in_dim3A_91 = vector.broadcast %broadcast_in_dim3A_90 : i32 to vector<16xi32>
      %get3A_92 = arith.constant 0 : index
      %get3A_93 = tpu.vector_load %arg8[%get3A_92] {strides = array<i32>} : memref<64xf32, #tpu.memory_space<vmem>>, vector<16xf32>,
      %get3A_94 = vector.shape_cast %get3A_93 : vector<16xf32> to vector<16xf32>
      %slice3A = vector.extract_strided_slice %get3A_94 {offsets = [0], sizes = [1], strides = [1]} : vector<16xf32> to vector<1xf32>
      %squeeze3A = vector.extract %slice3A[0] : f32 from vector<1xf32>
      %broadcast_in_dim3A_95 = vector.broadcast %squeeze3A : f32 to vector<16xf32>
      %lt3A = arith.cmpf olt, %broadcast_in_dim3A_95, %get3A_89 : vector<16xf32>
      %select_n3A = arith.select %lt3A, %broadcast_in_dim3A_3, %broadcast_in_dim3A_5 : vector<16xi1>, vector<16xi32>
      %add3A_96 = arith.addi %broadcast_in_dim3A_91, %select_n3A : vector<16xi32>
      %slice3A_97 = vector.extract_strided_slice %get3A_94 {offsets = [1], sizes = [1], strides = [1]} : vector<16xf32> to vector<1xf32>
      %squeeze3A_98 = vector.extract %slice3A_97[0] : f32 from vector<1xf32>
      %broadcast_in_dim3A_99 = vector.broadcast %squeeze3A_98 : f32 to vector<16xf32>
      %lt3A_100 = arith.cmpf olt, %broadcast_in_dim3A_99, %get3A_89 : vector<16xf32>
      %select_n3A_101 = arith.select %lt3A_100, %broadcast_in_dim3A_3, %broadcast_in_dim3A_5 : vector<16xi1>, vector<16xi32>
      %add3A_102 = arith.addi %add3A_96, %select_n3A_101 : vector<16xi32>
      %slice3A_103 = vector.extract_strided_slice %get3A_94 {offsets = [2], sizes = [1], strides = [1]} : vector<16xf32> to vector<1xf32>
      %squeeze3A_104 = vector.extract %slice3A_103[0] : f32 from vector<1xf32>
      %broadcast_in_dim3A_105 = vector.broadcast %squeeze3A_104 : f32 to vector<16xf32>
      %lt3A_106 = arith.cmpf olt, %broadcast_in_dim3A_105, %get3A_89 : vector<16xf32>
      %select_n3A_107 = arith.select %lt3A_106, %broadcast_in_dim3A_3, %broadcast_in_dim3A_5 : vector<16xi1>, vector<16xi32>
      %add3A_108 = arith.addi %add3A_102, %select_n3A_107 : vector<16xi32>
      %slice3A_109 = vector.extract_strided_slice %get3A_94 {offsets = [3], sizes = [1], strides = [1]} : vector<16xf32> to vector<1xf32>
      %squeeze3A_110 = vector.extract %slice3A_109[0] : f32 from vector<1xf32>
      %broadcast_in_dim3A_111 = vector.broadcast %squeeze3A_110 : f32 to vector<16xf32>
      %lt3A_112 = arith.cmpf olt, %broadcast_in_dim3A_111, %get3A_89 : vector<16xf32>
      %select_n3A_113 = arith.select %lt3A_112, %broadcast_in_dim3A_3, %broadcast_in_dim3A_5 : vector<16xi1>, vector<16xi32>
      %add3A_114 = arith.addi %add3A_108, %select_n3A_113 : vector<16xi32>
      %slice3A_115 = vector.extract_strided_slice %get3A_94 {offsets = [4], sizes = [1], strides = [1]} : vector<16xf32> to vector<1xf32>
      %squeeze3A_116 = vector.extract %slice3A_115[0] : f32 from vector<1xf32>
      %broadcast_in_dim3A_117 = vector.broadcast %squeeze3A_116 : f32 to vector<16xf32>
      %lt3A_118 = arith.cmpf olt, %broadcast_in_dim3A_117, %get3A_89 : vector<16xf32>
      %select_n3A_119 = arith.select %lt3A_118, %broadcast_in_dim3A_3, %broadcast_in_dim3A_5 : vector<16xi1>, vector<16xi32>
      %add3A_120 = arith.addi %add3A_114, %select_n3A_119 : vector<16xi32>
      %slice3A_121 = vector.extract_strided_slice %get3A_94 {offsets = [5], sizes = [1], strides = [1]} : vector<16xf32> to vector<1xf32>
      %squeeze3A_122 = vector.extract %slice3A_121[0] : f32 from vector<1xf32>
      %broadcast_in_dim3A_123 = vector.broadcast %squeeze3A_122 : f32 to vector<16xf32>
      %lt3A_124 = arith.cmpf olt, %broadcast_in_dim3A_123, %get3A_89 : vector<16xf32>
      %select_n3A_125 = arith.select %lt3A_124, %broadcast_in_dim3A_3, %broadcast_in_dim3A_5 : vector<16xi1>, vector<16xi32>
      %add3A_126 = arith.addi %add3A_120, %select_n3A_125 : vector<16xi32>
      %slice3A_127 = vector.extract_strided_slice %get3A_94 {offsets = [6], sizes = [1], strides = [1]} : vector<16xf32> to vector<1xf32>
      %squeeze3A_128 = vector.extract %slice3A_127[0] : f32 from vector<1xf32>
      %broadcast_in_dim3A_129 = vector.broadcast %squeeze3A_128 : f32 to vector<16xf32>
      %lt3A_130 = arith.cmpf olt, %broadcast_in_dim3A_129, %get3A_89 : vector<16xf32>
      %select_n3A_131 = arith.select %lt3A_130, %broadcast_in_dim3A_3, %broadcast_in_dim3A_5 : vector<16xi1>, vector<16xi32>
      %add3A_132 = arith.addi %add3A_126, %select_n3A_131 : vector<16xi32>
      %slice3A_133 = vector.extract_strided_slice %get3A_94 {offsets = [7], sizes = [1], strides = [1]} : vector<16xf32> to vector<1xf32>
      %squeeze3A_134 = vector.extract %slice3A_133[0] : f32 from vector<1xf32>
      %broadcast_in_dim3A_135 = vector.broadcast %squeeze3A_134 : f32 to vector<16xf32>
      %lt3A_136 = arith.cmpf olt, %broadcast_in_dim3A_135, %get3A_89 : vector<16xf32>
      %select_n3A_137 = arith.select %lt3A_136, %broadcast_in_dim3A_3, %broadcast_in_dim3A_5 : vector<16xi1>, vector<16xi32>
      %add3A_138 = arith.addi %add3A_132, %select_n3A_137 : vector<16xi32>
      %slice3A_139 = vector.extract_strided_slice %get3A_94 {offsets = [8], sizes = [1], strides = [1]} : vector<16xf32> to vector<1xf32>
      %squeeze3A_140 = vector.extract %slice3A_139[0] : f32 from vector<1xf32>
      %broadcast_in_dim3A_141 = vector.broadcast %squeeze3A_140 : f32 to vector<16xf32>
      %lt3A_142 = arith.cmpf olt, %broadcast_in_dim3A_141, %get3A_89 : vector<16xf32>
      %select_n3A_143 = arith.select %lt3A_142, %broadcast_in_dim3A_3, %broadcast_in_dim3A_5 : vector<16xi1>, vector<16xi32>
      %add3A_144 = arith.addi %add3A_138, %select_n3A_143 : vector<16xi32>
      %slice3A_145 = vector.extract_strided_slice %get3A_94 {offsets = [9], sizes = [1], strides = [1]} : vector<16xf32> to vector<1xf32>
      %squeeze3A_146 = vector.extract %slice3A_145[0] : f32 from vector<1xf32>
      %broadcast_in_dim3A_147 = vector.broadcast %squeeze3A_146 : f32 to vector<16xf32>
      %lt3A_148 = arith.cmpf olt, %broadcast_in_dim3A_147, %get3A_89 : vector<16xf32>
      %select_n3A_149 = arith.select %lt3A_148, %broadcast_in_dim3A_3, %broadcast_in_dim3A_5 : vector<16xi1>, vector<16xi32>
      %add3A_150 = arith.addi %add3A_144, %select_n3A_149 : vector<16xi32>
      %slice3A_151 = vector.extract_strided_slice %get3A_94 {offsets = [10], sizes = [1], strides = [1]} : vector<16xf32> to vector<1xf32>
      %squeeze3A_152 = vector.extract %slice3A_151[0] : f32 from vector<1xf32>
      %broadcast_in_dim3A_153 = vector.broadcast %squeeze3A_152 : f32 to vector<16xf32>
      %lt3A_154 = arith.cmpf olt, %broadcast_in_dim3A_153, %get3A_89 : vector<16xf32>
      %select_n3A_155 = arith.select %lt3A_154, %broadcast_in_dim3A_3, %broadcast_in_dim3A_5 : vector<16xi1>, vector<16xi32>
      %add3A_156 = arith.addi %add3A_150, %select_n3A_155 : vector<16xi32>
      %slice3A_157 = vector.extract_strided_slice %get3A_94 {offsets = [11], sizes = [1], strides = [1]} : vector<16xf32> to vector<1xf32>
      %squeeze3A_158 = vector.extract %slice3A_157[0] : f32 from vector<1xf32>
      %broadcast_in_dim3A_159 = vector.broadcast %squeeze3A_158 : f32 to vector<16xf32>
      %lt3A_160 = arith.cmpf olt, %broadcast_in_dim3A_159, %get3A_89 : vector<16xf32>
      %select_n3A_161 = arith.select %lt3A_160, %broadcast_in_dim3A_3, %broadcast_in_dim3A_5 : vector<16xi1>, vector<16xi32>
      %add3A_162 = arith.addi %add3A_156, %select_n3A_161 : vector<16xi32>
      %slice3A_163 = vector.extract_strided_slice %get3A_94 {offsets = [12], sizes = [1], strides = [1]} : vector<16xf32> to vector<1xf32>
      %squeeze3A_164 = vector.extract %slice3A_163[0] : f32 from vector<1xf32>
      %broadcast_in_dim3A_165 = vector.broadcast %squeeze3A_164 : f32 to vector<16xf32>
      %lt3A_166 = arith.cmpf olt, %broadcast_in_dim3A_165, %get3A_89 : vector<16xf32>
      %select_n3A_167 = arith.select %lt3A_166, %broadcast_in_dim3A_3, %broadcast_in_dim3A_5 : vector<16xi1>, vector<16xi32>
      %add3A_168 = arith.addi %add3A_162, %select_n3A_167 : vector<16xi32>
      %slice3A_169 = vector.extract_strided_slice %get3A_94 {offsets = [13], sizes = [1], strides = [1]} : vector<16xf32> to vector<1xf32>
      %squeeze3A_170 = vector.extract %slice3A_169[0] : f32 from vector<1xf32>
      %broadcast_in_dim3A_171 = vector.broadcast %squeeze3A_170 : f32 to vector<16xf32>
      %lt3A_172 = arith.cmpf olt, %broadcast_in_dim3A_171, %get3A_89 : vector<16xf32>
      %select_n3A_173 = arith.select %lt3A_172, %broadcast_in_dim3A_3, %broadcast_in_dim3A_5 : vector<16xi1>, vector<16xi32>
      %add3A_174 = arith.addi %add3A_168, %select_n3A_173 : vector<16xi32>
      %slice3A_175 = vector.extract_strided_slice %get3A_94 {offsets = [14], sizes = [1], strides = [1]} : vector<16xf32> to vector<1xf32>
      %squeeze3A_176 = vector.extract %slice3A_175[0] : f32 from vector<1xf32>
      %broadcast_in_dim3A_177 = vector.broadcast %squeeze3A_176 : f32 to vector<16xf32>
      %lt3A_178 = arith.cmpf olt, %broadcast_in_dim3A_177, %get3A_89 : vector<16xf32>
      %select_n3A_179 = arith.select %lt3A_178, %broadcast_in_dim3A_3, %broadcast_in_dim3A_5 : vector<16xi1>, vector<16xi32>
      %add3A_180 = arith.addi %add3A_174, %select_n3A_179 : vector<16xi32>
      %slice3A_181 = vector.extract_strided_slice %get3A_94 {offsets = [15], sizes = [1], strides = [1]} : vector<16xf32> to vector<1xf32>
      %squeeze3A_182 = vector.extract %slice3A_181[0] : f32 from vector<1xf32>
      %broadcast_in_dim3A_183 = vector.broadcast %squeeze3A_182 : f32 to vector<16xf32>
      %lt3A_184 = arith.cmpf olt, %broadcast_in_dim3A_183, %get3A_89 : vector<16xf32>
      %select_n3A_185 = arith.select %lt3A_184, %broadcast_in_dim3A_3, %broadcast_in_dim3A_5 : vector<16xi1>, vector<16xi32>
      %add3A_186 = arith.addi %add3A_180, %select_n3A_185 : vector<16xi32>
      %get3A_187 = arith.constant 16 : index
      %get3A_188 = tpu.vector_load %arg8[%get3A_187] {strides = array<i32>} : memref<64xf32, #tpu.memory_space<vmem>>, vector<16xf32>,
      %get3A_189 = vector.shape_cast %get3A_188 : vector<16xf32> to vector<16xf32>
      %slice3A_190 = vector.extract_strided_slice %get3A_189 {offsets = [0], sizes = [1], strides = [1]} : vector<16xf32> to vector<1xf32>
      %squeeze3A_191 = vector.extract %slice3A_190[0] : f32 from vector<1xf32>
      %broadcast_in_dim3A_192 = vector.broadcast %squeeze3A_191 : f32 to vector<16xf32>
      %lt3A_193 = arith.cmpf olt, %broadcast_in_dim3A_192, %get3A_89 : vector<16xf32>
      %select_n3A_194 = arith.select %lt3A_193, %broadcast_in_dim3A_3, %broadcast_in_dim3A_5 : vector<16xi1>, vector<16xi32>
      %add3A_195 = arith.addi %add3A_186, %select_n3A_194 : vector<16xi32>
      %slice3A_196 = vector.extract_strided_slice %get3A_189 {offsets = [1], sizes = [1], strides = [1]} : vector<16xf32> to vector<1xf32>
      %squeeze3A_197 = vector.extract %slice3A_196[0] : f32 from vector<1xf32>
      %broadcast_in_dim3A_198 = vector.broadcast %squeeze3A_197 : f32 to vector<16xf32>
      %lt3A_199 = arith.cmpf olt, %broadcast_in_dim3A_198, %get3A_89 : vector<16xf32>
      %select_n3A_200 = arith.select %lt3A_199, %broadcast_in_dim3A_3, %broadcast_in_dim3A_5 : vector<16xi1>, vector<16xi32>
      %add3A_201 = arith.addi %add3A_195, %select_n3A_200 : vector<16xi32>
      %slice3A_202 = vector.extract_strided_slice %get3A_189 {offsets = [2], sizes = [1], strides = [1]} : vector<16xf32> to vector<1xf32>
      %squeeze3A_203 = vector.extract %slice3A_202[0] : f32 from vector<1xf32>
      %broadcast_in_dim3A_204 = vector.broadcast %squeeze3A_203 : f32 to vector<16xf32>
      %lt3A_205 = arith.cmpf olt, %broadcast_in_dim3A_204, %get3A_89 : vector<16xf32>
      %select_n3A_206 = arith.select %lt3A_205, %broadcast_in_dim3A_3, %broadcast_in_dim3A_5 : vector<16xi1>, vector<16xi32>
      %add3A_207 = arith.addi %add3A_201, %select_n3A_206 : vector<16xi32>
      %slice3A_208 = vector.extract_strided_slice %get3A_189 {offsets = [3], sizes = [1], strides = [1]} : vector<16xf32> to vector<1xf32>
      %squeeze3A_209 = vector.extract %slice3A_208[0] : f32 from vector<1xf32>
      %broadcast_in_dim3A_210 = vector.broadcast %squeeze3A_209 : f32 to vector<16xf32>
      %lt3A_211 = arith.cmpf olt, %broadcast_in_dim3A_210, %get3A_89 : vector<16xf32>
      %select_n3A_212 = arith.select %lt3A_211, %broadcast_in_dim3A_3, %broadcast_in_dim3A_5 : vector<16xi1>, vector<16xi32>
      %add3A_213 = arith.addi %add3A_207, %select_n3A_212 : vector<16xi32>
      %slice3A_214 = vector.extract_strided_slice %get3A_189 {offsets = [4], sizes = [1], strides = [1]} : vector<16xf32> to vector<1xf32>
      %squeeze3A_215 = vector.extract %slice3A_214[0] : f32 from vector<1xf32>
      %broadcast_in_dim3A_216 = vector.broadcast %squeeze3A_215 : f32 to vector<16xf32>
      %lt3A_217 = arith.cmpf olt, %broadcast_in_dim3A_216, %get3A_89 : vector<16xf32>
      %select_n3A_218 = arith.select %lt3A_217, %broadcast_in_dim3A_3, %broadcast_in_dim3A_5 : vector<16xi1>, vector<16xi32>
      %add3A_219 = arith.addi %add3A_213, %select_n3A_218 : vector<16xi32>
      %slice3A_220 = vector.extract_strided_slice %get3A_189 {offsets = [5], sizes = [1], strides = [1]} : vector<16xf32> to vector<1xf32>
      %squeeze3A_221 = vector.extract %slice3A_220[0] : f32 from vector<1xf32>
      %broadcast_in_dim3A_222 = vector.broadcast %squeeze3A_221 : f32 to vector<16xf32>
      %lt3A_223 = arith.cmpf olt, %broadcast_in_dim3A_222, %get3A_89 : vector<16xf32>
      %select_n3A_224 = arith.select %lt3A_223, %broadcast_in_dim3A_3, %broadcast_in_dim3A_5 : vector<16xi1>, vector<16xi32>
      %add3A_225 = arith.addi %add3A_219, %select_n3A_224 : vector<16xi32>
      %slice3A_226 = vector.extract_strided_slice %get3A_189 {offsets = [6], sizes = [1], strides = [1]} : vector<16xf32> to vector<1xf32>
      %squeeze3A_227 = vector.extract %slice3A_226[0] : f32 from vector<1xf32>
      %broadcast_in_dim3A_228 = vector.broadcast %squeeze3A_227 : f32 to vector<16xf32>
      %lt3A_229 = arith.cmpf olt, %broadcast_in_dim3A_228, %get3A_89 : vector<16xf32>
      %select_n3A_230 = arith.select %lt3A_229, %broadcast_in_dim3A_3, %broadcast_in_dim3A_5 : vector<16xi1>, vector<16xi32>
      %add3A_231 = arith.addi %add3A_225, %select_n3A_230 : vector<16xi32>
      %slice3A_232 = vector.extract_strided_slice %get3A_189 {offsets = [7], sizes = [1], strides = [1]} : vector<16xf32> to vector<1xf32>
      %squeeze3A_233 = vector.extract %slice3A_232[0] : f32 from vector<1xf32>
      %broadcast_in_dim3A_234 = vector.broadcast %squeeze3A_233 : f32 to vector<16xf32>
      %lt3A_235 = arith.cmpf olt, %broadcast_in_dim3A_234, %get3A_89 : vector<16xf32>
      %select_n3A_236 = arith.select %lt3A_235, %broadcast_in_dim3A_3, %broadcast_in_dim3A_5 : vector<16xi1>, vector<16xi32>
      %add3A_237 = arith.addi %add3A_231, %select_n3A_236 : vector<16xi32>
      %slice3A_238 = vector.extract_strided_slice %get3A_189 {offsets = [8], sizes = [1], strides = [1]} : vector<16xf32> to vector<1xf32>
      %squeeze3A_239 = vector.extract %slice3A_238[0] : f32 from vector<1xf32>
      %broadcast_in_dim3A_240 = vector.broadcast %squeeze3A_239 : f32 to vector<16xf32>
      %lt3A_241 = arith.cmpf olt, %broadcast_in_dim3A_240, %get3A_89 : vector<16xf32>
      %select_n3A_242 = arith.select %lt3A_241, %broadcast_in_dim3A_3, %broadcast_in_dim3A_5 : vector<16xi1>, vector<16xi32>
      %add3A_243 = arith.addi %add3A_237, %select_n3A_242 : vector<16xi32>
      %slice3A_244 = vector.extract_strided_slice %get3A_189 {offsets = [9], sizes = [1], strides = [1]} : vector<16xf32> to vector<1xf32>
      %squeeze3A_245 = vector.extract %slice3A_244[0] : f32 from vector<1xf32>
      %broadcast_in_dim3A_246 = vector.broadcast %squeeze3A_245 : f32 to vector<16xf32>
      %lt3A_247 = arith.cmpf olt, %broadcast_in_dim3A_246, %get3A_89 : vector<16xf32>
      %select_n3A_248 = arith.select %lt3A_247, %broadcast_in_dim3A_3, %broadcast_in_dim3A_5 : vector<16xi1>, vector<16xi32>
      %add3A_249 = arith.addi %add3A_243, %select_n3A_248 : vector<16xi32>
      %slice3A_250 = vector.extract_strided_slice %get3A_189 {offsets = [10], sizes = [1], strides = [1]} : vector<16xf32> to vector<1xf32>
      %squeeze3A_251 = vector.extract %slice3A_250[0] : f32 from vector<1xf32>
      %broadcast_in_dim3A_252 = vector.broadcast %squeeze3A_251 : f32 to vector<16xf32>
      %lt3A_253 = arith.cmpf olt, %broadcast_in_dim3A_252, %get3A_89 : vector<16xf32>
      %select_n3A_254 = arith.select %lt3A_253, %broadcast_in_dim3A_3, %broadcast_in_dim3A_5 : vector<16xi1>, vector<16xi32>
      %add3A_255 = arith.addi %add3A_249, %select_n3A_254 : vector<16xi32>
      %slice3A_256 = vector.extract_strided_slice %get3A_189 {offsets = [11], sizes = [1], strides = [1]} : vector<16xf32> to vector<1xf32>
      %squeeze3A_257 = vector.extract %slice3A_256[0] : f32 from vector<1xf32>
      %broadcast_in_dim3A_258 = vector.broadcast %squeeze3A_257 : f32 to vector<16xf32>
      %lt3A_259 = arith.cmpf olt, %broadcast_in_dim3A_258, %get3A_89 : vector<16xf32>
      %select_n3A_260 = arith.select %lt3A_259, %broadcast_in_dim3A_3, %broadcast_in_dim3A_5 : vector<16xi1>, vector<16xi32>
      %add3A_261 = arith.addi %add3A_255, %select_n3A_260 : vector<16xi32>
      %slice3A_262 = vector.extract_strided_slice %get3A_189 {offsets = [12], sizes = [1], strides = [1]} : vector<16xf32> to vector<1xf32>
      %squeeze3A_263 = vector.extract %slice3A_262[0] : f32 from vector<1xf32>
      %broadcast_in_dim3A_264 = vector.broadcast %squeeze3A_263 : f32 to vector<16xf32>
      %lt3A_265 = arith.cmpf olt, %broadcast_in_dim3A_264, %get3A_89 : vector<16xf32>
      %select_n3A_266 = arith.select %lt3A_265, %broadcast_in_dim3A_3, %broadcast_in_dim3A_5 : vector<16xi1>, vector<16xi32>
      %add3A_267 = arith.addi %add3A_261, %select_n3A_266 : vector<16xi32>
      %slice3A_268 = vector.extract_strided_slice %get3A_189 {offsets = [13], sizes = [1], strides = [1]} : vector<16xf32> to vector<1xf32>
      %squeeze3A_269 = vector.extract %slice3A_268[0] : f32 from vector<1xf32>
      %broadcast_in_dim3A_270 = vector.broadcast %squeeze3A_269 : f32 to vector<16xf32>
      %lt3A_271 = arith.cmpf olt, %broadcast_in_dim3A_270, %get3A_89 : vector<16xf32>
      %select_n3A_272 = arith.select %lt3A_271, %broadcast_in_dim3A_3, %broadcast_in_dim3A_5 : vector<16xi1>, vector<16xi32>
      %add3A_273 = arith.addi %add3A_267, %select_n3A_272 : vector<16xi32>
      %slice3A_274 = vector.extract_strided_slice %get3A_189 {offsets = [14], sizes = [1], strides = [1]} : vector<16xf32> to vector<1xf32>
      %squeeze3A_275 = vector.extract %slice3A_274[0] : f32 from vector<1xf32>
      %broadcast_in_dim3A_276 = vector.broadcast %squeeze3A_275 : f32 to vector<16xf32>
      %lt3A_277 = arith.cmpf olt, %broadcast_in_dim3A_276, %get3A_89 : vector<16xf32>
      %select_n3A_278 = arith.select %lt3A_277, %broadcast_in_dim3A_3, %broadcast_in_dim3A_5 : vector<16xi1>, vector<16xi32>
      %add3A_279 = arith.addi %add3A_273, %select_n3A_278 : vector<16xi32>
      %slice3A_280 = vector.extract_strided_slice %get3A_189 {offsets = [15], sizes = [1], strides = [1]} : vector<16xf32> to vector<1xf32>
      %squeeze3A_281 = vector.extract %slice3A_280[0] : f32 from vector<1xf32>
      %broadcast_in_dim3A_282 = vector.broadcast %squeeze3A_281 : f32 to vector<16xf32>
      %lt3A_283 = arith.cmpf olt, %broadcast_in_dim3A_282, %get3A_89 : vector<16xf32>
      %select_n3A_284 = arith.select %lt3A_283, %broadcast_in_dim3A_3, %broadcast_in_dim3A_5 : vector<16xi1>, vector<16xi32>
      %add3A_285 = arith.addi %add3A_279, %select_n3A_284 : vector<16xi32>
      %get3A_286 = arith.constant 32 : index
      %get3A_287 = tpu.vector_load %arg8[%get3A_286] {strides = array<i32>} : memref<64xf32, #tpu.memory_space<vmem>>, vector<16xf32>,
      %get3A_288 = vector.shape_cast %get3A_287 : vector<16xf32> to vector<16xf32>
      %slice3A_289 = vector.extract_strided_slice %get3A_288 {offsets = [0], sizes = [1], strides = [1]} : vector<16xf32> to vector<1xf32>
      %squeeze3A_290 = vector.extract %slice3A_289[0] : f32 from vector<1xf32>
      %broadcast_in_dim3A_291 = vector.broadcast %squeeze3A_290 : f32 to vector<16xf32>
      %lt3A_292 = arith.cmpf olt, %broadcast_in_dim3A_291, %get3A_89 : vector<16xf32>
      %select_n3A_293 = arith.select %lt3A_292, %broadcast_in_dim3A_3, %broadcast_in_dim3A_5 : vector<16xi1>, vector<16xi32>
      %add3A_294 = arith.addi %add3A_285, %select_n3A_293 : vector<16xi32>
      %slice3A_295 = vector.extract_strided_slice %get3A_288 {offsets = [1], sizes = [1], strides = [1]} : vector<16xf32> to vector<1xf32>
      %squeeze3A_296 = vector.extract %slice3A_295[0] : f32 from vector<1xf32>
      %broadcast_in_dim3A_297 = vector.broadcast %squeeze3A_296 : f32 to vector<16xf32>
      %lt3A_298 = arith.cmpf olt, %broadcast_in_dim3A_297, %get3A_89 : vector<16xf32>
      %select_n3A_299 = arith.select %lt3A_298, %broadcast_in_dim3A_3, %broadcast_in_dim3A_5 : vector<16xi1>, vector<16xi32>
      %add3A_300 = arith.addi %add3A_294, %select_n3A_299 : vector<16xi32>
      %slice3A_301 = vector.extract_strided_slice %get3A_288 {offsets = [2], sizes = [1], strides = [1]} : vector<16xf32> to vector<1xf32>
      %squeeze3A_302 = vector.extract %slice3A_301[0] : f32 from vector<1xf32>
      %broadcast_in_dim3A_303 = vector.broadcast %squeeze3A_302 : f32 to vector<16xf32>
      %lt3A_304 = arith.cmpf olt, %broadcast_in_dim3A_303, %get3A_89 : vector<16xf32>
      %select_n3A_305 = arith.select %lt3A_304, %broadcast_in_dim3A_3, %broadcast_in_dim3A_5 : vector<16xi1>, vector<16xi32>
      %add3A_306 = arith.addi %add3A_300, %select_n3A_305 : vector<16xi32>
      %slice3A_307 = vector.extract_strided_slice %get3A_288 {offsets = [3], sizes = [1], strides = [1]} : vector<16xf32> to vector<1xf32>
      %squeeze3A_308 = vector.extract %slice3A_307[0] : f32 from vector<1xf32>
      %broadcast_in_dim3A_309 = vector.broadcast %squeeze3A_308 : f32 to vector<16xf32>
      %lt3A_310 = arith.cmpf olt, %broadcast_in_dim3A_309, %get3A_89 : vector<16xf32>
      %select_n3A_311 = arith.select %lt3A_310, %broadcast_in_dim3A_3, %broadcast_in_dim3A_5 : vector<16xi1>, vector<16xi32>
      %add3A_312 = arith.addi %add3A_306, %select_n3A_311 : vector<16xi32>
      %slice3A_313 = vector.extract_strided_slice %get3A_288 {offsets = [4], sizes = [1], strides = [1]} : vector<16xf32> to vector<1xf32>
      %squeeze3A_314 = vector.extract %slice3A_313[0] : f32 from vector<1xf32>
      %broadcast_in_dim3A_315 = vector.broadcast %squeeze3A_314 : f32 to vector<16xf32>
      %lt3A_316 = arith.cmpf olt, %broadcast_in_dim3A_315, %get3A_89 : vector<16xf32>
      %select_n3A_317 = arith.select %lt3A_316, %broadcast_in_dim3A_3, %broadcast_in_dim3A_5 : vector<16xi1>, vector<16xi32>
      %add3A_318 = arith.addi %add3A_312, %select_n3A_317 : vector<16xi32>
      %slice3A_319 = vector.extract_strided_slice %get3A_288 {offsets = [5], sizes = [1], strides = [1]} : vector<16xf32> to vector<1xf32>
      %squeeze3A_320 = vector.extract %slice3A_319[0] : f32 from vector<1xf32>
      %broadcast_in_dim3A_321 = vector.broadcast %squeeze3A_320 : f32 to vector<16xf32>
      %lt3A_322 = arith.cmpf olt, %broadcast_in_dim3A_321, %get3A_89 : vector<16xf32>
      %select_n3A_323 = arith.select %lt3A_322, %broadcast_in_dim3A_3, %broadcast_in_dim3A_5 : vector<16xi1>, vector<16xi32>
      %add3A_324 = arith.addi %add3A_318, %select_n3A_323 : vector<16xi32>
      %slice3A_325 = vector.extract_strided_slice %get3A_288 {offsets = [6], sizes = [1], strides = [1]} : vector<16xf32> to vector<1xf32>
      %squeeze3A_326 = vector.extract %slice3A_325[0] : f32 from vector<1xf32>
      %broadcast_in_dim3A_327 = vector.broadcast %squeeze3A_326 : f32 to vector<16xf32>
      %lt3A_328 = arith.cmpf olt, %broadcast_in_dim3A_327, %get3A_89 : vector<16xf32>
      %select_n3A_329 = arith.select %lt3A_328, %broadcast_in_dim3A_3, %broadcast_in_dim3A_5 : vector<16xi1>, vector<16xi32>
      %add3A_330 = arith.addi %add3A_324, %select_n3A_329 : vector<16xi32>
      %slice3A_331 = vector.extract_strided_slice %get3A_288 {offsets = [7], sizes = [1], strides = [1]} : vector<16xf32> to vector<1xf32>
      %squeeze3A_332 = vector.extract %slice3A_331[0] : f32 from vector<1xf32>
      %broadcast_in_dim3A_333 = vector.broadcast %squeeze3A_332 : f32 to vector<16xf32>
      %lt3A_334 = arith.cmpf olt, %broadcast_in_dim3A_333, %get3A_89 : vector<16xf32>
      %select_n3A_335 = arith.select %lt3A_334, %broadcast_in_dim3A_3, %broadcast_in_dim3A_5 : vector<16xi1>, vector<16xi32>
      %add3A_336 = arith.addi %add3A_330, %select_n3A_335 : vector<16xi32>
      %slice3A_337 = vector.extract_strided_slice %get3A_288 {offsets = [8], sizes = [1], strides = [1]} : vector<16xf32> to vector<1xf32>
      %squeeze3A_338 = vector.extract %slice3A_337[0] : f32 from vector<1xf32>
      %broadcast_in_dim3A_339 = vector.broadcast %squeeze3A_338 : f32 to vector<16xf32>
      %lt3A_340 = arith.cmpf olt, %broadcast_in_dim3A_339, %get3A_89 : vector<16xf32>
      %select_n3A_341 = arith.select %lt3A_340, %broadcast_in_dim3A_3, %broadcast_in_dim3A_5 : vector<16xi1>, vector<16xi32>
      %add3A_342 = arith.addi %add3A_336, %select_n3A_341 : vector<16xi32>
      %slice3A_343 = vector.extract_strided_slice %get3A_288 {offsets = [9], sizes = [1], strides = [1]} : vector<16xf32> to vector<1xf32>
      %squeeze3A_344 = vector.extract %slice3A_343[0] : f32 from vector<1xf32>
      %broadcast_in_dim3A_345 = vector.broadcast %squeeze3A_344 : f32 to vector<16xf32>
      %lt3A_346 = arith.cmpf olt, %broadcast_in_dim3A_345, %get3A_89 : vector<16xf32>
      %select_n3A_347 = arith.select %lt3A_346, %broadcast_in_dim3A_3, %broadcast_in_dim3A_5 : vector<16xi1>, vector<16xi32>
      %add3A_348 = arith.addi %add3A_342, %select_n3A_347 : vector<16xi32>
      %slice3A_349 = vector.extract_strided_slice %get3A_288 {offsets = [10], sizes = [1], strides = [1]} : vector<16xf32> to vector<1xf32>
      %squeeze3A_350 = vector.extract %slice3A_349[0] : f32 from vector<1xf32>
      %broadcast_in_dim3A_351 = vector.broadcast %squeeze3A_350 : f32 to vector<16xf32>
      %lt3A_352 = arith.cmpf olt, %broadcast_in_dim3A_351, %get3A_89 : vector<16xf32>
      %select_n3A_353 = arith.select %lt3A_352, %broadcast_in_dim3A_3, %broadcast_in_dim3A_5 : vector<16xi1>, vector<16xi32>
      %add3A_354 = arith.addi %add3A_348, %select_n3A_353 : vector<16xi32>
      %slice3A_355 = vector.extract_strided_slice %get3A_288 {offsets = [11], sizes = [1], strides = [1]} : vector<16xf32> to vector<1xf32>
      %squeeze3A_356 = vector.extract %slice3A_355[0] : f32 from vector<1xf32>
      %broadcast_in_dim3A_357 = vector.broadcast %squeeze3A_356 : f32 to vector<16xf32>
      %lt3A_358 = arith.cmpf olt, %broadcast_in_dim3A_357, %get3A_89 : vector<16xf32>
      %select_n3A_359 = arith.select %lt3A_358, %broadcast_in_dim3A_3, %broadcast_in_dim3A_5 : vector<16xi1>, vector<16xi32>
      %add3A_360 = arith.addi %add3A_354, %select_n3A_359 : vector<16xi32>
      %slice3A_361 = vector.extract_strided_slice %get3A_288 {offsets = [12], sizes = [1], strides = [1]} : vector<16xf32> to vector<1xf32>
      %squeeze3A_362 = vector.extract %slice3A_361[0] : f32 from vector<1xf32>
      %broadcast_in_dim3A_363 = vector.broadcast %squeeze3A_362 : f32 to vector<16xf32>
      %lt3A_364 = arith.cmpf olt, %broadcast_in_dim3A_363, %get3A_89 : vector<16xf32>
      %select_n3A_365 = arith.select %lt3A_364, %broadcast_in_dim3A_3, %broadcast_in_dim3A_5 : vector<16xi1>, vector<16xi32>
      %add3A_366 = arith.addi %add3A_360, %select_n3A_365 : vector<16xi32>
      %slice3A_367 = vector.extract_strided_slice %get3A_288 {offsets = [13], sizes = [1], strides = [1]} : vector<16xf32> to vector<1xf32>
      %squeeze3A_368 = vector.extract %slice3A_367[0] : f32 from vector<1xf32>
      %broadcast_in_dim3A_369 = vector.broadcast %squeeze3A_368 : f32 to vector<16xf32>
      %lt3A_370 = arith.cmpf olt, %broadcast_in_dim3A_369, %get3A_89 : vector<16xf32>
      %select_n3A_371 = arith.select %lt3A_370, %broadcast_in_dim3A_3, %broadcast_in_dim3A_5 : vector<16xi1>, vector<16xi32>
      %add3A_372 = arith.addi %add3A_366, %select_n3A_371 : vector<16xi32>
      %slice3A_373 = vector.extract_strided_slice %get3A_288 {offsets = [14], sizes = [1], strides = [1]} : vector<16xf32> to vector<1xf32>
      %squeeze3A_374 = vector.extract %slice3A_373[0] : f32 from vector<1xf32>
      %broadcast_in_dim3A_375 = vector.broadcast %squeeze3A_374 : f32 to vector<16xf32>
      %lt3A_376 = arith.cmpf olt, %broadcast_in_dim3A_375, %get3A_89 : vector<16xf32>
      %select_n3A_377 = arith.select %lt3A_376, %broadcast_in_dim3A_3, %broadcast_in_dim3A_5 : vector<16xi1>, vector<16xi32>
      %add3A_378 = arith.addi %add3A_372, %select_n3A_377 : vector<16xi32>
      %slice3A_379 = vector.extract_strided_slice %get3A_288 {offsets = [15], sizes = [1], strides = [1]} : vector<16xf32> to vector<1xf32>
      %squeeze3A_380 = vector.extract %slice3A_379[0] : f32 from vector<1xf32>
      %broadcast_in_dim3A_381 = vector.broadcast %squeeze3A_380 : f32 to vector<16xf32>
      %lt3A_382 = arith.cmpf olt, %broadcast_in_dim3A_381, %get3A_89 : vector<16xf32>
      %select_n3A_383 = arith.select %lt3A_382, %broadcast_in_dim3A_3, %broadcast_in_dim3A_5 : vector<16xi1>, vector<16xi32>
      %add3A_384 = arith.addi %add3A_378, %select_n3A_383 : vector<16xi32>
      %get3A_385 = arith.constant 48 : index
      %get3A_386 = tpu.vector_load %arg8[%get3A_385] {strides = array<i32>} : memref<64xf32, #tpu.memory_space<vmem>>, vector<16xf32>,
      %get3A_387 = vector.shape_cast %get3A_386 : vector<16xf32> to vector<16xf32>
      %slice3A_388 = vector.extract_strided_slice %get3A_387 {offsets = [0], sizes = [1], strides = [1]} : vector<16xf32> to vector<1xf32>
      %squeeze3A_389 = vector.extract %slice3A_388[0] : f32 from vector<1xf32>
      %broadcast_in_dim3A_390 = vector.broadcast %squeeze3A_389 : f32 to vector<16xf32>
      %lt3A_391 = arith.cmpf olt, %broadcast_in_dim3A_390, %get3A_89 : vector<16xf32>
      %select_n3A_392 = arith.select %lt3A_391, %broadcast_in_dim3A_3, %broadcast_in_dim3A_5 : vector<16xi1>, vector<16xi32>
      %add3A_393 = arith.addi %add3A_384, %select_n3A_392 : vector<16xi32>
      %slice3A_394 = vector.extract_strided_slice %get3A_387 {offsets = [1], sizes = [1], strides = [1]} : vector<16xf32> to vector<1xf32>
      %squeeze3A_395 = vector.extract %slice3A_394[0] : f32 from vector<1xf32>
      %broadcast_in_dim3A_396 = vector.broadcast %squeeze3A_395 : f32 to vector<16xf32>
      %lt3A_397 = arith.cmpf olt, %broadcast_in_dim3A_396, %get3A_89 : vector<16xf32>
      %select_n3A_398 = arith.select %lt3A_397, %broadcast_in_dim3A_3, %broadcast_in_dim3A_5 : vector<16xi1>, vector<16xi32>
      %add3A_399 = arith.addi %add3A_393, %select_n3A_398 : vector<16xi32>
      %slice3A_400 = vector.extract_strided_slice %get3A_387 {offsets = [2], sizes = [1], strides = [1]} : vector<16xf32> to vector<1xf32>
      %squeeze3A_401 = vector.extract %slice3A_400[0] : f32 from vector<1xf32>
      %broadcast_in_dim3A_402 = vector.broadcast %squeeze3A_401 : f32 to vector<16xf32>
      %lt3A_403 = arith.cmpf olt, %broadcast_in_dim3A_402, %get3A_89 : vector<16xf32>
      %select_n3A_404 = arith.select %lt3A_403, %broadcast_in_dim3A_3, %broadcast_in_dim3A_5 : vector<16xi1>, vector<16xi32>
      %add3A_405 = arith.addi %add3A_399, %select_n3A_404 : vector<16xi32>
      %slice3A_406 = vector.extract_strided_slice %get3A_387 {offsets = [3], sizes = [1], strides = [1]} : vector<16xf32> to vector<1xf32>
      %squeeze3A_407 = vector.extract %slice3A_406[0] : f32 from vector<1xf32>
      %broadcast_in_dim3A_408 = vector.broadcast %squeeze3A_407 : f32 to vector<16xf32>
      %lt3A_409 = arith.cmpf olt, %broadcast_in_dim3A_408, %get3A_89 : vector<16xf32>
      %select_n3A_410 = arith.select %lt3A_409, %broadcast_in_dim3A_3, %broadcast_in_dim3A_5 : vector<16xi1>, vector<16xi32>
      %add3A_411 = arith.addi %add3A_405, %select_n3A_410 : vector<16xi32>
      %slice3A_412 = vector.extract_strided_slice %get3A_387 {offsets = [4], sizes = [1], strides = [1]} : vector<16xf32> to vector<1xf32>
      %squeeze3A_413 = vector.extract %slice3A_412[0] : f32 from vector<1xf32>
      %broadcast_in_dim3A_414 = vector.broadcast %squeeze3A_413 : f32 to vector<16xf32>
      %lt3A_415 = arith.cmpf olt, %broadcast_in_dim3A_414, %get3A_89 : vector<16xf32>
      %select_n3A_416 = arith.select %lt3A_415, %broadcast_in_dim3A_3, %broadcast_in_dim3A_5 : vector<16xi1>, vector<16xi32>
      %add3A_417 = arith.addi %add3A_411, %select_n3A_416 : vector<16xi32>
      %slice3A_418 = vector.extract_strided_slice %get3A_387 {offsets = [5], sizes = [1], strides = [1]} : vector<16xf32> to vector<1xf32>
      %squeeze3A_419 = vector.extract %slice3A_418[0] : f32 from vector<1xf32>
      %broadcast_in_dim3A_420 = vector.broadcast %squeeze3A_419 : f32 to vector<16xf32>
      %lt3A_421 = arith.cmpf olt, %broadcast_in_dim3A_420, %get3A_89 : vector<16xf32>
      %select_n3A_422 = arith.select %lt3A_421, %broadcast_in_dim3A_3, %broadcast_in_dim3A_5 : vector<16xi1>, vector<16xi32>
      %add3A_423 = arith.addi %add3A_417, %select_n3A_422 : vector<16xi32>
      %slice3A_424 = vector.extract_strided_slice %get3A_387 {offsets = [6], sizes = [1], strides = [1]} : vector<16xf32> to vector<1xf32>
      %squeeze3A_425 = vector.extract %slice3A_424[0] : f32 from vector<1xf32>
      %broadcast_in_dim3A_426 = vector.broadcast %squeeze3A_425 : f32 to vector<16xf32>
      %lt3A_427 = arith.cmpf olt, %broadcast_in_dim3A_426, %get3A_89 : vector<16xf32>
      %select_n3A_428 = arith.select %lt3A_427, %broadcast_in_dim3A_3, %broadcast_in_dim3A_5 : vector<16xi1>, vector<16xi32>
      %add3A_429 = arith.addi %add3A_423, %select_n3A_428 : vector<16xi32>
      %slice3A_430 = vector.extract_strided_slice %get3A_387 {offsets = [7], sizes = [1], strides = [1]} : vector<16xf32> to vector<1xf32>
      %squeeze3A_431 = vector.extract %slice3A_430[0] : f32 from vector<1xf32>
      %broadcast_in_dim3A_432 = vector.broadcast %squeeze3A_431 : f32 to vector<16xf32>
      %lt3A_433 = arith.cmpf olt, %broadcast_in_dim3A_432, %get3A_89 : vector<16xf32>
      %select_n3A_434 = arith.select %lt3A_433, %broadcast_in_dim3A_3, %broadcast_in_dim3A_5 : vector<16xi1>, vector<16xi32>
      %add3A_435 = arith.addi %add3A_429, %select_n3A_434 : vector<16xi32>
      %slice3A_436 = vector.extract_strided_slice %get3A_387 {offsets = [8], sizes = [1], strides = [1]} : vector<16xf32> to vector<1xf32>
      %squeeze3A_437 = vector.extract %slice3A_436[0] : f32 from vector<1xf32>
      %broadcast_in_dim3A_438 = vector.broadcast %squeeze3A_437 : f32 to vector<16xf32>
      %lt3A_439 = arith.cmpf olt, %broadcast_in_dim3A_438, %get3A_89 : vector<16xf32>
      %select_n3A_440 = arith.select %lt3A_439, %broadcast_in_dim3A_3, %broadcast_in_dim3A_5 : vector<16xi1>, vector<16xi32>
      %add3A_441 = arith.addi %add3A_435, %select_n3A_440 : vector<16xi32>
      %slice3A_442 = vector.extract_strided_slice %get3A_387 {offsets = [9], sizes = [1], strides = [1]} : vector<16xf32> to vector<1xf32>
      %squeeze3A_443 = vector.extract %slice3A_442[0] : f32 from vector<1xf32>
      %broadcast_in_dim3A_444 = vector.broadcast %squeeze3A_443 : f32 to vector<16xf32>
      %lt3A_445 = arith.cmpf olt, %broadcast_in_dim3A_444, %get3A_89 : vector<16xf32>
      %select_n3A_446 = arith.select %lt3A_445, %broadcast_in_dim3A_3, %broadcast_in_dim3A_5 : vector<16xi1>, vector<16xi32>
      %add3A_447 = arith.addi %add3A_441, %select_n3A_446 : vector<16xi32>
      %slice3A_448 = vector.extract_strided_slice %get3A_387 {offsets = [10], sizes = [1], strides = [1]} : vector<16xf32> to vector<1xf32>
      %squeeze3A_449 = vector.extract %slice3A_448[0] : f32 from vector<1xf32>
      %broadcast_in_dim3A_450 = vector.broadcast %squeeze3A_449 : f32 to vector<16xf32>
      %lt3A_451 = arith.cmpf olt, %broadcast_in_dim3A_450, %get3A_89 : vector<16xf32>
      %select_n3A_452 = arith.select %lt3A_451, %broadcast_in_dim3A_3, %broadcast_in_dim3A_5 : vector<16xi1>, vector<16xi32>
      %add3A_453 = arith.addi %add3A_447, %select_n3A_452 : vector<16xi32>
      %slice3A_454 = vector.extract_strided_slice %get3A_387 {offsets = [11], sizes = [1], strides = [1]} : vector<16xf32> to vector<1xf32>
      %squeeze3A_455 = vector.extract %slice3A_454[0] : f32 from vector<1xf32>
      %broadcast_in_dim3A_456 = vector.broadcast %squeeze3A_455 : f32 to vector<16xf32>
      %lt3A_457 = arith.cmpf olt, %broadcast_in_dim3A_456, %get3A_89 : vector<16xf32>
      %select_n3A_458 = arith.select %lt3A_457, %broadcast_in_dim3A_3, %broadcast_in_dim3A_5 : vector<16xi1>, vector<16xi32>
      %add3A_459 = arith.addi %add3A_453, %select_n3A_458 : vector<16xi32>
      %slice3A_460 = vector.extract_strided_slice %get3A_387 {offsets = [12], sizes = [1], strides = [1]} : vector<16xf32> to vector<1xf32>
      %squeeze3A_461 = vector.extract %slice3A_460[0] : f32 from vector<1xf32>
      %broadcast_in_dim3A_462 = vector.broadcast %squeeze3A_461 : f32 to vector<16xf32>
      %lt3A_463 = arith.cmpf olt, %broadcast_in_dim3A_462, %get3A_89 : vector<16xf32>
      %select_n3A_464 = arith.select %lt3A_463, %broadcast_in_dim3A_3, %broadcast_in_dim3A_5 : vector<16xi1>, vector<16xi32>
      %add3A_465 = arith.addi %add3A_459, %select_n3A_464 : vector<16xi32>
      %slice3A_466 = vector.extract_strided_slice %get3A_387 {offsets = [13], sizes = [1], strides = [1]} : vector<16xf32> to vector<1xf32>
      %squeeze3A_467 = vector.extract %slice3A_466[0] : f32 from vector<1xf32>
      %broadcast_in_dim3A_468 = vector.broadcast %squeeze3A_467 : f32 to vector<16xf32>
      %lt3A_469 = arith.cmpf olt, %broadcast_in_dim3A_468, %get3A_89 : vector<16xf32>
      %select_n3A_470 = arith.select %lt3A_469, %broadcast_in_dim3A_3, %broadcast_in_dim3A_5 : vector<16xi1>, vector<16xi32>
      %add3A_471 = arith.addi %add3A_465, %select_n3A_470 : vector<16xi32>
      %slice3A_472 = vector.extract_strided_slice %get3A_387 {offsets = [14], sizes = [1], strides = [1]} : vector<16xf32> to vector<1xf32>
      %squeeze3A_473 = vector.extract %slice3A_472[0] : f32 from vector<1xf32>
      %broadcast_in_dim3A_474 = vector.broadcast %squeeze3A_473 : f32 to vector<16xf32>
      %lt3A_475 = arith.cmpf olt, %broadcast_in_dim3A_474, %get3A_89 : vector<16xf32>
      %select_n3A_476 = arith.select %lt3A_475, %broadcast_in_dim3A_3, %broadcast_in_dim3A_5 : vector<16xi1>, vector<16xi32>
      %add3A_477 = arith.addi %add3A_471, %select_n3A_476 : vector<16xi32>
      %slice3A_478 = vector.extract_strided_slice %get3A_387 {offsets = [15], sizes = [1], strides = [1]} : vector<16xf32> to vector<1xf32>
      %squeeze3A_479 = vector.extract %slice3A_478[0] : f32 from vector<1xf32>
      %broadcast_in_dim3A_480 = vector.broadcast %squeeze3A_479 : f32 to vector<16xf32>
      %lt3A_481 = arith.cmpf olt, %broadcast_in_dim3A_480, %get3A_89 : vector<16xf32>
      %select_n3A_482 = arith.select %lt3A_481, %broadcast_in_dim3A_3, %broadcast_in_dim3A_5 : vector<16xi1>, vector<16xi32>
      %add3A_483 = arith.addi %add3A_477, %select_n3A_482 : vector<16xi32>
      %sub3A = arith.subi %add3A_483, %broadcast_in_dim3A_3 : vector<16xi32>
      %max3A = arith.maxsi %sub3A, %broadcast_in_dim3A_5 : vector<16xi32>
      %min3A = arith.minsi %max3A, %broadcast_in_dim3A_7 : vector<16xi32>
      %add3A_484 = arith.addi %min3A, %broadcast_in_dim3A_3 : vector<16xi32>
      %broadcast_in_dim3A_485 = arith.constant 0.000000e+00 : f32
      %broadcast_in_dim3A_486 = vector.broadcast %broadcast_in_dim3A_485 : f32 to vector<16xf32>
      %get3A_487 = arith.constant 0 : index
      %get3A_488 = tpu.vector_load %arg8[%get3A_487] {strides = array<i32>} : memref<64xf32, #tpu.memory_space<vmem>>, vector<16xf32>,
      %get3A_489 = vector.shape_cast %get3A_488 : vector<16xf32> to vector<16xf32>
      %slice3A_490 = vector.extract_strided_slice %get3A_489 {offsets = [0], sizes = [1], strides = [1]} : vector<16xf32> to vector<1xf32>
      %squeeze3A_491 = vector.extract %slice3A_490[0] : f32 from vector<1xf32>
      %broadcast_in_dim3A_492 = vector.broadcast %squeeze3A_491 : f32 to vector<16xf32>
      %broadcast_in_dim3A_493 = arith.constant 0 : i32
      %broadcast_in_dim3A_494 = vector.broadcast %broadcast_in_dim3A_493 : i32 to vector<16xi32>
      %eq3A = arith.cmpi eq, %broadcast_in_dim3A_494, %min3A : vector<16xi32>
      %select_n3A_495 = arith.select %eq3A, %broadcast_in_dim3A_492, %broadcast_in_dim3A_486 : vector<16xi1>, vector<16xf32>
      %eq3A_496 = arith.cmpi eq, %broadcast_in_dim3A_494, %add3A_484 : vector<16xi32>
      %select_n3A_497 = arith.select %eq3A_496, %broadcast_in_dim3A_492, %broadcast_in_dim3A_486 : vector<16xi1>, vector<16xf32>
      %slice3A_498 = vector.extract_strided_slice %get3A_489 {offsets = [1], sizes = [1], strides = [1]} : vector<16xf32> to vector<1xf32>
      %squeeze3A_499 = vector.extract %slice3A_498[0] : f32 from vector<1xf32>
      %broadcast_in_dim3A_500 = vector.broadcast %squeeze3A_499 : f32 to vector<16xf32>
      %broadcast_in_dim3A_501 = arith.constant 1 : i32
      %broadcast_in_dim3A_502 = vector.broadcast %broadcast_in_dim3A_501 : i32 to vector<16xi32>
      %eq3A_503 = arith.cmpi eq, %broadcast_in_dim3A_502, %min3A : vector<16xi32>
      %select_n3A_504 = arith.select %eq3A_503, %broadcast_in_dim3A_500, %select_n3A_495 : vector<16xi1>, vector<16xf32>
      %eq3A_505 = arith.cmpi eq, %broadcast_in_dim3A_502, %add3A_484 : vector<16xi32>
      %select_n3A_506 = arith.select %eq3A_505, %broadcast_in_dim3A_500, %select_n3A_497 : vector<16xi1>, vector<16xf32>
      %slice3A_507 = vector.extract_strided_slice %get3A_489 {offsets = [2], sizes = [1], strides = [1]} : vector<16xf32> to vector<1xf32>
      %squeeze3A_508 = vector.extract %slice3A_507[0] : f32 from vector<1xf32>
      %broadcast_in_dim3A_509 = vector.broadcast %squeeze3A_508 : f32 to vector<16xf32>
      %broadcast_in_dim3A_510 = arith.constant 2 : i32
      %broadcast_in_dim3A_511 = vector.broadcast %broadcast_in_dim3A_510 : i32 to vector<16xi32>
      %eq3A_512 = arith.cmpi eq, %broadcast_in_dim3A_511, %min3A : vector<16xi32>
      %select_n3A_513 = arith.select %eq3A_512, %broadcast_in_dim3A_509, %select_n3A_504 : vector<16xi1>, vector<16xf32>
      %eq3A_514 = arith.cmpi eq, %broadcast_in_dim3A_511, %add3A_484 : vector<16xi32>
      %select_n3A_515 = arith.select %eq3A_514, %broadcast_in_dim3A_509, %select_n3A_506 : vector<16xi1>, vector<16xf32>
      %slice3A_516 = vector.extract_strided_slice %get3A_489 {offsets = [3], sizes = [1], strides = [1]} : vector<16xf32> to vector<1xf32>
      %squeeze3A_517 = vector.extract %slice3A_516[0] : f32 from vector<1xf32>
      %broadcast_in_dim3A_518 = vector.broadcast %squeeze3A_517 : f32 to vector<16xf32>
      %broadcast_in_dim3A_519 = arith.constant 3 : i32
      %broadcast_in_dim3A_520 = vector.broadcast %broadcast_in_dim3A_519 : i32 to vector<16xi32>
      %eq3A_521 = arith.cmpi eq, %broadcast_in_dim3A_520, %min3A : vector<16xi32>
      %select_n3A_522 = arith.select %eq3A_521, %broadcast_in_dim3A_518, %select_n3A_513 : vector<16xi1>, vector<16xf32>
      %eq3A_523 = arith.cmpi eq, %broadcast_in_dim3A_520, %add3A_484 : vector<16xi32>
      %select_n3A_524 = arith.select %eq3A_523, %broadcast_in_dim3A_518, %select_n3A_515 : vector<16xi1>, vector<16xf32>
      %slice3A_525 = vector.extract_strided_slice %get3A_489 {offsets = [4], sizes = [1], strides = [1]} : vector<16xf32> to vector<1xf32>
      %squeeze3A_526 = vector.extract %slice3A_525[0] : f32 from vector<1xf32>
      %broadcast_in_dim3A_527 = vector.broadcast %squeeze3A_526 : f32 to vector<16xf32>
      %broadcast_in_dim3A_528 = arith.constant 4 : i32
      %broadcast_in_dim3A_529 = vector.broadcast %broadcast_in_dim3A_528 : i32 to vector<16xi32>
      %eq3A_530 = arith.cmpi eq, %broadcast_in_dim3A_529, %min3A : vector<16xi32>
      %select_n3A_531 = arith.select %eq3A_530, %broadcast_in_dim3A_527, %select_n3A_522 : vector<16xi1>, vector<16xf32>
      %eq3A_532 = arith.cmpi eq, %broadcast_in_dim3A_529, %add3A_484 : vector<16xi32>
      %select_n3A_533 = arith.select %eq3A_532, %broadcast_in_dim3A_527, %select_n3A_524 : vector<16xi1>, vector<16xf32>
      %slice3A_534 = vector.extract_strided_slice %get3A_489 {offsets = [5], sizes = [1], strides = [1]} : vector<16xf32> to vector<1xf32>
      %squeeze3A_535 = vector.extract %slice3A_534[0] : f32 from vector<1xf32>
      %broadcast_in_dim3A_536 = vector.broadcast %squeeze3A_535 : f32 to vector<16xf32>
      %broadcast_in_dim3A_537 = arith.constant 5 : i32
      %broadcast_in_dim3A_538 = vector.broadcast %broadcast_in_dim3A_537 : i32 to vector<16xi32>
      %eq3A_539 = arith.cmpi eq, %broadcast_in_dim3A_538, %min3A : vector<16xi32>
      %select_n3A_540 = arith.select %eq3A_539, %broadcast_in_dim3A_536, %select_n3A_531 : vector<16xi1>, vector<16xf32>
      %eq3A_541 = arith.cmpi eq, %broadcast_in_dim3A_538, %add3A_484 : vector<16xi32>
      %select_n3A_542 = arith.select %eq3A_541, %broadcast_in_dim3A_536, %select_n3A_533 : vector<16xi1>, vector<16xf32>
      %slice3A_543 = vector.extract_strided_slice %get3A_489 {offsets = [6], sizes = [1], strides = [1]} : vector<16xf32> to vector<1xf32>
      %squeeze3A_544 = vector.extract %slice3A_543[0] : f32 from vector<1xf32>
      %broadcast_in_dim3A_545 = vector.broadcast %squeeze3A_544 : f32 to vector<16xf32>
      %broadcast_in_dim3A_546 = arith.constant 6 : i32
      %broadcast_in_dim3A_547 = vector.broadcast %broadcast_in_dim3A_546 : i32 to vector<16xi32>
      %eq3A_548 = arith.cmpi eq, %broadcast_in_dim3A_547, %min3A : vector<16xi32>
      %select_n3A_549 = arith.select %eq3A_548, %broadcast_in_dim3A_545, %select_n3A_540 : vector<16xi1>, vector<16xf32>
      %eq3A_550 = arith.cmpi eq, %broadcast_in_dim3A_547, %add3A_484 : vector<16xi32>
      %select_n3A_551 = arith.select %eq3A_550, %broadcast_in_dim3A_545, %select_n3A_542 : vector<16xi1>, vector<16xf32>
      %slice3A_552 = vector.extract_strided_slice %get3A_489 {offsets = [7], sizes = [1], strides = [1]} : vector<16xf32> to vector<1xf32>
      %squeeze3A_553 = vector.extract %slice3A_552[0] : f32 from vector<1xf32>
      %broadcast_in_dim3A_554 = vector.broadcast %squeeze3A_553 : f32 to vector<16xf32>
      %broadcast_in_dim3A_555 = arith.constant 7 : i32
      %broadcast_in_dim3A_556 = vector.broadcast %broadcast_in_dim3A_555 : i32 to vector<16xi32>
      %eq3A_557 = arith.cmpi eq, %broadcast_in_dim3A_556, %min3A : vector<16xi32>
      %select_n3A_558 = arith.select %eq3A_557, %broadcast_in_dim3A_554, %select_n3A_549 : vector<16xi1>, vector<16xf32>
      %eq3A_559 = arith.cmpi eq, %broadcast_in_dim3A_556, %add3A_484 : vector<16xi32>
      %select_n3A_560 = arith.select %eq3A_559, %broadcast_in_dim3A_554, %select_n3A_551 : vector<16xi1>, vector<16xf32>
      %slice3A_561 = vector.extract_strided_slice %get3A_489 {offsets = [8], sizes = [1], strides = [1]} : vector<16xf32> to vector<1xf32>
      %squeeze3A_562 = vector.extract %slice3A_561[0] : f32 from vector<1xf32>
      %broadcast_in_dim3A_563 = vector.broadcast %squeeze3A_562 : f32 to vector<16xf32>
      %broadcast_in_dim3A_564 = arith.constant 8 : i32
      %broadcast_in_dim3A_565 = vector.broadcast %broadcast_in_dim3A_564 : i32 to vector<16xi32>
      %eq3A_566 = arith.cmpi eq, %broadcast_in_dim3A_565, %min3A : vector<16xi32>
      %select_n3A_567 = arith.select %eq3A_566, %broadcast_in_dim3A_563, %select_n3A_558 : vector<16xi1>, vector<16xf32>
      %eq3A_568 = arith.cmpi eq, %broadcast_in_dim3A_565, %add3A_484 : vector<16xi32>
      %select_n3A_569 = arith.select %eq3A_568, %broadcast_in_dim3A_563, %select_n3A_560 : vector<16xi1>, vector<16xf32>
      %slice3A_570 = vector.extract_strided_slice %get3A_489 {offsets = [9], sizes = [1], strides = [1]} : vector<16xf32> to vector<1xf32>
      %squeeze3A_571 = vector.extract %slice3A_570[0] : f32 from vector<1xf32>
      %broadcast_in_dim3A_572 = vector.broadcast %squeeze3A_571 : f32 to vector<16xf32>
      %broadcast_in_dim3A_573 = arith.constant 9 : i32
      %broadcast_in_dim3A_574 = vector.broadcast %broadcast_in_dim3A_573 : i32 to vector<16xi32>
      %eq3A_575 = arith.cmpi eq, %broadcast_in_dim3A_574, %min3A : vector<16xi32>
      %select_n3A_576 = arith.select %eq3A_575, %broadcast_in_dim3A_572, %select_n3A_567 : vector<16xi1>, vector<16xf32>
      %eq3A_577 = arith.cmpi eq, %broadcast_in_dim3A_574, %add3A_484 : vector<16xi32>
      %select_n3A_578 = arith.select %eq3A_577, %broadcast_in_dim3A_572, %select_n3A_569 : vector<16xi1>, vector<16xf32>
      %slice3A_579 = vector.extract_strided_slice %get3A_489 {offsets = [10], sizes = [1], strides = [1]} : vector<16xf32> to vector<1xf32>
      %squeeze3A_580 = vector.extract %slice3A_579[0] : f32 from vector<1xf32>
      %broadcast_in_dim3A_581 = vector.broadcast %squeeze3A_580 : f32 to vector<16xf32>
      %broadcast_in_dim3A_582 = arith.constant 10 : i32
      %broadcast_in_dim3A_583 = vector.broadcast %broadcast_in_dim3A_582 : i32 to vector<16xi32>
      %eq3A_584 = arith.cmpi eq, %broadcast_in_dim3A_583, %min3A : vector<16xi32>
      %select_n3A_585 = arith.select %eq3A_584, %broadcast_in_dim3A_581, %select_n3A_576 : vector<16xi1>, vector<16xf32>
      %eq3A_586 = arith.cmpi eq, %broadcast_in_dim3A_583, %add3A_484 : vector<16xi32>
      %select_n3A_587 = arith.select %eq3A_586, %broadcast_in_dim3A_581, %select_n3A_578 : vector<16xi1>, vector<16xf32>
      %slice3A_588 = vector.extract_strided_slice %get3A_489 {offsets = [11], sizes = [1], strides = [1]} : vector<16xf32> to vector<1xf32>
      %squeeze3A_589 = vector.extract %slice3A_588[0] : f32 from vector<1xf32>
      %broadcast_in_dim3A_590 = vector.broadcast %squeeze3A_589 : f32 to vector<16xf32>
      %broadcast_in_dim3A_591 = arith.constant 11 : i32
      %broadcast_in_dim3A_592 = vector.broadcast %broadcast_in_dim3A_591 : i32 to vector<16xi32>
      %eq3A_593 = arith.cmpi eq, %broadcast_in_dim3A_592, %min3A : vector<16xi32>
      %select_n3A_594 = arith.select %eq3A_593, %broadcast_in_dim3A_590, %select_n3A_585 : vector<16xi1>, vector<16xf32>
      %eq3A_595 = arith.cmpi eq, %broadcast_in_dim3A_592, %add3A_484 : vector<16xi32>
      %select_n3A_596 = arith.select %eq3A_595, %broadcast_in_dim3A_590, %select_n3A_587 : vector<16xi1>, vector<16xf32>
      %slice3A_597 = vector.extract_strided_slice %get3A_489 {offsets = [12], sizes = [1], strides = [1]} : vector<16xf32> to vector<1xf32>
      %squeeze3A_598 = vector.extract %slice3A_597[0] : f32 from vector<1xf32>
      %broadcast_in_dim3A_599 = vector.broadcast %squeeze3A_598 : f32 to vector<16xf32>
      %broadcast_in_dim3A_600 = arith.constant 12 : i32
      %broadcast_in_dim3A_601 = vector.broadcast %broadcast_in_dim3A_600 : i32 to vector<16xi32>
      %eq3A_602 = arith.cmpi eq, %broadcast_in_dim3A_601, %min3A : vector<16xi32>
      %select_n3A_603 = arith.select %eq3A_602, %broadcast_in_dim3A_599, %select_n3A_594 : vector<16xi1>, vector<16xf32>
      %eq3A_604 = arith.cmpi eq, %broadcast_in_dim3A_601, %add3A_484 : vector<16xi32>
      %select_n3A_605 = arith.select %eq3A_604, %broadcast_in_dim3A_599, %select_n3A_596 : vector<16xi1>, vector<16xf32>
      %slice3A_606 = vector.extract_strided_slice %get3A_489 {offsets = [13], sizes = [1], strides = [1]} : vector<16xf32> to vector<1xf32>
      %squeeze3A_607 = vector.extract %slice3A_606[0] : f32 from vector<1xf32>
      %broadcast_in_dim3A_608 = vector.broadcast %squeeze3A_607 : f32 to vector<16xf32>
      %broadcast_in_dim3A_609 = arith.constant 13 : i32
      %broadcast_in_dim3A_610 = vector.broadcast %broadcast_in_dim3A_609 : i32 to vector<16xi32>
      %eq3A_611 = arith.cmpi eq, %broadcast_in_dim3A_610, %min3A : vector<16xi32>
      %select_n3A_612 = arith.select %eq3A_611, %broadcast_in_dim3A_608, %select_n3A_603 : vector<16xi1>, vector<16xf32>
      %eq3A_613 = arith.cmpi eq, %broadcast_in_dim3A_610, %add3A_484 : vector<16xi32>
      %select_n3A_614 = arith.select %eq3A_613, %broadcast_in_dim3A_608, %select_n3A_605 : vector<16xi1>, vector<16xf32>
      %slice3A_615 = vector.extract_strided_slice %get3A_489 {offsets = [14], sizes = [1], strides = [1]} : vector<16xf32> to vector<1xf32>
      %squeeze3A_616 = vector.extract %slice3A_615[0] : f32 from vector<1xf32>
      %broadcast_in_dim3A_617 = vector.broadcast %squeeze3A_616 : f32 to vector<16xf32>
      %broadcast_in_dim3A_618 = arith.constant 14 : i32
      %broadcast_in_dim3A_619 = vector.broadcast %broadcast_in_dim3A_618 : i32 to vector<16xi32>
      %eq3A_620 = arith.cmpi eq, %broadcast_in_dim3A_619, %min3A : vector<16xi32>
      %select_n3A_621 = arith.select %eq3A_620, %broadcast_in_dim3A_617, %select_n3A_612 : vector<16xi1>, vector<16xf32>
      %eq3A_622 = arith.cmpi eq, %broadcast_in_dim3A_619, %add3A_484 : vector<16xi32>
      %select_n3A_623 = arith.select %eq3A_622, %broadcast_in_dim3A_617, %select_n3A_614 : vector<16xi1>, vector<16xf32>
      %slice3A_624 = vector.extract_strided_slice %get3A_489 {offsets = [15], sizes = [1], strides = [1]} : vector<16xf32> to vector<1xf32>
      %squeeze3A_625 = vector.extract %slice3A_624[0] : f32 from vector<1xf32>
      %broadcast_in_dim3A_626 = vector.broadcast %squeeze3A_625 : f32 to vector<16xf32>
      %broadcast_in_dim3A_627 = arith.constant 15 : i32
      %broadcast_in_dim3A_628 = vector.broadcast %broadcast_in_dim3A_627 : i32 to vector<16xi32>
      %eq3A_629 = arith.cmpi eq, %broadcast_in_dim3A_628, %min3A : vector<16xi32>
      %select_n3A_630 = arith.select %eq3A_629, %broadcast_in_dim3A_626, %select_n3A_621 : vector<16xi1>, vector<16xf32>
      %eq3A_631 = arith.cmpi eq, %broadcast_in_dim3A_628, %add3A_484 : vector<16xi32>
      %select_n3A_632 = arith.select %eq3A_631, %broadcast_in_dim3A_626, %select_n3A_623 : vector<16xi1>, vector<16xf32>
      %get3A_633 = arith.constant 16 : index
      %get3A_634 = tpu.vector_load %arg8[%get3A_633] {strides = array<i32>} : memref<64xf32, #tpu.memory_space<vmem>>, vector<16xf32>,
      %get3A_635 = vector.shape_cast %get3A_634 : vector<16xf32> to vector<16xf32>
      %slice3A_636 = vector.extract_strided_slice %get3A_635 {offsets = [0], sizes = [1], strides = [1]} : vector<16xf32> to vector<1xf32>
      %squeeze3A_637 = vector.extract %slice3A_636[0] : f32 from vector<1xf32>
      %broadcast_in_dim3A_638 = vector.broadcast %squeeze3A_637 : f32 to vector<16xf32>
      %broadcast_in_dim3A_639 = arith.constant 16 : i32
      %broadcast_in_dim3A_640 = vector.broadcast %broadcast_in_dim3A_639 : i32 to vector<16xi32>
      %eq3A_641 = arith.cmpi eq, %broadcast_in_dim3A_640, %min3A : vector<16xi32>
      %select_n3A_642 = arith.select %eq3A_641, %broadcast_in_dim3A_638, %select_n3A_630 : vector<16xi1>, vector<16xf32>
      %eq3A_643 = arith.cmpi eq, %broadcast_in_dim3A_640, %add3A_484 : vector<16xi32>
      %select_n3A_644 = arith.select %eq3A_643, %broadcast_in_dim3A_638, %select_n3A_632 : vector<16xi1>, vector<16xf32>
      %slice3A_645 = vector.extract_strided_slice %get3A_635 {offsets = [1], sizes = [1], strides = [1]} : vector<16xf32> to vector<1xf32>
      %squeeze3A_646 = vector.extract %slice3A_645[0] : f32 from vector<1xf32>
      %broadcast_in_dim3A_647 = vector.broadcast %squeeze3A_646 : f32 to vector<16xf32>
      %broadcast_in_dim3A_648 = arith.constant 17 : i32
      %broadcast_in_dim3A_649 = vector.broadcast %broadcast_in_dim3A_648 : i32 to vector<16xi32>
      %eq3A_650 = arith.cmpi eq, %broadcast_in_dim3A_649, %min3A : vector<16xi32>
      %select_n3A_651 = arith.select %eq3A_650, %broadcast_in_dim3A_647, %select_n3A_642 : vector<16xi1>, vector<16xf32>
      %eq3A_652 = arith.cmpi eq, %broadcast_in_dim3A_649, %add3A_484 : vector<16xi32>
      %select_n3A_653 = arith.select %eq3A_652, %broadcast_in_dim3A_647, %select_n3A_644 : vector<16xi1>, vector<16xf32>
      %slice3A_654 = vector.extract_strided_slice %get3A_635 {offsets = [2], sizes = [1], strides = [1]} : vector<16xf32> to vector<1xf32>
      %squeeze3A_655 = vector.extract %slice3A_654[0] : f32 from vector<1xf32>
      %broadcast_in_dim3A_656 = vector.broadcast %squeeze3A_655 : f32 to vector<16xf32>
      %broadcast_in_dim3A_657 = arith.constant 18 : i32
      %broadcast_in_dim3A_658 = vector.broadcast %broadcast_in_dim3A_657 : i32 to vector<16xi32>
      %eq3A_659 = arith.cmpi eq, %broadcast_in_dim3A_658, %min3A : vector<16xi32>
      %select_n3A_660 = arith.select %eq3A_659, %broadcast_in_dim3A_656, %select_n3A_651 : vector<16xi1>, vector<16xf32>
      %eq3A_661 = arith.cmpi eq, %broadcast_in_dim3A_658, %add3A_484 : vector<16xi32>
      %select_n3A_662 = arith.select %eq3A_661, %broadcast_in_dim3A_656, %select_n3A_653 : vector<16xi1>, vector<16xf32>
      %slice3A_663 = vector.extract_strided_slice %get3A_635 {offsets = [3], sizes = [1], strides = [1]} : vector<16xf32> to vector<1xf32>
      %squeeze3A_664 = vector.extract %slice3A_663[0] : f32 from vector<1xf32>
      %broadcast_in_dim3A_665 = vector.broadcast %squeeze3A_664 : f32 to vector<16xf32>
      %broadcast_in_dim3A_666 = arith.constant 19 : i32
      %broadcast_in_dim3A_667 = vector.broadcast %broadcast_in_dim3A_666 : i32 to vector<16xi32>
      %eq3A_668 = arith.cmpi eq, %broadcast_in_dim3A_667, %min3A : vector<16xi32>
      %select_n3A_669 = arith.select %eq3A_668, %broadcast_in_dim3A_665, %select_n3A_660 : vector<16xi1>, vector<16xf32>
      %eq3A_670 = arith.cmpi eq, %broadcast_in_dim3A_667, %add3A_484 : vector<16xi32>
      %select_n3A_671 = arith.select %eq3A_670, %broadcast_in_dim3A_665, %select_n3A_662 : vector<16xi1>, vector<16xf32>
      %slice3A_672 = vector.extract_strided_slice %get3A_635 {offsets = [4], sizes = [1], strides = [1]} : vector<16xf32> to vector<1xf32>
      %squeeze3A_673 = vector.extract %slice3A_672[0] : f32 from vector<1xf32>
      %broadcast_in_dim3A_674 = vector.broadcast %squeeze3A_673 : f32 to vector<16xf32>
      %broadcast_in_dim3A_675 = arith.constant 20 : i32
      %broadcast_in_dim3A_676 = vector.broadcast %broadcast_in_dim3A_675 : i32 to vector<16xi32>
      %eq3A_677 = arith.cmpi eq, %broadcast_in_dim3A_676, %min3A : vector<16xi32>
      %select_n3A_678 = arith.select %eq3A_677, %broadcast_in_dim3A_674, %select_n3A_669 : vector<16xi1>, vector<16xf32>
      %eq3A_679 = arith.cmpi eq, %broadcast_in_dim3A_676, %add3A_484 : vector<16xi32>
      %select_n3A_680 = arith.select %eq3A_679, %broadcast_in_dim3A_674, %select_n3A_671 : vector<16xi1>, vector<16xf32>
      %slice3A_681 = vector.extract_strided_slice %get3A_635 {offsets = [5], sizes = [1], strides = [1]} : vector<16xf32> to vector<1xf32>
      %squeeze3A_682 = vector.extract %slice3A_681[0] : f32 from vector<1xf32>
      %broadcast_in_dim3A_683 = vector.broadcast %squeeze3A_682 : f32 to vector<16xf32>
      %broadcast_in_dim3A_684 = arith.constant 21 : i32
      %broadcast_in_dim3A_685 = vector.broadcast %broadcast_in_dim3A_684 : i32 to vector<16xi32>
      %eq3A_686 = arith.cmpi eq, %broadcast_in_dim3A_685, %min3A : vector<16xi32>
      %select_n3A_687 = arith.select %eq3A_686, %broadcast_in_dim3A_683, %select_n3A_678 : vector<16xi1>, vector<16xf32>
      %eq3A_688 = arith.cmpi eq, %broadcast_in_dim3A_685, %add3A_484 : vector<16xi32>
      %select_n3A_689 = arith.select %eq3A_688, %broadcast_in_dim3A_683, %select_n3A_680 : vector<16xi1>, vector<16xf32>
      %slice3A_690 = vector.extract_strided_slice %get3A_635 {offsets = [6], sizes = [1], strides = [1]} : vector<16xf32> to vector<1xf32>
      %squeeze3A_691 = vector.extract %slice3A_690[0] : f32 from vector<1xf32>
      %broadcast_in_dim3A_692 = vector.broadcast %squeeze3A_691 : f32 to vector<16xf32>
      %broadcast_in_dim3A_693 = arith.constant 22 : i32
      %broadcast_in_dim3A_694 = vector.broadcast %broadcast_in_dim3A_693 : i32 to vector<16xi32>
      %eq3A_695 = arith.cmpi eq, %broadcast_in_dim3A_694, %min3A : vector<16xi32>
      %select_n3A_696 = arith.select %eq3A_695, %broadcast_in_dim3A_692, %select_n3A_687 : vector<16xi1>, vector<16xf32>
      %eq3A_697 = arith.cmpi eq, %broadcast_in_dim3A_694, %add3A_484 : vector<16xi32>
      %select_n3A_698 = arith.select %eq3A_697, %broadcast_in_dim3A_692, %select_n3A_689 : vector<16xi1>, vector<16xf32>
      %slice3A_699 = vector.extract_strided_slice %get3A_635 {offsets = [7], sizes = [1], strides = [1]} : vector<16xf32> to vector<1xf32>
      %squeeze3A_700 = vector.extract %slice3A_699[0] : f32 from vector<1xf32>
      %broadcast_in_dim3A_701 = vector.broadcast %squeeze3A_700 : f32 to vector<16xf32>
      %broadcast_in_dim3A_702 = arith.constant 23 : i32
      %broadcast_in_dim3A_703 = vector.broadcast %broadcast_in_dim3A_702 : i32 to vector<16xi32>
      %eq3A_704 = arith.cmpi eq, %broadcast_in_dim3A_703, %min3A : vector<16xi32>
      %select_n3A_705 = arith.select %eq3A_704, %broadcast_in_dim3A_701, %select_n3A_696 : vector<16xi1>, vector<16xf32>
      %eq3A_706 = arith.cmpi eq, %broadcast_in_dim3A_703, %add3A_484 : vector<16xi32>
      %select_n3A_707 = arith.select %eq3A_706, %broadcast_in_dim3A_701, %select_n3A_698 : vector<16xi1>, vector<16xf32>
      %slice3A_708 = vector.extract_strided_slice %get3A_635 {offsets = [8], sizes = [1], strides = [1]} : vector<16xf32> to vector<1xf32>
      %squeeze3A_709 = vector.extract %slice3A_708[0] : f32 from vector<1xf32>
      %broadcast_in_dim3A_710 = vector.broadcast %squeeze3A_709 : f32 to vector<16xf32>
      %broadcast_in_dim3A_711 = arith.constant 24 : i32
      %broadcast_in_dim3A_712 = vector.broadcast %broadcast_in_dim3A_711 : i32 to vector<16xi32>
      %eq3A_713 = arith.cmpi eq, %broadcast_in_dim3A_712, %min3A : vector<16xi32>
      %select_n3A_714 = arith.select %eq3A_713, %broadcast_in_dim3A_710, %select_n3A_705 : vector<16xi1>, vector<16xf32>
      %eq3A_715 = arith.cmpi eq, %broadcast_in_dim3A_712, %add3A_484 : vector<16xi32>
      %select_n3A_716 = arith.select %eq3A_715, %broadcast_in_dim3A_710, %select_n3A_707 : vector<16xi1>, vector<16xf32>
      %slice3A_717 = vector.extract_strided_slice %get3A_635 {offsets = [9], sizes = [1], strides = [1]} : vector<16xf32> to vector<1xf32>
      %squeeze3A_718 = vector.extract %slice3A_717[0] : f32 from vector<1xf32>
      %broadcast_in_dim3A_719 = vector.broadcast %squeeze3A_718 : f32 to vector<16xf32>
      %broadcast_in_dim3A_720 = arith.constant 25 : i32
      %broadcast_in_dim3A_721 = vector.broadcast %broadcast_in_dim3A_720 : i32 to vector<16xi32>
      %eq3A_722 = arith.cmpi eq, %broadcast_in_dim3A_721, %min3A : vector<16xi32>
      %select_n3A_723 = arith.select %eq3A_722, %broadcast_in_dim3A_719, %select_n3A_714 : vector<16xi1>, vector<16xf32>
      %eq3A_724 = arith.cmpi eq, %broadcast_in_dim3A_721, %add3A_484 : vector<16xi32>
      %select_n3A_725 = arith.select %eq3A_724, %broadcast_in_dim3A_719, %select_n3A_716 : vector<16xi1>, vector<16xf32>
      %slice3A_726 = vector.extract_strided_slice %get3A_635 {offsets = [10], sizes = [1], strides = [1]} : vector<16xf32> to vector<1xf32>
      %squeeze3A_727 = vector.extract %slice3A_726[0] : f32 from vector<1xf32>
      %broadcast_in_dim3A_728 = vector.broadcast %squeeze3A_727 : f32 to vector<16xf32>
      %broadcast_in_dim3A_729 = arith.constant 26 : i32
      %broadcast_in_dim3A_730 = vector.broadcast %broadcast_in_dim3A_729 : i32 to vector<16xi32>
      %eq3A_731 = arith.cmpi eq, %broadcast_in_dim3A_730, %min3A : vector<16xi32>
      %select_n3A_732 = arith.select %eq3A_731, %broadcast_in_dim3A_728, %select_n3A_723 : vector<16xi1>, vector<16xf32>
      %eq3A_733 = arith.cmpi eq, %broadcast_in_dim3A_730, %add3A_484 : vector<16xi32>
      %select_n3A_734 = arith.select %eq3A_733, %broadcast_in_dim3A_728, %select_n3A_725 : vector<16xi1>, vector<16xf32>
      %slice3A_735 = vector.extract_strided_slice %get3A_635 {offsets = [11], sizes = [1], strides = [1]} : vector<16xf32> to vector<1xf32>
      %squeeze3A_736 = vector.extract %slice3A_735[0] : f32 from vector<1xf32>
      %broadcast_in_dim3A_737 = vector.broadcast %squeeze3A_736 : f32 to vector<16xf32>
      %broadcast_in_dim3A_738 = arith.constant 27 : i32
      %broadcast_in_dim3A_739 = vector.broadcast %broadcast_in_dim3A_738 : i32 to vector<16xi32>
      %eq3A_740 = arith.cmpi eq, %broadcast_in_dim3A_739, %min3A : vector<16xi32>
      %select_n3A_741 = arith.select %eq3A_740, %broadcast_in_dim3A_737, %select_n3A_732 : vector<16xi1>, vector<16xf32>
      %eq3A_742 = arith.cmpi eq, %broadcast_in_dim3A_739, %add3A_484 : vector<16xi32>
      %select_n3A_743 = arith.select %eq3A_742, %broadcast_in_dim3A_737, %select_n3A_734 : vector<16xi1>, vector<16xf32>
      %slice3A_744 = vector.extract_strided_slice %get3A_635 {offsets = [12], sizes = [1], strides = [1]} : vector<16xf32> to vector<1xf32>
      %squeeze3A_745 = vector.extract %slice3A_744[0] : f32 from vector<1xf32>
      %broadcast_in_dim3A_746 = vector.broadcast %squeeze3A_745 : f32 to vector<16xf32>
      %broadcast_in_dim3A_747 = arith.constant 28 : i32
      %broadcast_in_dim3A_748 = vector.broadcast %broadcast_in_dim3A_747 : i32 to vector<16xi32>
      %eq3A_749 = arith.cmpi eq, %broadcast_in_dim3A_748, %min3A : vector<16xi32>
      %select_n3A_750 = arith.select %eq3A_749, %broadcast_in_dim3A_746, %select_n3A_741 : vector<16xi1>, vector<16xf32>
      %eq3A_751 = arith.cmpi eq, %broadcast_in_dim3A_748, %add3A_484 : vector<16xi32>
      %select_n3A_752 = arith.select %eq3A_751, %broadcast_in_dim3A_746, %select_n3A_743 : vector<16xi1>, vector<16xf32>
      %slice3A_753 = vector.extract_strided_slice %get3A_635 {offsets = [13], sizes = [1], strides = [1]} : vector<16xf32> to vector<1xf32>
      %squeeze3A_754 = vector.extract %slice3A_753[0] : f32 from vector<1xf32>
      %broadcast_in_dim3A_755 = vector.broadcast %squeeze3A_754 : f32 to vector<16xf32>
      %broadcast_in_dim3A_756 = arith.constant 29 : i32
      %broadcast_in_dim3A_757 = vector.broadcast %broadcast_in_dim3A_756 : i32 to vector<16xi32>
      %eq3A_758 = arith.cmpi eq, %broadcast_in_dim3A_757, %min3A : vector<16xi32>
      %select_n3A_759 = arith.select %eq3A_758, %broadcast_in_dim3A_755, %select_n3A_750 : vector<16xi1>, vector<16xf32>
      %eq3A_760 = arith.cmpi eq, %broadcast_in_dim3A_757, %add3A_484 : vector<16xi32>
      %select_n3A_761 = arith.select %eq3A_760, %broadcast_in_dim3A_755, %select_n3A_752 : vector<16xi1>, vector<16xf32>
      %slice3A_762 = vector.extract_strided_slice %get3A_635 {offsets = [14], sizes = [1], strides = [1]} : vector<16xf32> to vector<1xf32>
      %squeeze3A_763 = vector.extract %slice3A_762[0] : f32 from vector<1xf32>
      %broadcast_in_dim3A_764 = vector.broadcast %squeeze3A_763 : f32 to vector<16xf32>
      %broadcast_in_dim3A_765 = arith.constant 30 : i32
      %broadcast_in_dim3A_766 = vector.broadcast %broadcast_in_dim3A_765 : i32 to vector<16xi32>
      %eq3A_767 = arith.cmpi eq, %broadcast_in_dim3A_766, %min3A : vector<16xi32>
      %select_n3A_768 = arith.select %eq3A_767, %broadcast_in_dim3A_764, %select_n3A_759 : vector<16xi1>, vector<16xf32>
      %eq3A_769 = arith.cmpi eq, %broadcast_in_dim3A_766, %add3A_484 : vector<16xi32>
      %select_n3A_770 = arith.select %eq3A_769, %broadcast_in_dim3A_764, %select_n3A_761 : vector<16xi1>, vector<16xf32>
      %slice3A_771 = vector.extract_strided_slice %get3A_635 {offsets = [15], sizes = [1], strides = [1]} : vector<16xf32> to vector<1xf32>
      %squeeze3A_772 = vector.extract %slice3A_771[0] : f32 from vector<1xf32>
      %broadcast_in_dim3A_773 = vector.broadcast %squeeze3A_772 : f32 to vector<16xf32>
      %broadcast_in_dim3A_774 = arith.constant 31 : i32
      %broadcast_in_dim3A_775 = vector.broadcast %broadcast_in_dim3A_774 : i32 to vector<16xi32>
      %eq3A_776 = arith.cmpi eq, %broadcast_in_dim3A_775, %min3A : vector<16xi32>
      %select_n3A_777 = arith.select %eq3A_776, %broadcast_in_dim3A_773, %select_n3A_768 : vector<16xi1>, vector<16xf32>
      %eq3A_778 = arith.cmpi eq, %broadcast_in_dim3A_775, %add3A_484 : vector<16xi32>
      %select_n3A_779 = arith.select %eq3A_778, %broadcast_in_dim3A_773, %select_n3A_770 : vector<16xi1>, vector<16xf32>
      %get3A_780 = arith.constant 32 : index
      %get3A_781 = tpu.vector_load %arg8[%get3A_780] {strides = array<i32>} : memref<64xf32, #tpu.memory_space<vmem>>, vector<16xf32>,
      %get3A_782 = vector.shape_cast %get3A_781 : vector<16xf32> to vector<16xf32>
      %slice3A_783 = vector.extract_strided_slice %get3A_782 {offsets = [0], sizes = [1], strides = [1]} : vector<16xf32> to vector<1xf32>
      %squeeze3A_784 = vector.extract %slice3A_783[0] : f32 from vector<1xf32>
      %broadcast_in_dim3A_785 = vector.broadcast %squeeze3A_784 : f32 to vector<16xf32>
      %broadcast_in_dim3A_786 = arith.constant 32 : i32
      %broadcast_in_dim3A_787 = vector.broadcast %broadcast_in_dim3A_786 : i32 to vector<16xi32>
      %eq3A_788 = arith.cmpi eq, %broadcast_in_dim3A_787, %min3A : vector<16xi32>
      %select_n3A_789 = arith.select %eq3A_788, %broadcast_in_dim3A_785, %select_n3A_777 : vector<16xi1>, vector<16xf32>
      %eq3A_790 = arith.cmpi eq, %broadcast_in_dim3A_787, %add3A_484 : vector<16xi32>
      %select_n3A_791 = arith.select %eq3A_790, %broadcast_in_dim3A_785, %select_n3A_779 : vector<16xi1>, vector<16xf32>
      %slice3A_792 = vector.extract_strided_slice %get3A_782 {offsets = [1], sizes = [1], strides = [1]} : vector<16xf32> to vector<1xf32>
      %squeeze3A_793 = vector.extract %slice3A_792[0] : f32 from vector<1xf32>
      %broadcast_in_dim3A_794 = vector.broadcast %squeeze3A_793 : f32 to vector<16xf32>
      %broadcast_in_dim3A_795 = arith.constant 33 : i32
      %broadcast_in_dim3A_796 = vector.broadcast %broadcast_in_dim3A_795 : i32 to vector<16xi32>
      %eq3A_797 = arith.cmpi eq, %broadcast_in_dim3A_796, %min3A : vector<16xi32>
      %select_n3A_798 = arith.select %eq3A_797, %broadcast_in_dim3A_794, %select_n3A_789 : vector<16xi1>, vector<16xf32>
      %eq3A_799 = arith.cmpi eq, %broadcast_in_dim3A_796, %add3A_484 : vector<16xi32>
      %select_n3A_800 = arith.select %eq3A_799, %broadcast_in_dim3A_794, %select_n3A_791 : vector<16xi1>, vector<16xf32>
      %slice3A_801 = vector.extract_strided_slice %get3A_782 {offsets = [2], sizes = [1], strides = [1]} : vector<16xf32> to vector<1xf32>
      %squeeze3A_802 = vector.extract %slice3A_801[0] : f32 from vector<1xf32>
      %broadcast_in_dim3A_803 = vector.broadcast %squeeze3A_802 : f32 to vector<16xf32>
      %broadcast_in_dim3A_804 = arith.constant 34 : i32
      %broadcast_in_dim3A_805 = vector.broadcast %broadcast_in_dim3A_804 : i32 to vector<16xi32>
      %eq3A_806 = arith.cmpi eq, %broadcast_in_dim3A_805, %min3A : vector<16xi32>
      %select_n3A_807 = arith.select %eq3A_806, %broadcast_in_dim3A_803, %select_n3A_798 : vector<16xi1>, vector<16xf32>
      %eq3A_808 = arith.cmpi eq, %broadcast_in_dim3A_805, %add3A_484 : vector<16xi32>
      %select_n3A_809 = arith.select %eq3A_808, %broadcast_in_dim3A_803, %select_n3A_800 : vector<16xi1>, vector<16xf32>
      %slice3A_810 = vector.extract_strided_slice %get3A_782 {offsets = [3], sizes = [1], strides = [1]} : vector<16xf32> to vector<1xf32>
      %squeeze3A_811 = vector.extract %slice3A_810[0] : f32 from vector<1xf32>
      %broadcast_in_dim3A_812 = vector.broadcast %squeeze3A_811 : f32 to vector<16xf32>
      %broadcast_in_dim3A_813 = arith.constant 35 : i32
      %broadcast_in_dim3A_814 = vector.broadcast %broadcast_in_dim3A_813 : i32 to vector<16xi32>
      %eq3A_815 = arith.cmpi eq, %broadcast_in_dim3A_814, %min3A : vector<16xi32>
      %select_n3A_816 = arith.select %eq3A_815, %broadcast_in_dim3A_812, %select_n3A_807 : vector<16xi1>, vector<16xf32>
      %eq3A_817 = arith.cmpi eq, %broadcast_in_dim3A_814, %add3A_484 : vector<16xi32>
      %select_n3A_818 = arith.select %eq3A_817, %broadcast_in_dim3A_812, %select_n3A_809 : vector<16xi1>, vector<16xf32>
      %slice3A_819 = vector.extract_strided_slice %get3A_782 {offsets = [4], sizes = [1], strides = [1]} : vector<16xf32> to vector<1xf32>
      %squeeze3A_820 = vector.extract %slice3A_819[0] : f32 from vector<1xf32>
      %broadcast_in_dim3A_821 = vector.broadcast %squeeze3A_820 : f32 to vector<16xf32>
      %broadcast_in_dim3A_822 = arith.constant 36 : i32
      %broadcast_in_dim3A_823 = vector.broadcast %broadcast_in_dim3A_822 : i32 to vector<16xi32>
      %eq3A_824 = arith.cmpi eq, %broadcast_in_dim3A_823, %min3A : vector<16xi32>
      %select_n3A_825 = arith.select %eq3A_824, %broadcast_in_dim3A_821, %select_n3A_816 : vector<16xi1>, vector<16xf32>
      %eq3A_826 = arith.cmpi eq, %broadcast_in_dim3A_823, %add3A_484 : vector<16xi32>
      %select_n3A_827 = arith.select %eq3A_826, %broadcast_in_dim3A_821, %select_n3A_818 : vector<16xi1>, vector<16xf32>
      %slice3A_828 = vector.extract_strided_slice %get3A_782 {offsets = [5], sizes = [1], strides = [1]} : vector<16xf32> to vector<1xf32>
      %squeeze3A_829 = vector.extract %slice3A_828[0] : f32 from vector<1xf32>
      %broadcast_in_dim3A_830 = vector.broadcast %squeeze3A_829 : f32 to vector<16xf32>
      %broadcast_in_dim3A_831 = arith.constant 37 : i32
      %broadcast_in_dim3A_832 = vector.broadcast %broadcast_in_dim3A_831 : i32 to vector<16xi32>
      %eq3A_833 = arith.cmpi eq, %broadcast_in_dim3A_832, %min3A : vector<16xi32>
      %select_n3A_834 = arith.select %eq3A_833, %broadcast_in_dim3A_830, %select_n3A_825 : vector<16xi1>, vector<16xf32>
      %eq3A_835 = arith.cmpi eq, %broadcast_in_dim3A_832, %add3A_484 : vector<16xi32>
      %select_n3A_836 = arith.select %eq3A_835, %broadcast_in_dim3A_830, %select_n3A_827 : vector<16xi1>, vector<16xf32>
      %slice3A_837 = vector.extract_strided_slice %get3A_782 {offsets = [6], sizes = [1], strides = [1]} : vector<16xf32> to vector<1xf32>
      %squeeze3A_838 = vector.extract %slice3A_837[0] : f32 from vector<1xf32>
      %broadcast_in_dim3A_839 = vector.broadcast %squeeze3A_838 : f32 to vector<16xf32>
      %broadcast_in_dim3A_840 = arith.constant 38 : i32
      %broadcast_in_dim3A_841 = vector.broadcast %broadcast_in_dim3A_840 : i32 to vector<16xi32>
      %eq3A_842 = arith.cmpi eq, %broadcast_in_dim3A_841, %min3A : vector<16xi32>
      %select_n3A_843 = arith.select %eq3A_842, %broadcast_in_dim3A_839, %select_n3A_834 : vector<16xi1>, vector<16xf32>
      %eq3A_844 = arith.cmpi eq, %broadcast_in_dim3A_841, %add3A_484 : vector<16xi32>
      %select_n3A_845 = arith.select %eq3A_844, %broadcast_in_dim3A_839, %select_n3A_836 : vector<16xi1>, vector<16xf32>
      %slice3A_846 = vector.extract_strided_slice %get3A_782 {offsets = [7], sizes = [1], strides = [1]} : vector<16xf32> to vector<1xf32>
      %squeeze3A_847 = vector.extract %slice3A_846[0] : f32 from vector<1xf32>
      %broadcast_in_dim3A_848 = vector.broadcast %squeeze3A_847 : f32 to vector<16xf32>
      %broadcast_in_dim3A_849 = arith.constant 39 : i32
      %broadcast_in_dim3A_850 = vector.broadcast %broadcast_in_dim3A_849 : i32 to vector<16xi32>
      %eq3A_851 = arith.cmpi eq, %broadcast_in_dim3A_850, %min3A : vector<16xi32>
      %select_n3A_852 = arith.select %eq3A_851, %broadcast_in_dim3A_848, %select_n3A_843 : vector<16xi1>, vector<16xf32>
      %eq3A_853 = arith.cmpi eq, %broadcast_in_dim3A_850, %add3A_484 : vector<16xi32>
      %select_n3A_854 = arith.select %eq3A_853, %broadcast_in_dim3A_848, %select_n3A_845 : vector<16xi1>, vector<16xf32>
      %slice3A_855 = vector.extract_strided_slice %get3A_782 {offsets = [8], sizes = [1], strides = [1]} : vector<16xf32> to vector<1xf32>
      %squeeze3A_856 = vector.extract %slice3A_855[0] : f32 from vector<1xf32>
      %broadcast_in_dim3A_857 = vector.broadcast %squeeze3A_856 : f32 to vector<16xf32>
      %broadcast_in_dim3A_858 = arith.constant 40 : i32
      %broadcast_in_dim3A_859 = vector.broadcast %broadcast_in_dim3A_858 : i32 to vector<16xi32>
      %eq3A_860 = arith.cmpi eq, %broadcast_in_dim3A_859, %min3A : vector<16xi32>
      %select_n3A_861 = arith.select %eq3A_860, %broadcast_in_dim3A_857, %select_n3A_852 : vector<16xi1>, vector<16xf32>
      %eq3A_862 = arith.cmpi eq, %broadcast_in_dim3A_859, %add3A_484 : vector<16xi32>
      %select_n3A_863 = arith.select %eq3A_862, %broadcast_in_dim3A_857, %select_n3A_854 : vector<16xi1>, vector<16xf32>
      %slice3A_864 = vector.extract_strided_slice %get3A_782 {offsets = [9], sizes = [1], strides = [1]} : vector<16xf32> to vector<1xf32>
      %squeeze3A_865 = vector.extract %slice3A_864[0] : f32 from vector<1xf32>
      %broadcast_in_dim3A_866 = vector.broadcast %squeeze3A_865 : f32 to vector<16xf32>
      %broadcast_in_dim3A_867 = arith.constant 41 : i32
      %broadcast_in_dim3A_868 = vector.broadcast %broadcast_in_dim3A_867 : i32 to vector<16xi32>
      %eq3A_869 = arith.cmpi eq, %broadcast_in_dim3A_868, %min3A : vector<16xi32>
      %select_n3A_870 = arith.select %eq3A_869, %broadcast_in_dim3A_866, %select_n3A_861 : vector<16xi1>, vector<16xf32>
      %eq3A_871 = arith.cmpi eq, %broadcast_in_dim3A_868, %add3A_484 : vector<16xi32>
      %select_n3A_872 = arith.select %eq3A_871, %broadcast_in_dim3A_866, %select_n3A_863 : vector<16xi1>, vector<16xf32>
      %slice3A_873 = vector.extract_strided_slice %get3A_782 {offsets = [10], sizes = [1], strides = [1]} : vector<16xf32> to vector<1xf32>
      %squeeze3A_874 = vector.extract %slice3A_873[0] : f32 from vector<1xf32>
      %broadcast_in_dim3A_875 = vector.broadcast %squeeze3A_874 : f32 to vector<16xf32>
      %broadcast_in_dim3A_876 = arith.constant 42 : i32
      %broadcast_in_dim3A_877 = vector.broadcast %broadcast_in_dim3A_876 : i32 to vector<16xi32>
      %eq3A_878 = arith.cmpi eq, %broadcast_in_dim3A_877, %min3A : vector<16xi32>
      %select_n3A_879 = arith.select %eq3A_878, %broadcast_in_dim3A_875, %select_n3A_870 : vector<16xi1>, vector<16xf32>
      %eq3A_880 = arith.cmpi eq, %broadcast_in_dim3A_877, %add3A_484 : vector<16xi32>
      %select_n3A_881 = arith.select %eq3A_880, %broadcast_in_dim3A_875, %select_n3A_872 : vector<16xi1>, vector<16xf32>
      %slice3A_882 = vector.extract_strided_slice %get3A_782 {offsets = [11], sizes = [1], strides = [1]} : vector<16xf32> to vector<1xf32>
      %squeeze3A_883 = vector.extract %slice3A_882[0] : f32 from vector<1xf32>
      %broadcast_in_dim3A_884 = vector.broadcast %squeeze3A_883 : f32 to vector<16xf32>
      %broadcast_in_dim3A_885 = arith.constant 43 : i32
      %broadcast_in_dim3A_886 = vector.broadcast %broadcast_in_dim3A_885 : i32 to vector<16xi32>
      %eq3A_887 = arith.cmpi eq, %broadcast_in_dim3A_886, %min3A : vector<16xi32>
      %select_n3A_888 = arith.select %eq3A_887, %broadcast_in_dim3A_884, %select_n3A_879 : vector<16xi1>, vector<16xf32>
      %eq3A_889 = arith.cmpi eq, %broadcast_in_dim3A_886, %add3A_484 : vector<16xi32>
      %select_n3A_890 = arith.select %eq3A_889, %broadcast_in_dim3A_884, %select_n3A_881 : vector<16xi1>, vector<16xf32>
      %slice3A_891 = vector.extract_strided_slice %get3A_782 {offsets = [12], sizes = [1], strides = [1]} : vector<16xf32> to vector<1xf32>
      %squeeze3A_892 = vector.extract %slice3A_891[0] : f32 from vector<1xf32>
      %broadcast_in_dim3A_893 = vector.broadcast %squeeze3A_892 : f32 to vector<16xf32>
      %broadcast_in_dim3A_894 = arith.constant 44 : i32
      %broadcast_in_dim3A_895 = vector.broadcast %broadcast_in_dim3A_894 : i32 to vector<16xi32>
      %eq3A_896 = arith.cmpi eq, %broadcast_in_dim3A_895, %min3A : vector<16xi32>
      %select_n3A_897 = arith.select %eq3A_896, %broadcast_in_dim3A_893, %select_n3A_888 : vector<16xi1>, vector<16xf32>
      %eq3A_898 = arith.cmpi eq, %broadcast_in_dim3A_895, %add3A_484 : vector<16xi32>
      %select_n3A_899 = arith.select %eq3A_898, %broadcast_in_dim3A_893, %select_n3A_890 : vector<16xi1>, vector<16xf32>
      %slice3A_900 = vector.extract_strided_slice %get3A_782 {offsets = [13], sizes = [1], strides = [1]} : vector<16xf32> to vector<1xf32>
      %squeeze3A_901 = vector.extract %slice3A_900[0] : f32 from vector<1xf32>
      %broadcast_in_dim3A_902 = vector.broadcast %squeeze3A_901 : f32 to vector<16xf32>
      %broadcast_in_dim3A_903 = arith.constant 45 : i32
      %broadcast_in_dim3A_904 = vector.broadcast %broadcast_in_dim3A_903 : i32 to vector<16xi32>
      %eq3A_905 = arith.cmpi eq, %broadcast_in_dim3A_904, %min3A : vector<16xi32>
      %select_n3A_906 = arith.select %eq3A_905, %broadcast_in_dim3A_902, %select_n3A_897 : vector<16xi1>, vector<16xf32>
      %eq3A_907 = arith.cmpi eq, %broadcast_in_dim3A_904, %add3A_484 : vector<16xi32>
      %select_n3A_908 = arith.select %eq3A_907, %broadcast_in_dim3A_902, %select_n3A_899 : vector<16xi1>, vector<16xf32>
      %slice3A_909 = vector.extract_strided_slice %get3A_782 {offsets = [14], sizes = [1], strides = [1]} : vector<16xf32> to vector<1xf32>
      %squeeze3A_910 = vector.extract %slice3A_909[0] : f32 from vector<1xf32>
      %broadcast_in_dim3A_911 = vector.broadcast %squeeze3A_910 : f32 to vector<16xf32>
      %broadcast_in_dim3A_912 = arith.constant 46 : i32
      %broadcast_in_dim3A_913 = vector.broadcast %broadcast_in_dim3A_912 : i32 to vector<16xi32>
      %eq3A_914 = arith.cmpi eq, %broadcast_in_dim3A_913, %min3A : vector<16xi32>
      %select_n3A_915 = arith.select %eq3A_914, %broadcast_in_dim3A_911, %select_n3A_906 : vector<16xi1>, vector<16xf32>
      %eq3A_916 = arith.cmpi eq, %broadcast_in_dim3A_913, %add3A_484 : vector<16xi32>
      %select_n3A_917 = arith.select %eq3A_916, %broadcast_in_dim3A_911, %select_n3A_908 : vector<16xi1>, vector<16xf32>
      %slice3A_918 = vector.extract_strided_slice %get3A_782 {offsets = [15], sizes = [1], strides = [1]} : vector<16xf32> to vector<1xf32>
      %squeeze3A_919 = vector.extract %slice3A_918[0] : f32 from vector<1xf32>
      %broadcast_in_dim3A_920 = vector.broadcast %squeeze3A_919 : f32 to vector<16xf32>
      %broadcast_in_dim3A_921 = arith.constant 47 : i32
      %broadcast_in_dim3A_922 = vector.broadcast %broadcast_in_dim3A_921 : i32 to vector<16xi32>
      %eq3A_923 = arith.cmpi eq, %broadcast_in_dim3A_922, %min3A : vector<16xi32>
      %select_n3A_924 = arith.select %eq3A_923, %broadcast_in_dim3A_920, %select_n3A_915 : vector<16xi1>, vector<16xf32>
      %eq3A_925 = arith.cmpi eq, %broadcast_in_dim3A_922, %add3A_484 : vector<16xi32>
      %select_n3A_926 = arith.select %eq3A_925, %broadcast_in_dim3A_920, %select_n3A_917 : vector<16xi1>, vector<16xf32>
      %get3A_927 = arith.constant 48 : index
      %get3A_928 = tpu.vector_load %arg8[%get3A_927] {strides = array<i32>} : memref<64xf32, #tpu.memory_space<vmem>>, vector<16xf32>,
      %get3A_929 = vector.shape_cast %get3A_928 : vector<16xf32> to vector<16xf32>
      %slice3A_930 = vector.extract_strided_slice %get3A_929 {offsets = [0], sizes = [1], strides = [1]} : vector<16xf32> to vector<1xf32>
      %squeeze3A_931 = vector.extract %slice3A_930[0] : f32 from vector<1xf32>
      %broadcast_in_dim3A_932 = vector.broadcast %squeeze3A_931 : f32 to vector<16xf32>
      %broadcast_in_dim3A_933 = arith.constant 48 : i32
      %broadcast_in_dim3A_934 = vector.broadcast %broadcast_in_dim3A_933 : i32 to vector<16xi32>
      %eq3A_935 = arith.cmpi eq, %broadcast_in_dim3A_934, %min3A : vector<16xi32>
      %select_n3A_936 = arith.select %eq3A_935, %broadcast_in_dim3A_932, %select_n3A_924 : vector<16xi1>, vector<16xf32>
      %eq3A_937 = arith.cmpi eq, %broadcast_in_dim3A_934, %add3A_484 : vector<16xi32>
      %select_n3A_938 = arith.select %eq3A_937, %broadcast_in_dim3A_932, %select_n3A_926 : vector<16xi1>, vector<16xf32>
      %slice3A_939 = vector.extract_strided_slice %get3A_929 {offsets = [1], sizes = [1], strides = [1]} : vector<16xf32> to vector<1xf32>
      %squeeze3A_940 = vector.extract %slice3A_939[0] : f32 from vector<1xf32>
      %broadcast_in_dim3A_941 = vector.broadcast %squeeze3A_940 : f32 to vector<16xf32>
      %broadcast_in_dim3A_942 = arith.constant 49 : i32
      %broadcast_in_dim3A_943 = vector.broadcast %broadcast_in_dim3A_942 : i32 to vector<16xi32>
      %eq3A_944 = arith.cmpi eq, %broadcast_in_dim3A_943, %min3A : vector<16xi32>
      %select_n3A_945 = arith.select %eq3A_944, %broadcast_in_dim3A_941, %select_n3A_936 : vector<16xi1>, vector<16xf32>
      %eq3A_946 = arith.cmpi eq, %broadcast_in_dim3A_943, %add3A_484 : vector<16xi32>
      %select_n3A_947 = arith.select %eq3A_946, %broadcast_in_dim3A_941, %select_n3A_938 : vector<16xi1>, vector<16xf32>
      %slice3A_948 = vector.extract_strided_slice %get3A_929 {offsets = [2], sizes = [1], strides = [1]} : vector<16xf32> to vector<1xf32>
      %squeeze3A_949 = vector.extract %slice3A_948[0] : f32 from vector<1xf32>
      %broadcast_in_dim3A_950 = vector.broadcast %squeeze3A_949 : f32 to vector<16xf32>
      %broadcast_in_dim3A_951 = arith.constant 50 : i32
      %broadcast_in_dim3A_952 = vector.broadcast %broadcast_in_dim3A_951 : i32 to vector<16xi32>
      %eq3A_953 = arith.cmpi eq, %broadcast_in_dim3A_952, %min3A : vector<16xi32>
      %select_n3A_954 = arith.select %eq3A_953, %broadcast_in_dim3A_950, %select_n3A_945 : vector<16xi1>, vector<16xf32>
      %eq3A_955 = arith.cmpi eq, %broadcast_in_dim3A_952, %add3A_484 : vector<16xi32>
      %select_n3A_956 = arith.select %eq3A_955, %broadcast_in_dim3A_950, %select_n3A_947 : vector<16xi1>, vector<16xf32>
      %slice3A_957 = vector.extract_strided_slice %get3A_929 {offsets = [3], sizes = [1], strides = [1]} : vector<16xf32> to vector<1xf32>
      %squeeze3A_958 = vector.extract %slice3A_957[0] : f32 from vector<1xf32>
      %broadcast_in_dim3A_959 = vector.broadcast %squeeze3A_958 : f32 to vector<16xf32>
      %broadcast_in_dim3A_960 = arith.constant 51 : i32
      %broadcast_in_dim3A_961 = vector.broadcast %broadcast_in_dim3A_960 : i32 to vector<16xi32>
      %eq3A_962 = arith.cmpi eq, %broadcast_in_dim3A_961, %min3A : vector<16xi32>
      %select_n3A_963 = arith.select %eq3A_962, %broadcast_in_dim3A_959, %select_n3A_954 : vector<16xi1>, vector<16xf32>
      %eq3A_964 = arith.cmpi eq, %broadcast_in_dim3A_961, %add3A_484 : vector<16xi32>
      %select_n3A_965 = arith.select %eq3A_964, %broadcast_in_dim3A_959, %select_n3A_956 : vector<16xi1>, vector<16xf32>
      %slice3A_966 = vector.extract_strided_slice %get3A_929 {offsets = [4], sizes = [1], strides = [1]} : vector<16xf32> to vector<1xf32>
      %squeeze3A_967 = vector.extract %slice3A_966[0] : f32 from vector<1xf32>
      %broadcast_in_dim3A_968 = vector.broadcast %squeeze3A_967 : f32 to vector<16xf32>
      %broadcast_in_dim3A_969 = arith.constant 52 : i32
      %broadcast_in_dim3A_970 = vector.broadcast %broadcast_in_dim3A_969 : i32 to vector<16xi32>
      %eq3A_971 = arith.cmpi eq, %broadcast_in_dim3A_970, %min3A : vector<16xi32>
      %select_n3A_972 = arith.select %eq3A_971, %broadcast_in_dim3A_968, %select_n3A_963 : vector<16xi1>, vector<16xf32>
      %eq3A_973 = arith.cmpi eq, %broadcast_in_dim3A_970, %add3A_484 : vector<16xi32>
      %select_n3A_974 = arith.select %eq3A_973, %broadcast_in_dim3A_968, %select_n3A_965 : vector<16xi1>, vector<16xf32>
      %slice3A_975 = vector.extract_strided_slice %get3A_929 {offsets = [5], sizes = [1], strides = [1]} : vector<16xf32> to vector<1xf32>
      %squeeze3A_976 = vector.extract %slice3A_975[0] : f32 from vector<1xf32>
      %broadcast_in_dim3A_977 = vector.broadcast %squeeze3A_976 : f32 to vector<16xf32>
      %broadcast_in_dim3A_978 = arith.constant 53 : i32
      %broadcast_in_dim3A_979 = vector.broadcast %broadcast_in_dim3A_978 : i32 to vector<16xi32>
      %eq3A_980 = arith.cmpi eq, %broadcast_in_dim3A_979, %min3A : vector<16xi32>
      %select_n3A_981 = arith.select %eq3A_980, %broadcast_in_dim3A_977, %select_n3A_972 : vector<16xi1>, vector<16xf32>
      %eq3A_982 = arith.cmpi eq, %broadcast_in_dim3A_979, %add3A_484 : vector<16xi32>
      %select_n3A_983 = arith.select %eq3A_982, %broadcast_in_dim3A_977, %select_n3A_974 : vector<16xi1>, vector<16xf32>
      %slice3A_984 = vector.extract_strided_slice %get3A_929 {offsets = [6], sizes = [1], strides = [1]} : vector<16xf32> to vector<1xf32>
      %squeeze3A_985 = vector.extract %slice3A_984[0] : f32 from vector<1xf32>
      %broadcast_in_dim3A_986 = vector.broadcast %squeeze3A_985 : f32 to vector<16xf32>
      %broadcast_in_dim3A_987 = arith.constant 54 : i32
      %broadcast_in_dim3A_988 = vector.broadcast %broadcast_in_dim3A_987 : i32 to vector<16xi32>
      %eq3A_989 = arith.cmpi eq, %broadcast_in_dim3A_988, %min3A : vector<16xi32>
      %select_n3A_990 = arith.select %eq3A_989, %broadcast_in_dim3A_986, %select_n3A_981 : vector<16xi1>, vector<16xf32>
      %eq3A_991 = arith.cmpi eq, %broadcast_in_dim3A_988, %add3A_484 : vector<16xi32>
      %select_n3A_992 = arith.select %eq3A_991, %broadcast_in_dim3A_986, %select_n3A_983 : vector<16xi1>, vector<16xf32>
      %slice3A_993 = vector.extract_strided_slice %get3A_929 {offsets = [7], sizes = [1], strides = [1]} : vector<16xf32> to vector<1xf32>
      %squeeze3A_994 = vector.extract %slice3A_993[0] : f32 from vector<1xf32>
      %broadcast_in_dim3A_995 = vector.broadcast %squeeze3A_994 : f32 to vector<16xf32>
      %broadcast_in_dim3A_996 = arith.constant 55 : i32
      %broadcast_in_dim3A_997 = vector.broadcast %broadcast_in_dim3A_996 : i32 to vector<16xi32>
      %eq3A_998 = arith.cmpi eq, %broadcast_in_dim3A_997, %min3A : vector<16xi32>
      %select_n3A_999 = arith.select %eq3A_998, %broadcast_in_dim3A_995, %select_n3A_990 : vector<16xi1>, vector<16xf32>
      %eq3A_1000 = arith.cmpi eq, %broadcast_in_dim3A_997, %add3A_484 : vector<16xi32>
      %select_n3A_1001 = arith.select %eq3A_1000, %broadcast_in_dim3A_995, %select_n3A_992 : vector<16xi1>, vector<16xf32>
      %slice3A_1002 = vector.extract_strided_slice %get3A_929 {offsets = [8], sizes = [1], strides = [1]} : vector<16xf32> to vector<1xf32>
      %squeeze3A_1003 = vector.extract %slice3A_1002[0] : f32 from vector<1xf32>
      %broadcast_in_dim3A_1004 = vector.broadcast %squeeze3A_1003 : f32 to vector<16xf32>
      %broadcast_in_dim3A_1005 = arith.constant 56 : i32
      %broadcast_in_dim3A_1006 = vector.broadcast %broadcast_in_dim3A_1005 : i32 to vector<16xi32>
      %eq3A_1007 = arith.cmpi eq, %broadcast_in_dim3A_1006, %min3A : vector<16xi32>
      %select_n3A_1008 = arith.select %eq3A_1007, %broadcast_in_dim3A_1004, %select_n3A_999 : vector<16xi1>, vector<16xf32>
      %eq3A_1009 = arith.cmpi eq, %broadcast_in_dim3A_1006, %add3A_484 : vector<16xi32>
      %select_n3A_1010 = arith.select %eq3A_1009, %broadcast_in_dim3A_1004, %select_n3A_1001 : vector<16xi1>, vector<16xf32>
      %slice3A_1011 = vector.extract_strided_slice %get3A_929 {offsets = [9], sizes = [1], strides = [1]} : vector<16xf32> to vector<1xf32>
      %squeeze3A_1012 = vector.extract %slice3A_1011[0] : f32 from vector<1xf32>
      %broadcast_in_dim3A_1013 = vector.broadcast %squeeze3A_1012 : f32 to vector<16xf32>
      %broadcast_in_dim3A_1014 = arith.constant 57 : i32
      %broadcast_in_dim3A_1015 = vector.broadcast %broadcast_in_dim3A_1014 : i32 to vector<16xi32>
      %eq3A_1016 = arith.cmpi eq, %broadcast_in_dim3A_1015, %min3A : vector<16xi32>
      %select_n3A_1017 = arith.select %eq3A_1016, %broadcast_in_dim3A_1013, %select_n3A_1008 : vector<16xi1>, vector<16xf32>
      %eq3A_1018 = arith.cmpi eq, %broadcast_in_dim3A_1015, %add3A_484 : vector<16xi32>
      %select_n3A_1019 = arith.select %eq3A_1018, %broadcast_in_dim3A_1013, %select_n3A_1010 : vector<16xi1>, vector<16xf32>
      %slice3A_1020 = vector.extract_strided_slice %get3A_929 {offsets = [10], sizes = [1], strides = [1]} : vector<16xf32> to vector<1xf32>
      %squeeze3A_1021 = vector.extract %slice3A_1020[0] : f32 from vector<1xf32>
      %broadcast_in_dim3A_1022 = vector.broadcast %squeeze3A_1021 : f32 to vector<16xf32>
      %broadcast_in_dim3A_1023 = arith.constant 58 : i32
      %broadcast_in_dim3A_1024 = vector.broadcast %broadcast_in_dim3A_1023 : i32 to vector<16xi32>
      %eq3A_1025 = arith.cmpi eq, %broadcast_in_dim3A_1024, %min3A : vector<16xi32>
      %select_n3A_1026 = arith.select %eq3A_1025, %broadcast_in_dim3A_1022, %select_n3A_1017 : vector<16xi1>, vector<16xf32>
      %eq3A_1027 = arith.cmpi eq, %broadcast_in_dim3A_1024, %add3A_484 : vector<16xi32>
      %select_n3A_1028 = arith.select %eq3A_1027, %broadcast_in_dim3A_1022, %select_n3A_1019 : vector<16xi1>, vector<16xf32>
      %slice3A_1029 = vector.extract_strided_slice %get3A_929 {offsets = [11], sizes = [1], strides = [1]} : vector<16xf32> to vector<1xf32>
      %squeeze3A_1030 = vector.extract %slice3A_1029[0] : f32 from vector<1xf32>
      %broadcast_in_dim3A_1031 = vector.broadcast %squeeze3A_1030 : f32 to vector<16xf32>
      %broadcast_in_dim3A_1032 = arith.constant 59 : i32
      %broadcast_in_dim3A_1033 = vector.broadcast %broadcast_in_dim3A_1032 : i32 to vector<16xi32>
      %eq3A_1034 = arith.cmpi eq, %broadcast_in_dim3A_1033, %min3A : vector<16xi32>
      %select_n3A_1035 = arith.select %eq3A_1034, %broadcast_in_dim3A_1031, %select_n3A_1026 : vector<16xi1>, vector<16xf32>
      %eq3A_1036 = arith.cmpi eq, %broadcast_in_dim3A_1033, %add3A_484 : vector<16xi32>
      %select_n3A_1037 = arith.select %eq3A_1036, %broadcast_in_dim3A_1031, %select_n3A_1028 : vector<16xi1>, vector<16xf32>
      %slice3A_1038 = vector.extract_strided_slice %get3A_929 {offsets = [12], sizes = [1], strides = [1]} : vector<16xf32> to vector<1xf32>
      %squeeze3A_1039 = vector.extract %slice3A_1038[0] : f32 from vector<1xf32>
      %broadcast_in_dim3A_1040 = vector.broadcast %squeeze3A_1039 : f32 to vector<16xf32>
      %broadcast_in_dim3A_1041 = arith.constant 60 : i32
      %broadcast_in_dim3A_1042 = vector.broadcast %broadcast_in_dim3A_1041 : i32 to vector<16xi32>
      %eq3A_1043 = arith.cmpi eq, %broadcast_in_dim3A_1042, %min3A : vector<16xi32>
      %select_n3A_1044 = arith.select %eq3A_1043, %broadcast_in_dim3A_1040, %select_n3A_1035 : vector<16xi1>, vector<16xf32>
      %eq3A_1045 = arith.cmpi eq, %broadcast_in_dim3A_1042, %add3A_484 : vector<16xi32>
      %select_n3A_1046 = arith.select %eq3A_1045, %broadcast_in_dim3A_1040, %select_n3A_1037 : vector<16xi1>, vector<16xf32>
      %slice3A_1047 = vector.extract_strided_slice %get3A_929 {offsets = [13], sizes = [1], strides = [1]} : vector<16xf32> to vector<1xf32>
      %squeeze3A_1048 = vector.extract %slice3A_1047[0] : f32 from vector<1xf32>
      %broadcast_in_dim3A_1049 = vector.broadcast %squeeze3A_1048 : f32 to vector<16xf32>
      %broadcast_in_dim3A_1050 = arith.constant 61 : i32
      %broadcast_in_dim3A_1051 = vector.broadcast %broadcast_in_dim3A_1050 : i32 to vector<16xi32>
      %eq3A_1052 = arith.cmpi eq, %broadcast_in_dim3A_1051, %min3A : vector<16xi32>
      %select_n3A_1053 = arith.select %eq3A_1052, %broadcast_in_dim3A_1049, %select_n3A_1044 : vector<16xi1>, vector<16xf32>
      %eq3A_1054 = arith.cmpi eq, %broadcast_in_dim3A_1051, %add3A_484 : vector<16xi32>
      %select_n3A_1055 = arith.select %eq3A_1054, %broadcast_in_dim3A_1049, %select_n3A_1046 : vector<16xi1>, vector<16xf32>
      %slice3A_1056 = vector.extract_strided_slice %get3A_929 {offsets = [14], sizes = [1], strides = [1]} : vector<16xf32> to vector<1xf32>
      %squeeze3A_1057 = vector.extract %slice3A_1056[0] : f32 from vector<1xf32>
      %broadcast_in_dim3A_1058 = vector.broadcast %squeeze3A_1057 : f32 to vector<16xf32>
      %broadcast_in_dim3A_1059 = arith.constant 62 : i32
      %broadcast_in_dim3A_1060 = vector.broadcast %broadcast_in_dim3A_1059 : i32 to vector<16xi32>
      %eq3A_1061 = arith.cmpi eq, %broadcast_in_dim3A_1060, %min3A : vector<16xi32>
      %select_n3A_1062 = arith.select %eq3A_1061, %broadcast_in_dim3A_1058, %select_n3A_1053 : vector<16xi1>, vector<16xf32>
      %eq3A_1063 = arith.cmpi eq, %broadcast_in_dim3A_1060, %add3A_484 : vector<16xi32>
      %select_n3A_1064 = arith.select %eq3A_1063, %broadcast_in_dim3A_1058, %select_n3A_1055 : vector<16xi1>, vector<16xf32>
      %slice3A_1065 = vector.extract_strided_slice %get3A_929 {offsets = [15], sizes = [1], strides = [1]} : vector<16xf32> to vector<1xf32>
      %squeeze3A_1066 = vector.extract %slice3A_1065[0] : f32 from vector<1xf32>
      %broadcast_in_dim3A_1067 = vector.broadcast %squeeze3A_1066 : f32 to vector<16xf32>
      %broadcast_in_dim3A_1068 = arith.constant 63 : i32
      %broadcast_in_dim3A_1069 = vector.broadcast %broadcast_in_dim3A_1068 : i32 to vector<16xi32>
      %eq3A_1070 = arith.cmpi eq, %broadcast_in_dim3A_1069, %min3A : vector<16xi32>
      %select_n3A_1071 = arith.select %eq3A_1070, %broadcast_in_dim3A_1067, %select_n3A_1062 : vector<16xi1>, vector<16xf32>
      %eq3A_1072 = arith.cmpi eq, %broadcast_in_dim3A_1069, %add3A_484 : vector<16xi32>
      %select_n3A_1073 = arith.select %eq3A_1072, %broadcast_in_dim3A_1067, %select_n3A_1064 : vector<16xi1>, vector<16xf32>
      %sub3A_1074 = arith.subf %get3A_89, %select_n3A_1071 : vector<16xf32>
      %sub3A_1075 = arith.subf %select_n3A_1073, %select_n3A_1071 : vector<16xf32>
      %add3A_1076 = arith.addf %sub3A_1075, %broadcast_in_dim3A_9 : vector<16xf32>
      %div3A = arith.divf %sub3A_1074, %add3A_1076 : vector<16xf32>
      %slice3A_1077 = vector.extract_strided_slice %min3A {offsets = [0], sizes = [1], strides = [1]} : vector<16xi32> to vector<1xi32>
      %squeeze3A_1078 = vector.extract %slice3A_1077[0] : i32 from vector<1xi32>
      %mul3A_1079 = arith.constant 16 : i32
      %mul3A_1080 = arith.muli %add3A_85, %mul3A_1079 : i32
      %add3A_1081 = arith.constant 0 : i32
      %add3A_1082 = arith.addi %mul3A_1080, %add3A_1081 : i32
      %swap3A = arith.index_cast %add3A_1082 : i32 to index
      %swap3A_1083 = memref.load %arg15[%swap3A] : memref<128xi32, #tpu.memory_space<smem>>
      memref.store %squeeze3A_1078, %arg15[%swap3A] : memref<128xi32, #tpu.memory_space<smem>>
      %slice3A_1084 = vector.extract_strided_slice %div3A {offsets = [0], sizes = [1], strides = [1]} : vector<16xf32> to vector<1xf32>
      %squeeze3A_1085 = vector.extract %slice3A_1084[0] : f32 from vector<1xf32>
      %broadcast_in_dim3A_1086 = vector.broadcast %squeeze3A_1085 : f32 to vector<16xf32>
      %mul3A_1087 = arith.constant 16 : i32
      %mul3A_1088 = arith.muli %add3A_85, %mul3A_1087 : i32
      %add3A_1089 = arith.constant 0 : i32
      %add3A_1090 = arith.addi %mul3A_1088, %add3A_1089 : i32
      %swap3A_1091 = arith.index_cast %add3A_1090 : i32 to index
      %swap3A_1092 = arith.constant 0 : index
      %swap3A_1093 = tpu.vector_load %arg10[%swap3A_1091, %swap3A_1092] {strides = array<i32>} : memref<128x16xf32, #tpu.memory_space<vmem>>, vector<1x16xf32>,
      %swap3A_1094 = vector.shape_cast %swap3A_1093 : vector<1x16xf32> to vector<16xf32>
      %swap3A_1095 = vector.shape_cast %broadcast_in_dim3A_1086 : vector<16xf32> to vector<1x16xf32>
      tpu.vector_store %arg10[%swap3A_1091, %swap3A_1092], %swap3A_1095 {strides = array<i32>} : memref<128x16xf32, #tpu.memory_space<vmem>>, vector<1x16xf32>,
      %slice3A_1096 = vector.extract_strided_slice %min3A {offsets = [1], sizes = [1], strides = [1]} : vector<16xi32> to vector<1xi32>
      %squeeze3A_1097 = vector.extract %slice3A_1096[0] : i32 from vector<1xi32>
      %mul3A_1098 = arith.constant 16 : i32
      %mul3A_1099 = arith.muli %add3A_85, %mul3A_1098 : i32
      %add3A_1100 = arith.constant 1 : i32
      %add3A_1101 = arith.addi %mul3A_1099, %add3A_1100 : i32
      %swap3A_1102 = arith.index_cast %add3A_1101 : i32 to index
      %swap3A_1103 = memref.load %arg15[%swap3A_1102] : memref<128xi32, #tpu.memory_space<smem>>
      memref.store %squeeze3A_1097, %arg15[%swap3A_1102] : memref<128xi32, #tpu.memory_space<smem>>
      %slice3A_1104 = vector.extract_strided_slice %div3A {offsets = [1], sizes = [1], strides = [1]} : vector<16xf32> to vector<1xf32>
      %squeeze3A_1105 = vector.extract %slice3A_1104[0] : f32 from vector<1xf32>
      %broadcast_in_dim3A_1106 = vector.broadcast %squeeze3A_1105 : f32 to vector<16xf32>
      %mul3A_1107 = arith.constant 16 : i32
      %mul3A_1108 = arith.muli %add3A_85, %mul3A_1107 : i32
      %add3A_1109 = arith.constant 1 : i32
      %add3A_1110 = arith.addi %mul3A_1108, %add3A_1109 : i32
      %swap3A_1111 = arith.index_cast %add3A_1110 : i32 to index
      %swap3A_1112 = arith.constant 0 : index
      %swap3A_1113 = tpu.vector_load %arg10[%swap3A_1111, %swap3A_1112] {strides = array<i32>} : memref<128x16xf32, #tpu.memory_space<vmem>>, vector<1x16xf32>,
      %swap3A_1114 = vector.shape_cast %swap3A_1113 : vector<1x16xf32> to vector<16xf32>
      %swap3A_1115 = vector.shape_cast %broadcast_in_dim3A_1106 : vector<16xf32> to vector<1x16xf32>
      tpu.vector_store %arg10[%swap3A_1111, %swap3A_1112], %swap3A_1115 {strides = array<i32>} : memref<128x16xf32, #tpu.memory_space<vmem>>, vector<1x16xf32>,
      %slice3A_1116 = vector.extract_strided_slice %min3A {offsets = [2], sizes = [1], strides = [1]} : vector<16xi32> to vector<1xi32>
      %squeeze3A_1117 = vector.extract %slice3A_1116[0] : i32 from vector<1xi32>
      %mul3A_1118 = arith.constant 16 : i32
      %mul3A_1119 = arith.muli %add3A_85, %mul3A_1118 : i32
      %add3A_1120 = arith.constant 2 : i32
      %add3A_1121 = arith.addi %mul3A_1119, %add3A_1120 : i32
      %swap3A_1122 = arith.index_cast %add3A_1121 : i32 to index
      %swap3A_1123 = memref.load %arg15[%swap3A_1122] : memref<128xi32, #tpu.memory_space<smem>>
      memref.store %squeeze3A_1117, %arg15[%swap3A_1122] : memref<128xi32, #tpu.memory_space<smem>>
      %slice3A_1124 = vector.extract_strided_slice %div3A {offsets = [2], sizes = [1], strides = [1]} : vector<16xf32> to vector<1xf32>
      %squeeze3A_1125 = vector.extract %slice3A_1124[0] : f32 from vector<1xf32>
      %broadcast_in_dim3A_1126 = vector.broadcast %squeeze3A_1125 : f32 to vector<16xf32>
      %mul3A_1127 = arith.constant 16 : i32
      %mul3A_1128 = arith.muli %add3A_85, %mul3A_1127 : i32
      %add3A_1129 = arith.constant 2 : i32
      %add3A_1130 = arith.addi %mul3A_1128, %add3A_1129 : i32
      %swap3A_1131 = arith.index_cast %add3A_1130 : i32 to index
      %swap3A_1132 = arith.constant 0 : index
      %swap3A_1133 = tpu.vector_load %arg10[%swap3A_1131, %swap3A_1132] {strides = array<i32>} : memref<128x16xf32, #tpu.memory_space<vmem>>, vector<1x16xf32>,
      %swap3A_1134 = vector.shape_cast %swap3A_1133 : vector<1x16xf32> to vector<16xf32>
      %swap3A_1135 = vector.shape_cast %broadcast_in_dim3A_1126 : vector<16xf32> to vector<1x16xf32>
      tpu.vector_store %arg10[%swap3A_1131, %swap3A_1132], %swap3A_1135 {strides = array<i32>} : memref<128x16xf32, #tpu.memory_space<vmem>>, vector<1x16xf32>,
      %slice3A_1136 = vector.extract_strided_slice %min3A {offsets = [3], sizes = [1], strides = [1]} : vector<16xi32> to vector<1xi32>
      %squeeze3A_1137 = vector.extract %slice3A_1136[0] : i32 from vector<1xi32>
      %mul3A_1138 = arith.constant 16 : i32
      %mul3A_1139 = arith.muli %add3A_85, %mul3A_1138 : i32
      %add3A_1140 = arith.constant 3 : i32
      %add3A_1141 = arith.addi %mul3A_1139, %add3A_1140 : i32
      %swap3A_1142 = arith.index_cast %add3A_1141 : i32 to index
      %swap3A_1143 = memref.load %arg15[%swap3A_1142] : memref<128xi32, #tpu.memory_space<smem>>
      memref.store %squeeze3A_1137, %arg15[%swap3A_1142] : memref<128xi32, #tpu.memory_space<smem>>
      %slice3A_1144 = vector.extract_strided_slice %div3A {offsets = [3], sizes = [1], strides = [1]} : vector<16xf32> to vector<1xf32>
      %squeeze3A_1145 = vector.extract %slice3A_1144[0] : f32 from vector<1xf32>
      %broadcast_in_dim3A_1146 = vector.broadcast %squeeze3A_1145 : f32 to vector<16xf32>
      %mul3A_1147 = arith.constant 16 : i32
      %mul3A_1148 = arith.muli %add3A_85, %mul3A_1147 : i32
      %add3A_1149 = arith.constant 3 : i32
      %add3A_1150 = arith.addi %mul3A_1148, %add3A_1149 : i32
      %swap3A_1151 = arith.index_cast %add3A_1150 : i32 to index
      %swap3A_1152 = arith.constant 0 : index
      %swap3A_1153 = tpu.vector_load %arg10[%swap3A_1151, %swap3A_1152] {strides = array<i32>} : memref<128x16xf32, #tpu.memory_space<vmem>>, vector<1x16xf32>,
      %swap3A_1154 = vector.shape_cast %swap3A_1153 : vector<1x16xf32> to vector<16xf32>
      %swap3A_1155 = vector.shape_cast %broadcast_in_dim3A_1146 : vector<16xf32> to vector<1x16xf32>
      tpu.vector_store %arg10[%swap3A_1151, %swap3A_1152], %swap3A_1155 {strides = array<i32>} : memref<128x16xf32, #tpu.memory_space<vmem>>, vector<1x16xf32>,
      %slice3A_1156 = vector.extract_strided_slice %min3A {offsets = [4], sizes = [1], strides = [1]} : vector<16xi32> to vector<1xi32>
      %squeeze3A_1157 = vector.extract %slice3A_1156[0] : i32 from vector<1xi32>
      %mul3A_1158 = arith.constant 16 : i32
      %mul3A_1159 = arith.muli %add3A_85, %mul3A_1158 : i32
      %add3A_1160 = arith.constant 4 : i32
      %add3A_1161 = arith.addi %mul3A_1159, %add3A_1160 : i32
      %swap3A_1162 = arith.index_cast %add3A_1161 : i32 to index
      %swap3A_1163 = memref.load %arg15[%swap3A_1162] : memref<128xi32, #tpu.memory_space<smem>>
      memref.store %squeeze3A_1157, %arg15[%swap3A_1162] : memref<128xi32, #tpu.memory_space<smem>>
      %slice3A_1164 = vector.extract_strided_slice %div3A {offsets = [4], sizes = [1], strides = [1]} : vector<16xf32> to vector<1xf32>
      %squeeze3A_1165 = vector.extract %slice3A_1164[0] : f32 from vector<1xf32>
      %broadcast_in_dim3A_1166 = vector.broadcast %squeeze3A_1165 : f32 to vector<16xf32>
      %mul3A_1167 = arith.constant 16 : i32
      %mul3A_1168 = arith.muli %add3A_85, %mul3A_1167 : i32
      %add3A_1169 = arith.constant 4 : i32
      %add3A_1170 = arith.addi %mul3A_1168, %add3A_1169 : i32
      %swap3A_1171 = arith.index_cast %add3A_1170 : i32 to index
      %swap3A_1172 = arith.constant 0 : index
      %swap3A_1173 = tpu.vector_load %arg10[%swap3A_1171, %swap3A_1172] {strides = array<i32>} : memref<128x16xf32, #tpu.memory_space<vmem>>, vector<1x16xf32>,
      %swap3A_1174 = vector.shape_cast %swap3A_1173 : vector<1x16xf32> to vector<16xf32>
      %swap3A_1175 = vector.shape_cast %broadcast_in_dim3A_1166 : vector<16xf32> to vector<1x16xf32>
      tpu.vector_store %arg10[%swap3A_1171, %swap3A_1172], %swap3A_1175 {strides = array<i32>} : memref<128x16xf32, #tpu.memory_space<vmem>>, vector<1x16xf32>,
      %slice3A_1176 = vector.extract_strided_slice %min3A {offsets = [5], sizes = [1], strides = [1]} : vector<16xi32> to vector<1xi32>
      %squeeze3A_1177 = vector.extract %slice3A_1176[0] : i32 from vector<1xi32>
      %mul3A_1178 = arith.constant 16 : i32
      %mul3A_1179 = arith.muli %add3A_85, %mul3A_1178 : i32
      %add3A_1180 = arith.constant 5 : i32
      %add3A_1181 = arith.addi %mul3A_1179, %add3A_1180 : i32
      %swap3A_1182 = arith.index_cast %add3A_1181 : i32 to index
      %swap3A_1183 = memref.load %arg15[%swap3A_1182] : memref<128xi32, #tpu.memory_space<smem>>
      memref.store %squeeze3A_1177, %arg15[%swap3A_1182] : memref<128xi32, #tpu.memory_space<smem>>
      %slice3A_1184 = vector.extract_strided_slice %div3A {offsets = [5], sizes = [1], strides = [1]} : vector<16xf32> to vector<1xf32>
      %squeeze3A_1185 = vector.extract %slice3A_1184[0] : f32 from vector<1xf32>
      %broadcast_in_dim3A_1186 = vector.broadcast %squeeze3A_1185 : f32 to vector<16xf32>
      %mul3A_1187 = arith.constant 16 : i32
      %mul3A_1188 = arith.muli %add3A_85, %mul3A_1187 : i32
      %add3A_1189 = arith.constant 5 : i32
      %add3A_1190 = arith.addi %mul3A_1188, %add3A_1189 : i32
      %swap3A_1191 = arith.index_cast %add3A_1190 : i32 to index
      %swap3A_1192 = arith.constant 0 : index
      %swap3A_1193 = tpu.vector_load %arg10[%swap3A_1191, %swap3A_1192] {strides = array<i32>} : memref<128x16xf32, #tpu.memory_space<vmem>>, vector<1x16xf32>,
      %swap3A_1194 = vector.shape_cast %swap3A_1193 : vector<1x16xf32> to vector<16xf32>
      %swap3A_1195 = vector.shape_cast %broadcast_in_dim3A_1186 : vector<16xf32> to vector<1x16xf32>
      tpu.vector_store %arg10[%swap3A_1191, %swap3A_1192], %swap3A_1195 {strides = array<i32>} : memref<128x16xf32, #tpu.memory_space<vmem>>, vector<1x16xf32>,
      %slice3A_1196 = vector.extract_strided_slice %min3A {offsets = [6], sizes = [1], strides = [1]} : vector<16xi32> to vector<1xi32>
      %squeeze3A_1197 = vector.extract %slice3A_1196[0] : i32 from vector<1xi32>
      %mul3A_1198 = arith.constant 16 : i32
      %mul3A_1199 = arith.muli %add3A_85, %mul3A_1198 : i32
      %add3A_1200 = arith.constant 6 : i32
      %add3A_1201 = arith.addi %mul3A_1199, %add3A_1200 : i32
      %swap3A_1202 = arith.index_cast %add3A_1201 : i32 to index
      %swap3A_1203 = memref.load %arg15[%swap3A_1202] : memref<128xi32, #tpu.memory_space<smem>>
      memref.store %squeeze3A_1197, %arg15[%swap3A_1202] : memref<128xi32, #tpu.memory_space<smem>>
      %slice3A_1204 = vector.extract_strided_slice %div3A {offsets = [6], sizes = [1], strides = [1]} : vector<16xf32> to vector<1xf32>
      %squeeze3A_1205 = vector.extract %slice3A_1204[0] : f32 from vector<1xf32>
      %broadcast_in_dim3A_1206 = vector.broadcast %squeeze3A_1205 : f32 to vector<16xf32>
      %mul3A_1207 = arith.constant 16 : i32
      %mul3A_1208 = arith.muli %add3A_85, %mul3A_1207 : i32
      %add3A_1209 = arith.constant 6 : i32
      %add3A_1210 = arith.addi %mul3A_1208, %add3A_1209 : i32
      %swap3A_1211 = arith.index_cast %add3A_1210 : i32 to index
      %swap3A_1212 = arith.constant 0 : index
      %swap3A_1213 = tpu.vector_load %arg10[%swap3A_1211, %swap3A_1212] {strides = array<i32>} : memref<128x16xf32, #tpu.memory_space<vmem>>, vector<1x16xf32>,
      %swap3A_1214 = vector.shape_cast %swap3A_1213 : vector<1x16xf32> to vector<16xf32>
      %swap3A_1215 = vector.shape_cast %broadcast_in_dim3A_1206 : vector<16xf32> to vector<1x16xf32>
      tpu.vector_store %arg10[%swap3A_1211, %swap3A_1212], %swap3A_1215 {strides = array<i32>} : memref<128x16xf32, #tpu.memory_space<vmem>>, vector<1x16xf32>,
      %slice3A_1216 = vector.extract_strided_slice %min3A {offsets = [7], sizes = [1], strides = [1]} : vector<16xi32> to vector<1xi32>
      %squeeze3A_1217 = vector.extract %slice3A_1216[0] : i32 from vector<1xi32>
      %mul3A_1218 = arith.constant 16 : i32
      %mul3A_1219 = arith.muli %add3A_85, %mul3A_1218 : i32
      %add3A_1220 = arith.constant 7 : i32
      %add3A_1221 = arith.addi %mul3A_1219, %add3A_1220 : i32
      %swap3A_1222 = arith.index_cast %add3A_1221 : i32 to index
      %swap3A_1223 = memref.load %arg15[%swap3A_1222] : memref<128xi32, #tpu.memory_space<smem>>
      memref.store %squeeze3A_1217, %arg15[%swap3A_1222] : memref<128xi32, #tpu.memory_space<smem>>
      %slice3A_1224 = vector.extract_strided_slice %div3A {offsets = [7], sizes = [1], strides = [1]} : vector<16xf32> to vector<1xf32>
      %squeeze3A_1225 = vector.extract %slice3A_1224[0] : f32 from vector<1xf32>
      %broadcast_in_dim3A_1226 = vector.broadcast %squeeze3A_1225 : f32 to vector<16xf32>
      %mul3A_1227 = arith.constant 16 : i32
      %mul3A_1228 = arith.muli %add3A_85, %mul3A_1227 : i32
      %add3A_1229 = arith.constant 7 : i32
      %add3A_1230 = arith.addi %mul3A_1228, %add3A_1229 : i32
      %swap3A_1231 = arith.index_cast %add3A_1230 : i32 to index
      %swap3A_1232 = arith.constant 0 : index
      %swap3A_1233 = tpu.vector_load %arg10[%swap3A_1231, %swap3A_1232] {strides = array<i32>} : memref<128x16xf32, #tpu.memory_space<vmem>>, vector<1x16xf32>,
      %swap3A_1234 = vector.shape_cast %swap3A_1233 : vector<1x16xf32> to vector<16xf32>
      %swap3A_1235 = vector.shape_cast %broadcast_in_dim3A_1226 : vector<16xf32> to vector<1x16xf32>
      tpu.vector_store %arg10[%swap3A_1231, %swap3A_1232], %swap3A_1235 {strides = array<i32>} : memref<128x16xf32, #tpu.memory_space<vmem>>, vector<1x16xf32>,
      %slice3A_1236 = vector.extract_strided_slice %min3A {offsets = [8], sizes = [1], strides = [1]} : vector<16xi32> to vector<1xi32>
      %squeeze3A_1237 = vector.extract %slice3A_1236[0] : i32 from vector<1xi32>
      %mul3A_1238 = arith.constant 16 : i32
      %mul3A_1239 = arith.muli %add3A_85, %mul3A_1238 : i32
      %add3A_1240 = arith.constant 8 : i32
      %add3A_1241 = arith.addi %mul3A_1239, %add3A_1240 : i32
      %swap3A_1242 = arith.index_cast %add3A_1241 : i32 to index
      %swap3A_1243 = memref.load %arg15[%swap3A_1242] : memref<128xi32, #tpu.memory_space<smem>>
      memref.store %squeeze3A_1237, %arg15[%swap3A_1242] : memref<128xi32, #tpu.memory_space<smem>>
      %slice3A_1244 = vector.extract_strided_slice %div3A {offsets = [8], sizes = [1], strides = [1]} : vector<16xf32> to vector<1xf32>
      %squeeze3A_1245 = vector.extract %slice3A_1244[0] : f32 from vector<1xf32>
      %broadcast_in_dim3A_1246 = vector.broadcast %squeeze3A_1245 : f32 to vector<16xf32>
      %mul3A_1247 = arith.constant 16 : i32
      %mul3A_1248 = arith.muli %add3A_85, %mul3A_1247 : i32
      %add3A_1249 = arith.constant 8 : i32
      %add3A_1250 = arith.addi %mul3A_1248, %add3A_1249 : i32
      %swap3A_1251 = arith.index_cast %add3A_1250 : i32 to index
      %swap3A_1252 = arith.constant 0 : index
      %swap3A_1253 = tpu.vector_load %arg10[%swap3A_1251, %swap3A_1252] {strides = array<i32>} : memref<128x16xf32, #tpu.memory_space<vmem>>, vector<1x16xf32>,
      %swap3A_1254 = vector.shape_cast %swap3A_1253 : vector<1x16xf32> to vector<16xf32>
      %swap3A_1255 = vector.shape_cast %broadcast_in_dim3A_1246 : vector<16xf32> to vector<1x16xf32>
      tpu.vector_store %arg10[%swap3A_1251, %swap3A_1252], %swap3A_1255 {strides = array<i32>} : memref<128x16xf32, #tpu.memory_space<vmem>>, vector<1x16xf32>,
      %slice3A_1256 = vector.extract_strided_slice %min3A {offsets = [9], sizes = [1], strides = [1]} : vector<16xi32> to vector<1xi32>
      %squeeze3A_1257 = vector.extract %slice3A_1256[0] : i32 from vector<1xi32>
      %mul3A_1258 = arith.constant 16 : i32
      %mul3A_1259 = arith.muli %add3A_85, %mul3A_1258 : i32
      %add3A_1260 = arith.constant 9 : i32
      %add3A_1261 = arith.addi %mul3A_1259, %add3A_1260 : i32
      %swap3A_1262 = arith.index_cast %add3A_1261 : i32 to index
      %swap3A_1263 = memref.load %arg15[%swap3A_1262] : memref<128xi32, #tpu.memory_space<smem>>
      memref.store %squeeze3A_1257, %arg15[%swap3A_1262] : memref<128xi32, #tpu.memory_space<smem>>
      %slice3A_1264 = vector.extract_strided_slice %div3A {offsets = [9], sizes = [1], strides = [1]} : vector<16xf32> to vector<1xf32>
      %squeeze3A_1265 = vector.extract %slice3A_1264[0] : f32 from vector<1xf32>
      %broadcast_in_dim3A_1266 = vector.broadcast %squeeze3A_1265 : f32 to vector<16xf32>
      %mul3A_1267 = arith.constant 16 : i32
      %mul3A_1268 = arith.muli %add3A_85, %mul3A_1267 : i32
      %add3A_1269 = arith.constant 9 : i32
      %add3A_1270 = arith.addi %mul3A_1268, %add3A_1269 : i32
      %swap3A_1271 = arith.index_cast %add3A_1270 : i32 to index
      %swap3A_1272 = arith.constant 0 : index
      %swap3A_1273 = tpu.vector_load %arg10[%swap3A_1271, %swap3A_1272] {strides = array<i32>} : memref<128x16xf32, #tpu.memory_space<vmem>>, vector<1x16xf32>,
      %swap3A_1274 = vector.shape_cast %swap3A_1273 : vector<1x16xf32> to vector<16xf32>
      %swap3A_1275 = vector.shape_cast %broadcast_in_dim3A_1266 : vector<16xf32> to vector<1x16xf32>
      tpu.vector_store %arg10[%swap3A_1271, %swap3A_1272], %swap3A_1275 {strides = array<i32>} : memref<128x16xf32, #tpu.memory_space<vmem>>, vector<1x16xf32>,
      %slice3A_1276 = vector.extract_strided_slice %min3A {offsets = [10], sizes = [1], strides = [1]} : vector<16xi32> to vector<1xi32>
      %squeeze3A_1277 = vector.extract %slice3A_1276[0] : i32 from vector<1xi32>
      %mul3A_1278 = arith.constant 16 : i32
      %mul3A_1279 = arith.muli %add3A_85, %mul3A_1278 : i32
      %add3A_1280 = arith.constant 10 : i32
      %add3A_1281 = arith.addi %mul3A_1279, %add3A_1280 : i32
      %swap3A_1282 = arith.index_cast %add3A_1281 : i32 to index
      %swap3A_1283 = memref.load %arg15[%swap3A_1282] : memref<128xi32, #tpu.memory_space<smem>>
      memref.store %squeeze3A_1277, %arg15[%swap3A_1282] : memref<128xi32, #tpu.memory_space<smem>>
      %slice3A_1284 = vector.extract_strided_slice %div3A {offsets = [10], sizes = [1], strides = [1]} : vector<16xf32> to vector<1xf32>
      %squeeze3A_1285 = vector.extract %slice3A_1284[0] : f32 from vector<1xf32>
      %broadcast_in_dim3A_1286 = vector.broadcast %squeeze3A_1285 : f32 to vector<16xf32>
      %mul3A_1287 = arith.constant 16 : i32
      %mul3A_1288 = arith.muli %add3A_85, %mul3A_1287 : i32
      %add3A_1289 = arith.constant 10 : i32
      %add3A_1290 = arith.addi %mul3A_1288, %add3A_1289 : i32
      %swap3A_1291 = arith.index_cast %add3A_1290 : i32 to index
      %swap3A_1292 = arith.constant 0 : index
      %swap3A_1293 = tpu.vector_load %arg10[%swap3A_1291, %swap3A_1292] {strides = array<i32>} : memref<128x16xf32, #tpu.memory_space<vmem>>, vector<1x16xf32>,
      %swap3A_1294 = vector.shape_cast %swap3A_1293 : vector<1x16xf32> to vector<16xf32>
      %swap3A_1295 = vector.shape_cast %broadcast_in_dim3A_1286 : vector<16xf32> to vector<1x16xf32>
      tpu.vector_store %arg10[%swap3A_1291, %swap3A_1292], %swap3A_1295 {strides = array<i32>} : memref<128x16xf32, #tpu.memory_space<vmem>>, vector<1x16xf32>,
      %slice3A_1296 = vector.extract_strided_slice %min3A {offsets = [11], sizes = [1], strides = [1]} : vector<16xi32> to vector<1xi32>
      %squeeze3A_1297 = vector.extract %slice3A_1296[0] : i32 from vector<1xi32>
      %mul3A_1298 = arith.constant 16 : i32
      %mul3A_1299 = arith.muli %add3A_85, %mul3A_1298 : i32
      %add3A_1300 = arith.constant 11 : i32
      %add3A_1301 = arith.addi %mul3A_1299, %add3A_1300 : i32
      %swap3A_1302 = arith.index_cast %add3A_1301 : i32 to index
      %swap3A_1303 = memref.load %arg15[%swap3A_1302] : memref<128xi32, #tpu.memory_space<smem>>
      memref.store %squeeze3A_1297, %arg15[%swap3A_1302] : memref<128xi32, #tpu.memory_space<smem>>
      %slice3A_1304 = vector.extract_strided_slice %div3A {offsets = [11], sizes = [1], strides = [1]} : vector<16xf32> to vector<1xf32>
      %squeeze3A_1305 = vector.extract %slice3A_1304[0] : f32 from vector<1xf32>
      %broadcast_in_dim3A_1306 = vector.broadcast %squeeze3A_1305 : f32 to vector<16xf32>
      %mul3A_1307 = arith.constant 16 : i32
      %mul3A_1308 = arith.muli %add3A_85, %mul3A_1307 : i32
      %add3A_1309 = arith.constant 11 : i32
      %add3A_1310 = arith.addi %mul3A_1308, %add3A_1309 : i32
      %swap3A_1311 = arith.index_cast %add3A_1310 : i32 to index
      %swap3A_1312 = arith.constant 0 : index
      %swap3A_1313 = tpu.vector_load %arg10[%swap3A_1311, %swap3A_1312] {strides = array<i32>} : memref<128x16xf32, #tpu.memory_space<vmem>>, vector<1x16xf32>,
      %swap3A_1314 = vector.shape_cast %swap3A_1313 : vector<1x16xf32> to vector<16xf32>
      %swap3A_1315 = vector.shape_cast %broadcast_in_dim3A_1306 : vector<16xf32> to vector<1x16xf32>
      tpu.vector_store %arg10[%swap3A_1311, %swap3A_1312], %swap3A_1315 {strides = array<i32>} : memref<128x16xf32, #tpu.memory_space<vmem>>, vector<1x16xf32>,
      %slice3A_1316 = vector.extract_strided_slice %min3A {offsets = [12], sizes = [1], strides = [1]} : vector<16xi32> to vector<1xi32>
      %squeeze3A_1317 = vector.extract %slice3A_1316[0] : i32 from vector<1xi32>
      %mul3A_1318 = arith.constant 16 : i32
      %mul3A_1319 = arith.muli %add3A_85, %mul3A_1318 : i32
      %add3A_1320 = arith.constant 12 : i32
      %add3A_1321 = arith.addi %mul3A_1319, %add3A_1320 : i32
      %swap3A_1322 = arith.index_cast %add3A_1321 : i32 to index
      %swap3A_1323 = memref.load %arg15[%swap3A_1322] : memref<128xi32, #tpu.memory_space<smem>>
      memref.store %squeeze3A_1317, %arg15[%swap3A_1322] : memref<128xi32, #tpu.memory_space<smem>>
      %slice3A_1324 = vector.extract_strided_slice %div3A {offsets = [12], sizes = [1], strides = [1]} : vector<16xf32> to vector<1xf32>
      %squeeze3A_1325 = vector.extract %slice3A_1324[0] : f32 from vector<1xf32>
      %broadcast_in_dim3A_1326 = vector.broadcast %squeeze3A_1325 : f32 to vector<16xf32>
      %mul3A_1327 = arith.constant 16 : i32
      %mul3A_1328 = arith.muli %add3A_85, %mul3A_1327 : i32
      %add3A_1329 = arith.constant 12 : i32
      %add3A_1330 = arith.addi %mul3A_1328, %add3A_1329 : i32
      %swap3A_1331 = arith.index_cast %add3A_1330 : i32 to index
      %swap3A_1332 = arith.constant 0 : index
      %swap3A_1333 = tpu.vector_load %arg10[%swap3A_1331, %swap3A_1332] {strides = array<i32>} : memref<128x16xf32, #tpu.memory_space<vmem>>, vector<1x16xf32>,
      %swap3A_1334 = vector.shape_cast %swap3A_1333 : vector<1x16xf32> to vector<16xf32>
      %swap3A_1335 = vector.shape_cast %broadcast_in_dim3A_1326 : vector<16xf32> to vector<1x16xf32>
      tpu.vector_store %arg10[%swap3A_1331, %swap3A_1332], %swap3A_1335 {strides = array<i32>} : memref<128x16xf32, #tpu.memory_space<vmem>>, vector<1x16xf32>,
      %slice3A_1336 = vector.extract_strided_slice %min3A {offsets = [13], sizes = [1], strides = [1]} : vector<16xi32> to vector<1xi32>
      %squeeze3A_1337 = vector.extract %slice3A_1336[0] : i32 from vector<1xi32>
      %mul3A_1338 = arith.constant 16 : i32
      %mul3A_1339 = arith.muli %add3A_85, %mul3A_1338 : i32
      %add3A_1340 = arith.constant 13 : i32
      %add3A_1341 = arith.addi %mul3A_1339, %add3A_1340 : i32
      %swap3A_1342 = arith.index_cast %add3A_1341 : i32 to index
      %swap3A_1343 = memref.load %arg15[%swap3A_1342] : memref<128xi32, #tpu.memory_space<smem>>
      memref.store %squeeze3A_1337, %arg15[%swap3A_1342] : memref<128xi32, #tpu.memory_space<smem>>
      %slice3A_1344 = vector.extract_strided_slice %div3A {offsets = [13], sizes = [1], strides = [1]} : vector<16xf32> to vector<1xf32>
      %squeeze3A_1345 = vector.extract %slice3A_1344[0] : f32 from vector<1xf32>
      %broadcast_in_dim3A_1346 = vector.broadcast %squeeze3A_1345 : f32 to vector<16xf32>
      %mul3A_1347 = arith.constant 16 : i32
      %mul3A_1348 = arith.muli %add3A_85, %mul3A_1347 : i32
      %add3A_1349 = arith.constant 13 : i32
      %add3A_1350 = arith.addi %mul3A_1348, %add3A_1349 : i32
      %swap3A_1351 = arith.index_cast %add3A_1350 : i32 to index
      %swap3A_1352 = arith.constant 0 : index
      %swap3A_1353 = tpu.vector_load %arg10[%swap3A_1351, %swap3A_1352] {strides = array<i32>} : memref<128x16xf32, #tpu.memory_space<vmem>>, vector<1x16xf32>,
      %swap3A_1354 = vector.shape_cast %swap3A_1353 : vector<1x16xf32> to vector<16xf32>
      %swap3A_1355 = vector.shape_cast %broadcast_in_dim3A_1346 : vector<16xf32> to vector<1x16xf32>
      tpu.vector_store %arg10[%swap3A_1351, %swap3A_1352], %swap3A_1355 {strides = array<i32>} : memref<128x16xf32, #tpu.memory_space<vmem>>, vector<1x16xf32>,
      %slice3A_1356 = vector.extract_strided_slice %min3A {offsets = [14], sizes = [1], strides = [1]} : vector<16xi32> to vector<1xi32>
      %squeeze3A_1357 = vector.extract %slice3A_1356[0] : i32 from vector<1xi32>
      %mul3A_1358 = arith.constant 16 : i32
      %mul3A_1359 = arith.muli %add3A_85, %mul3A_1358 : i32
      %add3A_1360 = arith.constant 14 : i32
      %add3A_1361 = arith.addi %mul3A_1359, %add3A_1360 : i32
      %swap3A_1362 = arith.index_cast %add3A_1361 : i32 to index
      %swap3A_1363 = memref.load %arg15[%swap3A_1362] : memref<128xi32, #tpu.memory_space<smem>>
      memref.store %squeeze3A_1357, %arg15[%swap3A_1362] : memref<128xi32, #tpu.memory_space<smem>>
      %slice3A_1364 = vector.extract_strided_slice %div3A {offsets = [14], sizes = [1], strides = [1]} : vector<16xf32> to vector<1xf32>
      %squeeze3A_1365 = vector.extract %slice3A_1364[0] : f32 from vector<1xf32>
      %broadcast_in_dim3A_1366 = vector.broadcast %squeeze3A_1365 : f32 to vector<16xf32>
      %mul3A_1367 = arith.constant 16 : i32
      %mul3A_1368 = arith.muli %add3A_85, %mul3A_1367 : i32
      %add3A_1369 = arith.constant 14 : i32
      %add3A_1370 = arith.addi %mul3A_1368, %add3A_1369 : i32
      %swap3A_1371 = arith.index_cast %add3A_1370 : i32 to index
      %swap3A_1372 = arith.constant 0 : index
      %swap3A_1373 = tpu.vector_load %arg10[%swap3A_1371, %swap3A_1372] {strides = array<i32>} : memref<128x16xf32, #tpu.memory_space<vmem>>, vector<1x16xf32>,
      %swap3A_1374 = vector.shape_cast %swap3A_1373 : vector<1x16xf32> to vector<16xf32>
      %swap3A_1375 = vector.shape_cast %broadcast_in_dim3A_1366 : vector<16xf32> to vector<1x16xf32>
      tpu.vector_store %arg10[%swap3A_1371, %swap3A_1372], %swap3A_1375 {strides = array<i32>} : memref<128x16xf32, #tpu.memory_space<vmem>>, vector<1x16xf32>,
      %slice3A_1376 = vector.extract_strided_slice %min3A {offsets = [15], sizes = [1], strides = [1]} : vector<16xi32> to vector<1xi32>
      %squeeze3A_1377 = vector.extract %slice3A_1376[0] : i32 from vector<1xi32>
      %mul3A_1378 = arith.constant 16 : i32
      %mul3A_1379 = arith.muli %add3A_85, %mul3A_1378 : i32
      %add3A_1380 = arith.constant 15 : i32
      %add3A_1381 = arith.addi %mul3A_1379, %add3A_1380 : i32
      %swap3A_1382 = arith.index_cast %add3A_1381 : i32 to index
      %swap3A_1383 = memref.load %arg15[%swap3A_1382] : memref<128xi32, #tpu.memory_space<smem>>
      memref.store %squeeze3A_1377, %arg15[%swap3A_1382] : memref<128xi32, #tpu.memory_space<smem>>
      %slice3A_1384 = vector.extract_strided_slice %div3A {offsets = [15], sizes = [1], strides = [1]} : vector<16xf32> to vector<1xf32>
      %squeeze3A_1385 = vector.extract %slice3A_1384[0] : f32 from vector<1xf32>
      %broadcast_in_dim3A_1386 = vector.broadcast %squeeze3A_1385 : f32 to vector<16xf32>
      %mul3A_1387 = arith.constant 16 : i32
      %mul3A_1388 = arith.muli %add3A_85, %mul3A_1387 : i32
      %add3A_1389 = arith.constant 15 : i32
      %add3A_1390 = arith.addi %mul3A_1388, %add3A_1389 : i32
      %swap3A_1391 = arith.index_cast %add3A_1390 : i32 to index
      %swap3A_1392 = arith.constant 0 : index
      %swap3A_1393 = tpu.vector_load %arg10[%swap3A_1391, %swap3A_1392] {strides = array<i32>} : memref<128x16xf32, #tpu.memory_space<vmem>>, vector<1x16xf32>,
      %swap3A_1394 = vector.shape_cast %swap3A_1393 : vector<1x16xf32> to vector<16xf32>
      %swap3A_1395 = vector.shape_cast %broadcast_in_dim3A_1386 : vector<16xf32> to vector<1x16xf32>
      tpu.vector_store %arg10[%swap3A_1391, %swap3A_1392], %swap3A_1395 {strides = array<i32>} : memref<128x16xf32, #tpu.memory_space<vmem>>, vector<1x16xf32>,
    }
    %scan3A_13 = arith.constant 8 : i32
    %dma_start3A = arith.constant 1 : i32
    %dma_start3A_14 = arith.constant 0 : i32
    %dma_start3A_15 = tpu.memref_slice %arg13[%dma_start3A, %dma_start3A_14] : memref<128x128xf32, #tpu.memory_space<vmem>> -> memref<62x128xf32, #tpu.memory_space<vmem>>
    %dma_start3A_16 = arith.constant 0 : i32
    %dma_start3A_17 = arith.constant 0 : i32
    %dma_start3A_18 = tpu.memref_slice %arg3[%dma_start3A_16, %mul3A_2, %dma_start3A_17] : memref<62x4096x128xf32, #tpu.memory_space<hbm>> -> memref<62x1x128xf32, #tpu.memory_space<hbm>>
    %dma_start3A_19 = tpu.memref_squeeze %dma_start3A_18 : memref<62x1x128xf32, #tpu.memory_space<hbm>> -> memref<62x128xf32, #tpu.memory_space<hbm>>
    %dma_start3A_20 = arith.constant 1 : i32
    %dma_start3A_21 = arith.constant 0 : i32
    %dma_start3A_22 = tpu.memref_slice %arg13[%dma_start3A_20, %dma_start3A_21] : memref<128x128xf32, #tpu.memory_space<vmem>> -> memref<62x128xf32, #tpu.memory_space<vmem>>
    %dma_start3A_23 = arith.constant 0 : i32
    %dma_start3A_24 = arith.constant 0 : i32
    %dma_start3A_25 = tpu.memref_slice %arg3[%dma_start3A_23, %mul3A_2, %dma_start3A_24] : memref<62x4096x128xf32, #tpu.memory_space<hbm>> -> memref<62x1x128xf32, #tpu.memory_space<hbm>>
    %dma_start3A_26 = tpu.memref_squeeze %dma_start3A_25 : memref<62x1x128xf32, #tpu.memory_space<hbm>> -> memref<62x128xf32, #tpu.memory_space<hbm>>
    tpu.enqueue_dma source(%dma_start3A_26 : memref<62x128xf32, #tpu.memory_space<hbm>>) target(%dma_start3A_22 : memref<62x128xf32, #tpu.memory_space<vmem>>) target_semaphore(%arg16 : memref<!tpu.dma_semaphore, #tpu.memory_space<semaphore_mem>>)
    %add3A_27 = arith.constant 1 : i32
    %add3A_28 = arith.addi %mul3A_2, %add3A_27 : i32
    %dma_start3A_29 = arith.constant 65 : i32
    %dma_start3A_30 = arith.constant 0 : i32
    %dma_start3A_31 = tpu.memref_slice %arg13[%dma_start3A_29, %dma_start3A_30] : memref<128x128xf32, #tpu.memory_space<vmem>> -> memref<62x128xf32, #tpu.memory_space<vmem>>
    %dma_start3A_32 = arith.constant 0 : i32
    %dma_start3A_33 = arith.constant 0 : i32
    %dma_start3A_34 = tpu.memref_slice %arg3[%dma_start3A_32, %add3A_28, %dma_start3A_33] : memref<62x4096x128xf32, #tpu.memory_space<hbm>> -> memref<62x1x128xf32, #tpu.memory_space<hbm>>
    %dma_start3A_35 = tpu.memref_squeeze %dma_start3A_34 : memref<62x1x128xf32, #tpu.memory_space<hbm>> -> memref<62x128xf32, #tpu.memory_space<hbm>>
    %dma_start3A_36 = arith.constant 65 : i32
    %dma_start3A_37 = arith.constant 0 : i32
    %dma_start3A_38 = tpu.memref_slice %arg13[%dma_start3A_36, %dma_start3A_37] : memref<128x128xf32, #tpu.memory_space<vmem>> -> memref<62x128xf32, #tpu.memory_space<vmem>>
    %dma_start3A_39 = arith.constant 0 : i32
    %dma_start3A_40 = arith.constant 0 : i32
    %dma_start3A_41 = tpu.memref_slice %arg3[%dma_start3A_39, %add3A_28, %dma_start3A_40] : memref<62x4096x128xf32, #tpu.memory_space<hbm>> -> memref<62x1x128xf32, #tpu.memory_space<hbm>>
    %dma_start3A_42 = tpu.memref_squeeze %dma_start3A_41 : memref<62x1x128xf32, #tpu.memory_space<hbm>> -> memref<62x128xf32, #tpu.memory_space<hbm>>
    tpu.enqueue_dma source(%dma_start3A_42 : memref<62x128xf32, #tpu.memory_space<hbm>>) target(%dma_start3A_38 : memref<62x128xf32, #tpu.memory_space<vmem>>) target_semaphore(%arg17 : memref<!tpu.dma_semaphore, #tpu.memory_space<semaphore_mem>>)
    %scan3A_43 = arith.constant 0 : i32
    %scan3A_44 = arith.constant 64 : i32
    %scan3A_45 = arith.addi %scan3A_43, %scan3A_44 : i32
    %scan3A_46 = arith.constant 1 : i32
    scf.for %scan3A_81 = %scan3A_43 to %scan3A_45 step %scan3A_46  : i32 {
      %mul3A_82 = arith.constant 2 : i32
      %mul3A_83 = arith.muli %scan3A_81, %mul3A_82 : i32
      %add3A_84 = arith.constant 0 : i32
      %add3A_85 = arith.addi %add3A_84, %mul3A_83 : i32
      %add3A_86 = arith.constant 0 : i32
      %add3A_87 = arith.addi %add3A_85, %add3A_86 : i32
      %dma_wait3A_88 = arith.constant 1 : i32
      %dma_wait3A_89 = arith.constant 0 : i32
      %dma_wait3A_90 = tpu.memref_slice %arg13[%dma_wait3A_88, %dma_wait3A_89] : memref<128x128xf32, #tpu.memory_space<vmem>> -> memref<62x128xf32, #tpu.memory_space<vmem>>
      %dma_wait3A_91 = arith.constant 0 : i32
      %dma_wait3A_92 = arith.constant 0 : i32
      %dma_wait3A_93 = tpu.memref_slice %arg3[%dma_wait3A_91, %mul3A_2, %dma_wait3A_92] : memref<62x4096x128xf32, #tpu.memory_space<hbm>> -> memref<62x1x128xf32, #tpu.memory_space<hbm>>
      %dma_wait3A_94 = tpu.memref_squeeze %dma_wait3A_93 : memref<62x1x128xf32, #tpu.memory_space<hbm>> -> memref<62x128xf32, #tpu.memory_space<hbm>>
      %dma_wait3A_95 = arith.constant 1 : i32
      %dma_wait3A_96 = arith.constant 0 : i32
      %dma_wait3A_97 = tpu.memref_slice %arg13[%dma_wait3A_95, %dma_wait3A_96] : memref<128x128xf32, #tpu.memory_space<vmem>> -> memref<62x128xf32, #tpu.memory_space<vmem>>
      %dma_wait3A_98 = arith.constant 0 : i32
      %dma_wait3A_99 = arith.constant 0 : i32
      %dma_wait3A_100 = tpu.memref_slice %arg3[%dma_wait3A_98, %mul3A_2, %dma_wait3A_99] : memref<62x4096x128xf32, #tpu.memory_space<hbm>> -> memref<62x1x128xf32, #tpu.memory_space<hbm>>
      %dma_wait3A_101 = tpu.memref_squeeze %dma_wait3A_100 : memref<62x1x128xf32, #tpu.memory_space<hbm>> -> memref<62x128xf32, #tpu.memory_space<hbm>>
      tpu.wait_dma2 semaphore(%arg16 : memref<!tpu.dma_semaphore, #tpu.memory_space<semaphore_mem>>) src(%dma_wait3A_101 : memref<62x128xf32, #tpu.memory_space<hbm>>) dst(%dma_wait3A_97 : memref<62x128xf32, #tpu.memory_space<vmem>>)
      %ge3A = arith.constant 2 : i32
      %ge3A_102 = arith.cmpi sge, %add3A_87, %ge3A : i32
      %convert_element_type3A = arith.extui %ge3A_102 : i1 to i32
      %cond3A = arith.constant 0 : i32
      %cond3A_103 = arith.cmpi ne, %convert_element_type3A, %cond3A : i32
      scf.if %cond3A_103 {
        %dma_wait3A_497 = arith.constant 0 : i32
        %dma_wait3A_498 = arith.constant 0 : i32
        %dma_wait3A_499 = arith.constant 0 : i32
        %dma_wait3A_500 = tpu.memref_slice %arg14[%dma_wait3A_497, %dma_wait3A_498, %dma_wait3A_499] : memref<2x128x128xf32, #tpu.memory_space<vmem>> -> memref<1x128x128xf32, #tpu.memory_space<vmem>>
        %dma_wait3A_501 = tpu.memref_squeeze %dma_wait3A_500 : memref<1x128x128xf32, #tpu.memory_space<vmem>> -> memref<128x128xf32, #tpu.memory_space<vmem>>
        %dma_wait3A_502 = arith.constant 0 : i32
        %dma_wait3A_503 = arith.constant 0 : i32
        %dma_wait3A_504 = tpu.memref_slice %arg7[%mul3A_2, %dma_wait3A_502, %dma_wait3A_503] : memref<4096x128x128xf32, #tpu.memory_space<hbm>> -> memref<1x128x128xf32, #tpu.memory_space<hbm>>
        %dma_wait3A_505 = tpu.memref_squeeze %dma_wait3A_504 : memref<1x128x128xf32, #tpu.memory_space<hbm>> -> memref<128x128xf32, #tpu.memory_space<hbm>>
        %dma_wait3A_506 = arith.constant 0 : i32
        %dma_wait3A_507 = arith.constant 0 : i32
        %dma_wait3A_508 = tpu.memref_slice %arg7[%mul3A_2, %dma_wait3A_506, %dma_wait3A_507] : memref<4096x128x128xf32, #tpu.memory_space<hbm>> -> memref<1x128x128xf32, #tpu.memory_space<hbm>>
        %dma_wait3A_509 = tpu.memref_squeeze %dma_wait3A_508 : memref<1x128x128xf32, #tpu.memory_space<hbm>> -> memref<128x128xf32, #tpu.memory_space<hbm>>
        %dma_wait3A_510 = arith.constant 0 : i32
        %dma_wait3A_511 = arith.constant 0 : i32
        %dma_wait3A_512 = tpu.memref_slice %arg14[%dma_wait3A_497, %dma_wait3A_510, %dma_wait3A_511] : memref<2x128x128xf32, #tpu.memory_space<vmem>> -> memref<1x128x128xf32, #tpu.memory_space<vmem>>
        %dma_wait3A_513 = tpu.memref_squeeze %dma_wait3A_512 : memref<1x128x128xf32, #tpu.memory_space<vmem>> -> memref<128x128xf32, #tpu.memory_space<vmem>>
        tpu.wait_dma2 semaphore(%arg18 : memref<!tpu.dma_semaphore, #tpu.memory_space<semaphore_mem>>) src(%dma_wait3A_513 : memref<128x128xf32, #tpu.memory_space<vmem>>) dst(%dma_wait3A_509 : memref<128x128xf32, #tpu.memory_space<hbm>>)
      } else {
      }
      %get3A = arith.index_cast %add3A_87 : i32 to index
      %get3A_104 = arith.constant 0 : index
      %get3A_105 = tpu.vector_load %arg11[%get3A, %get3A_104] {strides = array<i32>} : memref<128x128xf32, #tpu.memory_space<vmem>>, vector<1x16xf32>,
      %get3A_106 = vector.shape_cast %get3A_105 : vector<1x16xf32> to vector<16xf32>
      %swap3A = arith.constant 0 : i32
      %swap3A_107 = arith.index_cast %swap3A : i32 to index
      %swap3A_108 = arith.constant 0 : index
      %swap3A_109 = tpu.vector_load %arg13[%swap3A_107, %swap3A_108] {strides = array<i32>} : memref<128x128xf32, #tpu.memory_space<vmem>>, vector<1x16xf32>,
      %swap3A_110 = vector.shape_cast %swap3A_109 : vector<1x16xf32> to vector<16xf32>
      %swap3A_111 = vector.shape_cast %get3A_106 : vector<16xf32> to vector<1x16xf32>
      tpu.vector_store %arg13[%swap3A_107, %swap3A_108], %swap3A_111 {strides = array<i32>} : memref<128x128xf32, #tpu.memory_space<vmem>>, vector<1x16xf32>,
      %get3A_112 = arith.index_cast %add3A_87 : i32 to index
      %get3A_113 = arith.constant 0 : index
      %get3A_114 = tpu.vector_load %arg12[%get3A_112, %get3A_113] {strides = array<i32>} : memref<128x128xf32, #tpu.memory_space<vmem>>, vector<1x16xf32>,
      %get3A_115 = vector.shape_cast %get3A_114 : vector<1x16xf32> to vector<16xf32>
      %swap3A_116 = arith.constant 63 : i32
      %swap3A_117 = arith.index_cast %swap3A_116 : i32 to index
      %swap3A_118 = arith.constant 0 : index
      %swap3A_119 = tpu.vector_load %arg13[%swap3A_117, %swap3A_118] {strides = array<i32>} : memref<128x128xf32, #tpu.memory_space<vmem>>, vector<1x16xf32>,
      %swap3A_120 = vector.shape_cast %swap3A_119 : vector<1x16xf32> to vector<16xf32>
      %swap3A_121 = vector.shape_cast %get3A_115 : vector<16xf32> to vector<1x16xf32>
      tpu.vector_store %arg13[%swap3A_117, %swap3A_118], %swap3A_121 {strides = array<i32>} : memref<128x128xf32, #tpu.memory_space<vmem>>, vector<1x16xf32>,
      %get3A_122 = arith.index_cast %add3A_87 : i32 to index
      %get3A_123 = arith.constant 16 : index
      %get3A_124 = tpu.vector_load %arg11[%get3A_122, %get3A_123] {strides = array<i32>} : memref<128x128xf32, #tpu.memory_space<vmem>>, vector<1x16xf32>,
      %get3A_125 = vector.shape_cast %get3A_124 : vector<1x16xf32> to vector<16xf32>
      %swap3A_126 = arith.constant 0 : i32
      %swap3A_127 = arith.index_cast %swap3A_126 : i32 to index
      %swap3A_128 = arith.constant 16 : index
      %swap3A_129 = tpu.vector_load %arg13[%swap3A_127, %swap3A_128] {strides = array<i32>} : memref<128x128xf32, #tpu.memory_space<vmem>>, vector<1x16xf32>,
      %swap3A_130 = vector.shape_cast %swap3A_129 : vector<1x16xf32> to vector<16xf32>
      %swap3A_131 = vector.shape_cast %get3A_125 : vector<16xf32> to vector<1x16xf32>
      tpu.vector_store %arg13[%swap3A_127, %swap3A_128], %swap3A_131 {strides = array<i32>} : memref<128x128xf32, #tpu.memory_space<vmem>>, vector<1x16xf32>,
      %get3A_132 = arith.index_cast %add3A_87 : i32 to index
      %get3A_133 = arith.constant 16 : index
      %get3A_134 = tpu.vector_load %arg12[%get3A_132, %get3A_133] {strides = array<i32>} : memref<128x128xf32, #tpu.memory_space<vmem>>, vector<1x16xf32>,
      %get3A_135 = vector.shape_cast %get3A_134 : vector<1x16xf32> to vector<16xf32>
      %swap3A_136 = arith.constant 63 : i32
      %swap3A_137 = arith.index_cast %swap3A_136 : i32 to index
      %swap3A_138 = arith.constant 16 : index
      %swap3A_139 = tpu.vector_load %arg13[%swap3A_137, %swap3A_138] {strides = array<i32>} : memref<128x128xf32, #tpu.memory_space<vmem>>, vector<1x16xf32>,
      %swap3A_140 = vector.shape_cast %swap3A_139 : vector<1x16xf32> to vector<16xf32>
      %swap3A_141 = vector.shape_cast %get3A_135 : vector<16xf32> to vector<1x16xf32>
      tpu.vector_store %arg13[%swap3A_137, %swap3A_138], %swap3A_141 {strides = array<i32>} : memref<128x128xf32, #tpu.memory_space<vmem>>, vector<1x16xf32>,
      %get3A_142 = arith.index_cast %add3A_87 : i32 to index
      %get3A_143 = arith.constant 32 : index
      %get3A_144 = tpu.vector_load %arg11[%get3A_142, %get3A_143] {strides = array<i32>} : memref<128x128xf32, #tpu.memory_space<vmem>>, vector<1x16xf32>,
      %get3A_145 = vector.shape_cast %get3A_144 : vector<1x16xf32> to vector<16xf32>
      %swap3A_146 = arith.constant 0 : i32
      %swap3A_147 = arith.index_cast %swap3A_146 : i32 to index
      %swap3A_148 = arith.constant 32 : index
      %swap3A_149 = tpu.vector_load %arg13[%swap3A_147, %swap3A_148] {strides = array<i32>} : memref<128x128xf32, #tpu.memory_space<vmem>>, vector<1x16xf32>,
      %swap3A_150 = vector.shape_cast %swap3A_149 : vector<1x16xf32> to vector<16xf32>
      %swap3A_151 = vector.shape_cast %get3A_145 : vector<16xf32> to vector<1x16xf32>
      tpu.vector_store %arg13[%swap3A_147, %swap3A_148], %swap3A_151 {strides = array<i32>} : memref<128x128xf32, #tpu.memory_space<vmem>>, vector<1x16xf32>,
      %get3A_152 = arith.index_cast %add3A_87 : i32 to index
      %get3A_153 = arith.constant 32 : index
      %get3A_154 = tpu.vector_load %arg12[%get3A_152, %get3A_153] {strides = array<i32>} : memref<128x128xf32, #tpu.memory_space<vmem>>, vector<1x16xf32>,
      %get3A_155 = vector.shape_cast %get3A_154 : vector<1x16xf32> to vector<16xf32>
      %swap3A_156 = arith.constant 63 : i32
      %swap3A_157 = arith.index_cast %swap3A_156 : i32 to index
      %swap3A_158 = arith.constant 32 : index
      %swap3A_159 = tpu.vector_load %arg13[%swap3A_157, %swap3A_158] {strides = array<i32>} : memref<128x128xf32, #tpu.memory_space<vmem>>, vector<1x16xf32>,
      %swap3A_160 = vector.shape_cast %swap3A_159 : vector<1x16xf32> to vector<16xf32>
      %swap3A_161 = vector.shape_cast %get3A_155 : vector<16xf32> to vector<1x16xf32>
      tpu.vector_store %arg13[%swap3A_157, %swap3A_158], %swap3A_161 {strides = array<i32>} : memref<128x128xf32, #tpu.memory_space<vmem>>, vector<1x16xf32>,
      %get3A_162 = arith.index_cast %add3A_87 : i32 to index
      %get3A_163 = arith.constant 48 : index
      %get3A_164 = tpu.vector_load %arg11[%get3A_162, %get3A_163] {strides = array<i32>} : memref<128x128xf32, #tpu.memory_space<vmem>>, vector<1x16xf32>,
      %get3A_165 = vector.shape_cast %get3A_164 : vector<1x16xf32> to vector<16xf32>
      %swap3A_166 = arith.constant 0 : i32
      %swap3A_167 = arith.index_cast %swap3A_166 : i32 to index
      %swap3A_168 = arith.constant 48 : index
      %swap3A_169 = tpu.vector_load %arg13[%swap3A_167, %swap3A_168] {strides = array<i32>} : memref<128x128xf32, #tpu.memory_space<vmem>>, vector<1x16xf32>,
      %swap3A_170 = vector.shape_cast %swap3A_169 : vector<1x16xf32> to vector<16xf32>
      %swap3A_171 = vector.shape_cast %get3A_165 : vector<16xf32> to vector<1x16xf32>
      tpu.vector_store %arg13[%swap3A_167, %swap3A_168], %swap3A_171 {strides = array<i32>} : memref<128x128xf32, #tpu.memory_space<vmem>>, vector<1x16xf32>,
      %get3A_172 = arith.index_cast %add3A_87 : i32 to index
      %get3A_173 = arith.constant 48 : index
      %get3A_174 = tpu.vector_load %arg12[%get3A_172, %get3A_173] {strides = array<i32>} : memref<128x128xf32, #tpu.memory_space<vmem>>, vector<1x16xf32>,
      %get3A_175 = vector.shape_cast %get3A_174 : vector<1x16xf32> to vector<16xf32>
      %swap3A_176 = arith.constant 63 : i32
      %swap3A_177 = arith.index_cast %swap3A_176 : i32 to index
      %swap3A_178 = arith.constant 48 : index
      %swap3A_179 = tpu.vector_load %arg13[%swap3A_177, %swap3A_178] {strides = array<i32>} : memref<128x128xf32, #tpu.memory_space<vmem>>, vector<1x16xf32>,
      %swap3A_180 = vector.shape_cast %swap3A_179 : vector<1x16xf32> to vector<16xf32>
      %swap3A_181 = vector.shape_cast %get3A_175 : vector<16xf32> to vector<1x16xf32>
      tpu.vector_store %arg13[%swap3A_177, %swap3A_178], %swap3A_181 {strides = array<i32>} : memref<128x128xf32, #tpu.memory_space<vmem>>, vector<1x16xf32>,
      %get3A_182 = arith.index_cast %add3A_87 : i32 to index
      %get3A_183 = arith.constant 64 : index
      %get3A_184 = tpu.vector_load %arg11[%get3A_182, %get3A_183] {strides = array<i32>} : memref<128x128xf32, #tpu.memory_space<vmem>>, vector<1x16xf32>,
      %get3A_185 = vector.shape_cast %get3A_184 : vector<1x16xf32> to vector<16xf32>
      %swap3A_186 = arith.constant 0 : i32
      %swap3A_187 = arith.index_cast %swap3A_186 : i32 to index
      %swap3A_188 = arith.constant 64 : index
      %swap3A_189 = tpu.vector_load %arg13[%swap3A_187, %swap3A_188] {strides = array<i32>} : memref<128x128xf32, #tpu.memory_space<vmem>>, vector<1x16xf32>,
      %swap3A_190 = vector.shape_cast %swap3A_189 : vector<1x16xf32> to vector<16xf32>
      %swap3A_191 = vector.shape_cast %get3A_185 : vector<16xf32> to vector<1x16xf32>
      tpu.vector_store %arg13[%swap3A_187, %swap3A_188], %swap3A_191 {strides = array<i32>} : memref<128x128xf32, #tpu.memory_space<vmem>>, vector<1x16xf32>,
      %get3A_192 = arith.index_cast %add3A_87 : i32 to index
      %get3A_193 = arith.constant 64 : index
      %get3A_194 = tpu.vector_load %arg12[%get3A_192, %get3A_193] {strides = array<i32>} : memref<128x128xf32, #tpu.memory_space<vmem>>, vector<1x16xf32>,
      %get3A_195 = vector.shape_cast %get3A_194 : vector<1x16xf32> to vector<16xf32>
      %swap3A_196 = arith.constant 63 : i32
      %swap3A_197 = arith.index_cast %swap3A_196 : i32 to index
      %swap3A_198 = arith.constant 64 : index
      %swap3A_199 = tpu.vector_load %arg13[%swap3A_197, %swap3A_198] {strides = array<i32>} : memref<128x128xf32, #tpu.memory_space<vmem>>, vector<1x16xf32>,
      %swap3A_200 = vector.shape_cast %swap3A_199 : vector<1x16xf32> to vector<16xf32>
      %swap3A_201 = vector.shape_cast %get3A_195 : vector<16xf32> to vector<1x16xf32>
      tpu.vector_store %arg13[%swap3A_197, %swap3A_198], %swap3A_201 {strides = array<i32>} : memref<128x128xf32, #tpu.memory_space<vmem>>, vector<1x16xf32>,
      %get3A_202 = arith.index_cast %add3A_87 : i32 to index
      %get3A_203 = arith.constant 80 : index
      %get3A_204 = tpu.vector_load %arg11[%get3A_202, %get3A_203] {strides = array<i32>} : memref<128x128xf32, #tpu.memory_space<vmem>>, vector<1x16xf32>,
      %get3A_205 = vector.shape_cast %get3A_204 : vector<1x16xf32> to vector<16xf32>
      %swap3A_206 = arith.constant 0 : i32
      %swap3A_207 = arith.index_cast %swap3A_206 : i32 to index
      %swap3A_208 = arith.constant 80 : index
      %swap3A_209 = tpu.vector_load %arg13[%swap3A_207, %swap3A_208] {strides = array<i32>} : memref<128x128xf32, #tpu.memory_space<vmem>>, vector<1x16xf32>,
      %swap3A_210 = vector.shape_cast %swap3A_209 : vector<1x16xf32> to vector<16xf32>
      %swap3A_211 = vector.shape_cast %get3A_205 : vector<16xf32> to vector<1x16xf32>
      tpu.vector_store %arg13[%swap3A_207, %swap3A_208], %swap3A_211 {strides = array<i32>} : memref<128x128xf32, #tpu.memory_space<vmem>>, vector<1x16xf32>,
      %get3A_212 = arith.index_cast %add3A_87 : i32 to index
      %get3A_213 = arith.constant 80 : index
      %get3A_214 = tpu.vector_load %arg12[%get3A_212, %get3A_213] {strides = array<i32>} : memref<128x128xf32, #tpu.memory_space<vmem>>, vector<1x16xf32>,
      %get3A_215 = vector.shape_cast %get3A_214 : vector<1x16xf32> to vector<16xf32>
      %swap3A_216 = arith.constant 63 : i32
      %swap3A_217 = arith.index_cast %swap3A_216 : i32 to index
      %swap3A_218 = arith.constant 80 : index
      %swap3A_219 = tpu.vector_load %arg13[%swap3A_217, %swap3A_218] {strides = array<i32>} : memref<128x128xf32, #tpu.memory_space<vmem>>, vector<1x16xf32>,
      %swap3A_220 = vector.shape_cast %swap3A_219 : vector<1x16xf32> to vector<16xf32>
      %swap3A_221 = vector.shape_cast %get3A_215 : vector<16xf32> to vector<1x16xf32>
      tpu.vector_store %arg13[%swap3A_217, %swap3A_218], %swap3A_221 {strides = array<i32>} : memref<128x128xf32, #tpu.memory_space<vmem>>, vector<1x16xf32>,
      %get3A_222 = arith.index_cast %add3A_87 : i32 to index
      %get3A_223 = arith.constant 96 : index
      %get3A_224 = tpu.vector_load %arg11[%get3A_222, %get3A_223] {strides = array<i32>} : memref<128x128xf32, #tpu.memory_space<vmem>>, vector<1x16xf32>,
      %get3A_225 = vector.shape_cast %get3A_224 : vector<1x16xf32> to vector<16xf32>
      %swap3A_226 = arith.constant 0 : i32
      %swap3A_227 = arith.index_cast %swap3A_226 : i32 to index
      %swap3A_228 = arith.constant 96 : index
      %swap3A_229 = tpu.vector_load %arg13[%swap3A_227, %swap3A_228] {strides = array<i32>} : memref<128x128xf32, #tpu.memory_space<vmem>>, vector<1x16xf32>,
      %swap3A_230 = vector.shape_cast %swap3A_229 : vector<1x16xf32> to vector<16xf32>
      %swap3A_231 = vector.shape_cast %get3A_225 : vector<16xf32> to vector<1x16xf32>
      tpu.vector_store %arg13[%swap3A_227, %swap3A_228], %swap3A_231 {strides = array<i32>} : memref<128x128xf32, #tpu.memory_space<vmem>>, vector<1x16xf32>,
      %get3A_232 = arith.index_cast %add3A_87 : i32 to index
      %get3A_233 = arith.constant 96 : index
      %get3A_234 = tpu.vector_load %arg12[%get3A_232, %get3A_233] {strides = array<i32>} : memref<128x128xf32, #tpu.memory_space<vmem>>, vector<1x16xf32>,
      %get3A_235 = vector.shape_cast %get3A_234 : vector<1x16xf32> to vector<16xf32>
      %swap3A_236 = arith.constant 63 : i32
      %swap3A_237 = arith.index_cast %swap3A_236 : i32 to index
      %swap3A_238 = arith.constant 96 : index
      %swap3A_239 = tpu.vector_load %arg13[%swap3A_237, %swap3A_238] {strides = array<i32>} : memref<128x128xf32, #tpu.memory_space<vmem>>, vector<1x16xf32>,
      %swap3A_240 = vector.shape_cast %swap3A_239 : vector<1x16xf32> to vector<16xf32>
      %swap3A_241 = vector.shape_cast %get3A_235 : vector<16xf32> to vector<1x16xf32>
      tpu.vector_store %arg13[%swap3A_237, %swap3A_238], %swap3A_241 {strides = array<i32>} : memref<128x128xf32, #tpu.memory_space<vmem>>, vector<1x16xf32>,
      %get3A_242 = arith.index_cast %add3A_87 : i32 to index
      %get3A_243 = arith.constant 112 : index
      %get3A_244 = tpu.vector_load %arg11[%get3A_242, %get3A_243] {strides = array<i32>} : memref<128x128xf32, #tpu.memory_space<vmem>>, vector<1x16xf32>,
      %get3A_245 = vector.shape_cast %get3A_244 : vector<1x16xf32> to vector<16xf32>
      %swap3A_246 = arith.constant 0 : i32
      %swap3A_247 = arith.index_cast %swap3A_246 : i32 to index
      %swap3A_248 = arith.constant 112 : index
      %swap3A_249 = tpu.vector_load %arg13[%swap3A_247, %swap3A_248] {strides = array<i32>} : memref<128x128xf32, #tpu.memory_space<vmem>>, vector<1x16xf32>,
      %swap3A_250 = vector.shape_cast %swap3A_249 : vector<1x16xf32> to vector<16xf32>
      %swap3A_251 = vector.shape_cast %get3A_245 : vector<16xf32> to vector<1x16xf32>
      tpu.vector_store %arg13[%swap3A_247, %swap3A_248], %swap3A_251 {strides = array<i32>} : memref<128x128xf32, #tpu.memory_space<vmem>>, vector<1x16xf32>,
      %get3A_252 = arith.index_cast %add3A_87 : i32 to index
      %get3A_253 = arith.constant 112 : index
      %get3A_254 = tpu.vector_load %arg12[%get3A_252, %get3A_253] {strides = array<i32>} : memref<128x128xf32, #tpu.memory_space<vmem>>, vector<1x16xf32>,
      %get3A_255 = vector.shape_cast %get3A_254 : vector<1x16xf32> to vector<16xf32>
      %swap3A_256 = arith.constant 63 : i32
      %swap3A_257 = arith.index_cast %swap3A_256 : i32 to index
      %swap3A_258 = arith.constant 112 : index
      %swap3A_259 = tpu.vector_load %arg13[%swap3A_257, %swap3A_258] {strides = array<i32>} : memref<128x128xf32, #tpu.memory_space<vmem>>, vector<1x16xf32>,
      %swap3A_260 = vector.shape_cast %swap3A_259 : vector<1x16xf32> to vector<16xf32>
      %swap3A_261 = vector.shape_cast %get3A_255 : vector<16xf32> to vector<1x16xf32>
      tpu.vector_store %arg13[%swap3A_257, %swap3A_258], %swap3A_261 {strides = array<i32>} : memref<128x128xf32, #tpu.memory_space<vmem>>, vector<1x16xf32>,
      %parallel_loop3A = arith.constant 0 : i32
      %parallel_loop3A_262 = arith.constant 128 : i32
      %parallel_loop3A_263 = arith.constant 1 : i32
      scf.for %parallel_loop3A_497 = %parallel_loop3A to %parallel_loop3A_262 step %parallel_loop3A_263  : i32 {
        %parallel_loop3A_498 = arith.index_cast %parallel_loop3A_497 : i32 to index
        %parallel_loop3A_499 = memref.load %arg15[%parallel_loop3A_498] : memref<128xi32, #tpu.memory_space<smem>>
        %parallel_loop3A_500 = arith.constant 0 : i32
        %parallel_loop3A_501 = arith.addi %parallel_loop3A_499, %parallel_loop3A_500 : i32
        %parallel_loop3A_502 = arith.index_cast %parallel_loop3A_497 : i32 to index
        %parallel_loop3A_503 = arith.constant 0 : index
        %parallel_loop3A_504 = tpu.vector_load %arg10[%parallel_loop3A_502, %parallel_loop3A_503] {strides = array<i32>} : memref<128x16xf32, #tpu.memory_space<vmem>>, vector<1x16xf32>,
        %parallel_loop3A_505 = vector.shape_cast %parallel_loop3A_504 : vector<1x16xf32> to vector<16xf32>
        %parallel_loop3A_506 = arith.index_cast %parallel_loop3A_501 : i32 to index
        %parallel_loop3A_507 = arith.constant 0 : index
        %parallel_loop3A_508 = tpu.vector_load %arg13[%parallel_loop3A_506, %parallel_loop3A_507] {strides = array<i32>} : memref<128x128xf32, #tpu.memory_space<vmem>>, vector<1x16xf32>,
        %parallel_loop3A_509 = vector.shape_cast %parallel_loop3A_508 : vector<1x16xf32> to vector<16xf32>
        %parallel_loop3A_510 = arith.index_cast %parallel_loop3A_501 : i32 to index
        %parallel_loop3A_511 = arith.constant 16 : index
        %parallel_loop3A_512 = tpu.vector_load %arg13[%parallel_loop3A_510, %parallel_loop3A_511] {strides = array<i32>} : memref<128x128xf32, #tpu.memory_space<vmem>>, vector<1x16xf32>,
        %parallel_loop3A_513 = vector.shape_cast %parallel_loop3A_512 : vector<1x16xf32> to vector<16xf32>
        %parallel_loop3A_514 = arith.index_cast %parallel_loop3A_501 : i32 to index
        %parallel_loop3A_515 = arith.constant 32 : index
        %parallel_loop3A_516 = tpu.vector_load %arg13[%parallel_loop3A_514, %parallel_loop3A_515] {strides = array<i32>} : memref<128x128xf32, #tpu.memory_space<vmem>>, vector<1x16xf32>,
        %parallel_loop3A_517 = vector.shape_cast %parallel_loop3A_516 : vector<1x16xf32> to vector<16xf32>
        %parallel_loop3A_518 = arith.index_cast %parallel_loop3A_501 : i32 to index
        %parallel_loop3A_519 = arith.constant 48 : index
        %parallel_loop3A_520 = tpu.vector_load %arg13[%parallel_loop3A_518, %parallel_loop3A_519] {strides = array<i32>} : memref<128x128xf32, #tpu.memory_space<vmem>>, vector<1x16xf32>,
        %parallel_loop3A_521 = vector.shape_cast %parallel_loop3A_520 : vector<1x16xf32> to vector<16xf32>
        %parallel_loop3A_522 = arith.index_cast %parallel_loop3A_501 : i32 to index
        %parallel_loop3A_523 = arith.constant 64 : index
        %parallel_loop3A_524 = tpu.vector_load %arg13[%parallel_loop3A_522, %parallel_loop3A_523] {strides = array<i32>} : memref<128x128xf32, #tpu.memory_space<vmem>>, vector<1x16xf32>,
        %parallel_loop3A_525 = vector.shape_cast %parallel_loop3A_524 : vector<1x16xf32> to vector<16xf32>
        %parallel_loop3A_526 = arith.index_cast %parallel_loop3A_501 : i32 to index
        %parallel_loop3A_527 = arith.constant 80 : index
        %parallel_loop3A_528 = tpu.vector_load %arg13[%parallel_loop3A_526, %parallel_loop3A_527] {strides = array<i32>} : memref<128x128xf32, #tpu.memory_space<vmem>>, vector<1x16xf32>,
        %parallel_loop3A_529 = vector.shape_cast %parallel_loop3A_528 : vector<1x16xf32> to vector<16xf32>
        %parallel_loop3A_530 = arith.index_cast %parallel_loop3A_501 : i32 to index
        %parallel_loop3A_531 = arith.constant 96 : index
        %parallel_loop3A_532 = tpu.vector_load %arg13[%parallel_loop3A_530, %parallel_loop3A_531] {strides = array<i32>} : memref<128x128xf32, #tpu.memory_space<vmem>>, vector<1x16xf32>,
        %parallel_loop3A_533 = vector.shape_cast %parallel_loop3A_532 : vector<1x16xf32> to vector<16xf32>
        %parallel_loop3A_534 = arith.index_cast %parallel_loop3A_501 : i32 to index
        %parallel_loop3A_535 = arith.constant 112 : index
        %parallel_loop3A_536 = tpu.vector_load %arg13[%parallel_loop3A_534, %parallel_loop3A_535] {strides = array<i32>} : memref<128x128xf32, #tpu.memory_space<vmem>>, vector<1x16xf32>,
        %parallel_loop3A_537 = vector.shape_cast %parallel_loop3A_536 : vector<1x16xf32> to vector<16xf32>
        %parallel_loop3A_538 = arith.constant 1 : i32
        %parallel_loop3A_539 = arith.addi %parallel_loop3A_501, %parallel_loop3A_538 : i32
        %parallel_loop3A_540 = arith.index_cast %parallel_loop3A_539 : i32 to index
        %parallel_loop3A_541 = arith.constant 0 : index
        %parallel_loop3A_542 = tpu.vector_load %arg13[%parallel_loop3A_540, %parallel_loop3A_541] {strides = array<i32>} : memref<128x128xf32, #tpu.memory_space<vmem>>, vector<1x16xf32>,
        %parallel_loop3A_543 = vector.shape_cast %parallel_loop3A_542 : vector<1x16xf32> to vector<16xf32>
        %parallel_loop3A_544 = arith.constant 1 : i32
        %parallel_loop3A_545 = arith.addi %parallel_loop3A_501, %parallel_loop3A_544 : i32
        %parallel_loop3A_546 = arith.index_cast %parallel_loop3A_545 : i32 to index
        %parallel_loop3A_547 = arith.constant 16 : index
        %parallel_loop3A_548 = tpu.vector_load %arg13[%parallel_loop3A_546, %parallel_loop3A_547] {strides = array<i32>} : memref<128x128xf32, #tpu.memory_space<vmem>>, vector<1x16xf32>,
        %parallel_loop3A_549 = vector.shape_cast %parallel_loop3A_548 : vector<1x16xf32> to vector<16xf32>
        %parallel_loop3A_550 = arith.constant 1 : i32
        %parallel_loop3A_551 = arith.addi %parallel_loop3A_501, %parallel_loop3A_550 : i32
        %parallel_loop3A_552 = arith.index_cast %parallel_loop3A_551 : i32 to index
        %parallel_loop3A_553 = arith.constant 32 : index
        %parallel_loop3A_554 = tpu.vector_load %arg13[%parallel_loop3A_552, %parallel_loop3A_553] {strides = array<i32>} : memref<128x128xf32, #tpu.memory_space<vmem>>, vector<1x16xf32>,
        %parallel_loop3A_555 = vector.shape_cast %parallel_loop3A_554 : vector<1x16xf32> to vector<16xf32>
        %parallel_loop3A_556 = arith.constant 1 : i32
        %parallel_loop3A_557 = arith.addi %parallel_loop3A_501, %parallel_loop3A_556 : i32
        %parallel_loop3A_558 = arith.index_cast %parallel_loop3A_557 : i32 to index
        %parallel_loop3A_559 = arith.constant 48 : index
        %parallel_loop3A_560 = tpu.vector_load %arg13[%parallel_loop3A_558, %parallel_loop3A_559] {strides = array<i32>} : memref<128x128xf32, #tpu.memory_space<vmem>>, vector<1x16xf32>,
        %parallel_loop3A_561 = vector.shape_cast %parallel_loop3A_560 : vector<1x16xf32> to vector<16xf32>
        %parallel_loop3A_562 = arith.constant 1 : i32
        %parallel_loop3A_563 = arith.addi %parallel_loop3A_501, %parallel_loop3A_562 : i32
        %parallel_loop3A_564 = arith.index_cast %parallel_loop3A_563 : i32 to index
        %parallel_loop3A_565 = arith.constant 64 : index
        %parallel_loop3A_566 = tpu.vector_load %arg13[%parallel_loop3A_564, %parallel_loop3A_565] {strides = array<i32>} : memref<128x128xf32, #tpu.memory_space<vmem>>, vector<1x16xf32>,
        %parallel_loop3A_567 = vector.shape_cast %parallel_loop3A_566 : vector<1x16xf32> to vector<16xf32>
        %parallel_loop3A_568 = arith.constant 1 : i32
        %parallel_loop3A_569 = arith.addi %parallel_loop3A_501, %parallel_loop3A_568 : i32
        %parallel_loop3A_570 = arith.index_cast %parallel_loop3A_569 : i32 to index
        %parallel_loop3A_571 = arith.constant 80 : index
        %parallel_loop3A_572 = tpu.vector_load %arg13[%parallel_loop3A_570, %parallel_loop3A_571] {strides = array<i32>} : memref<128x128xf32, #tpu.memory_space<vmem>>, vector<1x16xf32>,
        %parallel_loop3A_573 = vector.shape_cast %parallel_loop3A_572 : vector<1x16xf32> to vector<16xf32>
        %parallel_loop3A_574 = arith.constant 1 : i32
        %parallel_loop3A_575 = arith.addi %parallel_loop3A_501, %parallel_loop3A_574 : i32
        %parallel_loop3A_576 = arith.index_cast %parallel_loop3A_575 : i32 to index
        %parallel_loop3A_577 = arith.constant 96 : index
        %parallel_loop3A_578 = tpu.vector_load %arg13[%parallel_loop3A_576, %parallel_loop3A_577] {strides = array<i32>} : memref<128x128xf32, #tpu.memory_space<vmem>>, vector<1x16xf32>,
        %parallel_loop3A_579 = vector.shape_cast %parallel_loop3A_578 : vector<1x16xf32> to vector<16xf32>
        %parallel_loop3A_580 = arith.constant 1 : i32
        %parallel_loop3A_581 = arith.addi %parallel_loop3A_501, %parallel_loop3A_580 : i32
        %parallel_loop3A_582 = arith.index_cast %parallel_loop3A_581 : i32 to index
        %parallel_loop3A_583 = arith.constant 112 : index
        %parallel_loop3A_584 = tpu.vector_load %arg13[%parallel_loop3A_582, %parallel_loop3A_583] {strides = array<i32>} : memref<128x128xf32, #tpu.memory_space<vmem>>, vector<1x16xf32>,
        %parallel_loop3A_585 = vector.shape_cast %parallel_loop3A_584 : vector<1x16xf32> to vector<16xf32>
        %parallel_loop3A_586 = arith.subf %parallel_loop3A_543, %parallel_loop3A_509 : vector<16xf32>
        %parallel_loop3A_587 = arith.mulf %parallel_loop3A_505, %parallel_loop3A_586 : vector<16xf32>
        %parallel_loop3A_588 = arith.addf %parallel_loop3A_509, %parallel_loop3A_587 : vector<16xf32>
        %parallel_loop3A_589 = arith.constant 0 : i32
        %parallel_loop3A_590 = arith.index_cast %parallel_loop3A_589 : i32 to index
        %parallel_loop3A_591 = arith.index_cast %parallel_loop3A_497 : i32 to index
        %parallel_loop3A_592 = arith.constant 0 : index
        %parallel_loop3A_593 = tpu.vector_load %arg14[%parallel_loop3A_590, %parallel_loop3A_591, %parallel_loop3A_592] {strides = array<i32>} : memref<2x128x128xf32, #tpu.memory_space<vmem>>, vector<1x1x16xf32>,
        %parallel_loop3A_594 = vector.shape_cast %parallel_loop3A_593 : vector<1x1x16xf32> to vector<16xf32>
        %parallel_loop3A_595 = vector.shape_cast %parallel_loop3A_588 : vector<16xf32> to vector<1x1x16xf32>
        tpu.vector_store %arg14[%parallel_loop3A_590, %parallel_loop3A_591, %parallel_loop3A_592], %parallel_loop3A_595 {strides = array<i32>} : memref<2x128x128xf32, #tpu.memory_space<vmem>>, vector<1x1x16xf32>,
        %parallel_loop3A_596 = arith.subf %parallel_loop3A_549, %parallel_loop3A_513 : vector<16xf32>
        %parallel_loop3A_597 = arith.mulf %parallel_loop3A_505, %parallel_loop3A_596 : vector<16xf32>
        %parallel_loop3A_598 = arith.addf %parallel_loop3A_513, %parallel_loop3A_597 : vector<16xf32>
        %parallel_loop3A_599 = arith.constant 0 : i32
        %parallel_loop3A_600 = arith.index_cast %parallel_loop3A_599 : i32 to index
        %parallel_loop3A_601 = arith.index_cast %parallel_loop3A_497 : i32 to index
        %parallel_loop3A_602 = arith.constant 16 : index
        %parallel_loop3A_603 = tpu.vector_load %arg14[%parallel_loop3A_600, %parallel_loop3A_601, %parallel_loop3A_602] {strides = array<i32>} : memref<2x128x128xf32, #tpu.memory_space<vmem>>, vector<1x1x16xf32>,
        %parallel_loop3A_604 = vector.shape_cast %parallel_loop3A_603 : vector<1x1x16xf32> to vector<16xf32>
        %parallel_loop3A_605 = vector.shape_cast %parallel_loop3A_598 : vector<16xf32> to vector<1x1x16xf32>
        tpu.vector_store %arg14[%parallel_loop3A_600, %parallel_loop3A_601, %parallel_loop3A_602], %parallel_loop3A_605 {strides = array<i32>} : memref<2x128x128xf32, #tpu.memory_space<vmem>>, vector<1x1x16xf32>,
        %parallel_loop3A_606 = arith.subf %parallel_loop3A_555, %parallel_loop3A_517 : vector<16xf32>
        %parallel_loop3A_607 = arith.mulf %parallel_loop3A_505, %parallel_loop3A_606 : vector<16xf32>
        %parallel_loop3A_608 = arith.addf %parallel_loop3A_517, %parallel_loop3A_607 : vector<16xf32>
        %parallel_loop3A_609 = arith.constant 0 : i32
        %parallel_loop3A_610 = arith.index_cast %parallel_loop3A_609 : i32 to index
        %parallel_loop3A_611 = arith.index_cast %parallel_loop3A_497 : i32 to index
        %parallel_loop3A_612 = arith.constant 32 : index
        %parallel_loop3A_613 = tpu.vector_load %arg14[%parallel_loop3A_610, %parallel_loop3A_611, %parallel_loop3A_612] {strides = array<i32>} : memref<2x128x128xf32, #tpu.memory_space<vmem>>, vector<1x1x16xf32>,
        %parallel_loop3A_614 = vector.shape_cast %parallel_loop3A_613 : vector<1x1x16xf32> to vector<16xf32>
        %parallel_loop3A_615 = vector.shape_cast %parallel_loop3A_608 : vector<16xf32> to vector<1x1x16xf32>
        tpu.vector_store %arg14[%parallel_loop3A_610, %parallel_loop3A_611, %parallel_loop3A_612], %parallel_loop3A_615 {strides = array<i32>} : memref<2x128x128xf32, #tpu.memory_space<vmem>>, vector<1x1x16xf32>,
        %parallel_loop3A_616 = arith.subf %parallel_loop3A_561, %parallel_loop3A_521 : vector<16xf32>
        %parallel_loop3A_617 = arith.mulf %parallel_loop3A_505, %parallel_loop3A_616 : vector<16xf32>
        %parallel_loop3A_618 = arith.addf %parallel_loop3A_521, %parallel_loop3A_617 : vector<16xf32>
        %parallel_loop3A_619 = arith.constant 0 : i32
        %parallel_loop3A_620 = arith.index_cast %parallel_loop3A_619 : i32 to index
        %parallel_loop3A_621 = arith.index_cast %parallel_loop3A_497 : i32 to index
        %parallel_loop3A_622 = arith.constant 48 : index
        %parallel_loop3A_623 = tpu.vector_load %arg14[%parallel_loop3A_620, %parallel_loop3A_621, %parallel_loop3A_622] {strides = array<i32>} : memref<2x128x128xf32, #tpu.memory_space<vmem>>, vector<1x1x16xf32>,
        %parallel_loop3A_624 = vector.shape_cast %parallel_loop3A_623 : vector<1x1x16xf32> to vector<16xf32>
        %parallel_loop3A_625 = vector.shape_cast %parallel_loop3A_618 : vector<16xf32> to vector<1x1x16xf32>
        tpu.vector_store %arg14[%parallel_loop3A_620, %parallel_loop3A_621, %parallel_loop3A_622], %parallel_loop3A_625 {strides = array<i32>} : memref<2x128x128xf32, #tpu.memory_space<vmem>>, vector<1x1x16xf32>,
        %parallel_loop3A_626 = arith.subf %parallel_loop3A_567, %parallel_loop3A_525 : vector<16xf32>
        %parallel_loop3A_627 = arith.mulf %parallel_loop3A_505, %parallel_loop3A_626 : vector<16xf32>
        %parallel_loop3A_628 = arith.addf %parallel_loop3A_525, %parallel_loop3A_627 : vector<16xf32>
        %parallel_loop3A_629 = arith.constant 0 : i32
        %parallel_loop3A_630 = arith.index_cast %parallel_loop3A_629 : i32 to index
        %parallel_loop3A_631 = arith.index_cast %parallel_loop3A_497 : i32 to index
        %parallel_loop3A_632 = arith.constant 64 : index
        %parallel_loop3A_633 = tpu.vector_load %arg14[%parallel_loop3A_630, %parallel_loop3A_631, %parallel_loop3A_632] {strides = array<i32>} : memref<2x128x128xf32, #tpu.memory_space<vmem>>, vector<1x1x16xf32>,
        %parallel_loop3A_634 = vector.shape_cast %parallel_loop3A_633 : vector<1x1x16xf32> to vector<16xf32>
        %parallel_loop3A_635 = vector.shape_cast %parallel_loop3A_628 : vector<16xf32> to vector<1x1x16xf32>
        tpu.vector_store %arg14[%parallel_loop3A_630, %parallel_loop3A_631, %parallel_loop3A_632], %parallel_loop3A_635 {strides = array<i32>} : memref<2x128x128xf32, #tpu.memory_space<vmem>>, vector<1x1x16xf32>,
        %parallel_loop3A_636 = arith.subf %parallel_loop3A_573, %parallel_loop3A_529 : vector<16xf32>
        %parallel_loop3A_637 = arith.mulf %parallel_loop3A_505, %parallel_loop3A_636 : vector<16xf32>
        %parallel_loop3A_638 = arith.addf %parallel_loop3A_529, %parallel_loop3A_637 : vector<16xf32>
        %parallel_loop3A_639 = arith.constant 0 : i32
        %parallel_loop3A_640 = arith.index_cast %parallel_loop3A_639 : i32 to index
        %parallel_loop3A_641 = arith.index_cast %parallel_loop3A_497 : i32 to index
        %parallel_loop3A_642 = arith.constant 80 : index
        %parallel_loop3A_643 = tpu.vector_load %arg14[%parallel_loop3A_640, %parallel_loop3A_641, %parallel_loop3A_642] {strides = array<i32>} : memref<2x128x128xf32, #tpu.memory_space<vmem>>, vector<1x1x16xf32>,
        %parallel_loop3A_644 = vector.shape_cast %parallel_loop3A_643 : vector<1x1x16xf32> to vector<16xf32>
        %parallel_loop3A_645 = vector.shape_cast %parallel_loop3A_638 : vector<16xf32> to vector<1x1x16xf32>
        tpu.vector_store %arg14[%parallel_loop3A_640, %parallel_loop3A_641, %parallel_loop3A_642], %parallel_loop3A_645 {strides = array<i32>} : memref<2x128x128xf32, #tpu.memory_space<vmem>>, vector<1x1x16xf32>,
        %parallel_loop3A_646 = arith.subf %parallel_loop3A_579, %parallel_loop3A_533 : vector<16xf32>
        %parallel_loop3A_647 = arith.mulf %parallel_loop3A_505, %parallel_loop3A_646 : vector<16xf32>
        %parallel_loop3A_648 = arith.addf %parallel_loop3A_533, %parallel_loop3A_647 : vector<16xf32>
        %parallel_loop3A_649 = arith.constant 0 : i32
        %parallel_loop3A_650 = arith.index_cast %parallel_loop3A_649 : i32 to index
        %parallel_loop3A_651 = arith.index_cast %parallel_loop3A_497 : i32 to index
        %parallel_loop3A_652 = arith.constant 96 : index
        %parallel_loop3A_653 = tpu.vector_load %arg14[%parallel_loop3A_650, %parallel_loop3A_651, %parallel_loop3A_652] {strides = array<i32>} : memref<2x128x128xf32, #tpu.memory_space<vmem>>, vector<1x1x16xf32>,
        %parallel_loop3A_654 = vector.shape_cast %parallel_loop3A_653 : vector<1x1x16xf32> to vector<16xf32>
        %parallel_loop3A_655 = vector.shape_cast %parallel_loop3A_648 : vector<16xf32> to vector<1x1x16xf32>
        tpu.vector_store %arg14[%parallel_loop3A_650, %parallel_loop3A_651, %parallel_loop3A_652], %parallel_loop3A_655 {strides = array<i32>} : memref<2x128x128xf32, #tpu.memory_space<vmem>>, vector<1x1x16xf32>,
        %parallel_loop3A_656 = arith.subf %parallel_loop3A_585, %parallel_loop3A_537 : vector<16xf32>
        %parallel_loop3A_657 = arith.mulf %parallel_loop3A_505, %parallel_loop3A_656 : vector<16xf32>
        %parallel_loop3A_658 = arith.addf %parallel_loop3A_537, %parallel_loop3A_657 : vector<16xf32>
        %parallel_loop3A_659 = arith.constant 0 : i32
        %parallel_loop3A_660 = arith.index_cast %parallel_loop3A_659 : i32 to index
        %parallel_loop3A_661 = arith.index_cast %parallel_loop3A_497 : i32 to index
        %parallel_loop3A_662 = arith.constant 112 : index
        %parallel_loop3A_663 = tpu.vector_load %arg14[%parallel_loop3A_660, %parallel_loop3A_661, %parallel_loop3A_662] {strides = array<i32>} : memref<2x128x128xf32, #tpu.memory_space<vmem>>, vector<1x1x16xf32>,
        %parallel_loop3A_664 = vector.shape_cast %parallel_loop3A_663 : vector<1x1x16xf32> to vector<16xf32>
        %parallel_loop3A_665 = vector.shape_cast %parallel_loop3A_658 : vector<16xf32> to vector<1x1x16xf32>
        tpu.vector_store %arg14[%parallel_loop3A_660, %parallel_loop3A_661, %parallel_loop3A_662], %parallel_loop3A_665 {strides = array<i32>} : memref<2x128x128xf32, #tpu.memory_space<vmem>>, vector<1x1x16xf32>,
      } {sc.loop_unroll_factor = 2 : i64, sc.parallel_access}
      %add3A_264 = arith.addi %mul3A_2, %add3A_87 : i32
      %dma_start3A_265 = arith.constant 0 : i32
      %dma_start3A_266 = arith.constant 0 : i32
      %dma_start3A_267 = arith.constant 0 : i32
      %dma_start3A_268 = tpu.memref_slice %arg14[%dma_start3A_265, %dma_start3A_266, %dma_start3A_267] : memref<2x128x128xf32, #tpu.memory_space<vmem>> -> memref<1x128x128xf32, #tpu.memory_space<vmem>>
      %dma_start3A_269 = tpu.memref_squeeze %dma_start3A_268 : memref<1x128x128xf32, #tpu.memory_space<vmem>> -> memref<128x128xf32, #tpu.memory_space<vmem>>
      %dma_start3A_270 = arith.constant 0 : i32
      %dma_start3A_271 = arith.constant 0 : i32
      %dma_start3A_272 = tpu.memref_slice %arg7[%add3A_264, %dma_start3A_270, %dma_start3A_271] : memref<4096x128x128xf32, #tpu.memory_space<hbm>> -> memref<1x128x128xf32, #tpu.memory_space<hbm>>
      %dma_start3A_273 = tpu.memref_squeeze %dma_start3A_272 : memref<1x128x128xf32, #tpu.memory_space<hbm>> -> memref<128x128xf32, #tpu.memory_space<hbm>>
      %dma_start3A_274 = arith.constant 0 : i32
      %dma_start3A_275 = arith.constant 0 : i32
      %dma_start3A_276 = tpu.memref_slice %arg7[%add3A_264, %dma_start3A_274, %dma_start3A_275] : memref<4096x128x128xf32, #tpu.memory_space<hbm>> -> memref<1x128x128xf32, #tpu.memory_space<hbm>>
      %dma_start3A_277 = tpu.memref_squeeze %dma_start3A_276 : memref<1x128x128xf32, #tpu.memory_space<hbm>> -> memref<128x128xf32, #tpu.memory_space<hbm>>
      %dma_start3A_278 = arith.constant 0 : i32
      %dma_start3A_279 = arith.constant 0 : i32
      %dma_start3A_280 = tpu.memref_slice %arg14[%dma_start3A_265, %dma_start3A_278, %dma_start3A_279] : memref<2x128x128xf32, #tpu.memory_space<vmem>> -> memref<1x128x128xf32, #tpu.memory_space<vmem>>
      %dma_start3A_281 = tpu.memref_squeeze %dma_start3A_280 : memref<1x128x128xf32, #tpu.memory_space<vmem>> -> memref<128x128xf32, #tpu.memory_space<vmem>>
      tpu.enqueue_dma source(%dma_start3A_281 : memref<128x128xf32, #tpu.memory_space<vmem>>) target(%dma_start3A_277 : memref<128x128xf32, #tpu.memory_space<hbm>>) target_semaphore(%arg18 : memref<!tpu.dma_semaphore, #tpu.memory_space<semaphore_mem>>)
      %add3A_282 = arith.constant 2 : i32
      %add3A_283 = arith.addi %add3A_87, %add3A_282 : i32
      %lt3A = arith.constant 128 : i32
      %lt3A_284 = arith.cmpi slt, %add3A_283, %lt3A : i32
      %convert_element_type3A_285 = arith.extui %lt3A_284 : i1 to i32
      %cond3A_286 = arith.constant 0 : i32
      %cond3A_287 = arith.cmpi ne, %convert_element_type3A_285, %cond3A_286 : i32
      scf.if %cond3A_287 {
        %add3A_497 = arith.addi %mul3A_2, %add3A_87 : i32
        %add3A_498 = arith.constant 2 : i32
        %add3A_499 = arith.addi %add3A_497, %add3A_498 : i32
        %dma_start3A_500 = arith.constant 1 : i32
        %dma_start3A_501 = arith.constant 0 : i32
        %dma_start3A_502 = tpu.memref_slice %arg13[%dma_start3A_500, %dma_start3A_501] : memref<128x128xf32, #tpu.memory_space<vmem>> -> memref<62x128xf32, #tpu.memory_space<vmem>>
        %dma_start3A_503 = arith.constant 0 : i32
        %dma_start3A_504 = arith.constant 0 : i32
        %dma_start3A_505 = tpu.memref_slice %arg3[%dma_start3A_503, %add3A_499, %dma_start3A_504] : memref<62x4096x128xf32, #tpu.memory_space<hbm>> -> memref<62x1x128xf32, #tpu.memory_space<hbm>>
        %dma_start3A_506 = tpu.memref_squeeze %dma_start3A_505 : memref<62x1x128xf32, #tpu.memory_space<hbm>> -> memref<62x128xf32, #tpu.memory_space<hbm>>
        %dma_start3A_507 = arith.constant 1 : i32
        %dma_start3A_508 = arith.constant 0 : i32
        %dma_start3A_509 = tpu.memref_slice %arg13[%dma_start3A_507, %dma_start3A_508] : memref<128x128xf32, #tpu.memory_space<vmem>> -> memref<62x128xf32, #tpu.memory_space<vmem>>
        %dma_start3A_510 = arith.constant 0 : i32
        %dma_start3A_511 = arith.constant 0 : i32
        %dma_start3A_512 = tpu.memref_slice %arg3[%dma_start3A_510, %add3A_499, %dma_start3A_511] : memref<62x4096x128xf32, #tpu.memory_space<hbm>> -> memref<62x1x128xf32, #tpu.memory_space<hbm>>
        %dma_start3A_513 = tpu.memref_squeeze %dma_start3A_512 : memref<62x1x128xf32, #tpu.memory_space<hbm>> -> memref<62x128xf32, #tpu.memory_space<hbm>>
        tpu.enqueue_dma source(%dma_start3A_513 : memref<62x128xf32, #tpu.memory_space<hbm>>) target(%dma_start3A_509 : memref<62x128xf32, #tpu.memory_space<vmem>>) target_semaphore(%arg16 : memref<!tpu.dma_semaphore, #tpu.memory_space<semaphore_mem>>)
      } else {
      }
      %add3A_288 = arith.constant 1 : i32
      %add3A_289 = arith.addi %add3A_85, %add3A_288 : i32
      %dma_wait3A_290 = arith.constant 65 : i32
      %dma_wait3A_291 = arith.constant 0 : i32
      %dma_wait3A_292 = tpu.memref_slice %arg13[%dma_wait3A_290, %dma_wait3A_291] : memref<128x128xf32, #tpu.memory_space<vmem>> -> memref<62x128xf32, #tpu.memory_space<vmem>>
      %dma_wait3A_293 = arith.constant 0 : i32
      %dma_wait3A_294 = arith.constant 0 : i32
      %dma_wait3A_295 = tpu.memref_slice %arg3[%dma_wait3A_293, %mul3A_2, %dma_wait3A_294] : memref<62x4096x128xf32, #tpu.memory_space<hbm>> -> memref<62x1x128xf32, #tpu.memory_space<hbm>>
      %dma_wait3A_296 = tpu.memref_squeeze %dma_wait3A_295 : memref<62x1x128xf32, #tpu.memory_space<hbm>> -> memref<62x128xf32, #tpu.memory_space<hbm>>
      %dma_wait3A_297 = arith.constant 65 : i32
      %dma_wait3A_298 = arith.constant 0 : i32
      %dma_wait3A_299 = tpu.memref_slice %arg13[%dma_wait3A_297, %dma_wait3A_298] : memref<128x128xf32, #tpu.memory_space<vmem>> -> memref<62x128xf32, #tpu.memory_space<vmem>>
      %dma_wait3A_300 = arith.constant 0 : i32
      %dma_wait3A_301 = arith.constant 0 : i32
      %dma_wait3A_302 = tpu.memref_slice %arg3[%dma_wait3A_300, %mul3A_2, %dma_wait3A_301] : memref<62x4096x128xf32, #tpu.memory_space<hbm>> -> memref<62x1x128xf32, #tpu.memory_space<hbm>>
      %dma_wait3A_303 = tpu.memref_squeeze %dma_wait3A_302 : memref<62x1x128xf32, #tpu.memory_space<hbm>> -> memref<62x128xf32, #tpu.memory_space<hbm>>
      tpu.wait_dma2 semaphore(%arg17 : memref<!tpu.dma_semaphore, #tpu.memory_space<semaphore_mem>>) src(%dma_wait3A_303 : memref<62x128xf32, #tpu.memory_space<hbm>>) dst(%dma_wait3A_299 : memref<62x128xf32, #tpu.memory_space<vmem>>)
      %ge3A_304 = arith.constant 2 : i32
      %ge3A_305 = arith.cmpi sge, %add3A_289, %ge3A_304 : i32
      %convert_element_type3A_306 = arith.extui %ge3A_305 : i1 to i32
      %cond3A_307 = arith.constant 0 : i32
      %cond3A_308 = arith.cmpi ne, %convert_element_type3A_306, %cond3A_307 : i32
      scf.if %cond3A_308 {
        %dma_wait3A_497 = arith.constant 1 : i32
        %dma_wait3A_498 = arith.constant 0 : i32
        %dma_wait3A_499 = arith.constant 0 : i32
        %dma_wait3A_500 = tpu.memref_slice %arg14[%dma_wait3A_497, %dma_wait3A_498, %dma_wait3A_499] : memref<2x128x128xf32, #tpu.memory_space<vmem>> -> memref<1x128x128xf32, #tpu.memory_space<vmem>>
        %dma_wait3A_501 = tpu.memref_squeeze %dma_wait3A_500 : memref<1x128x128xf32, #tpu.memory_space<vmem>> -> memref<128x128xf32, #tpu.memory_space<vmem>>
        %dma_wait3A_502 = arith.constant 0 : i32
        %dma_wait3A_503 = arith.constant 0 : i32
        %dma_wait3A_504 = tpu.memref_slice %arg7[%mul3A_2, %dma_wait3A_502, %dma_wait3A_503] : memref<4096x128x128xf32, #tpu.memory_space<hbm>> -> memref<1x128x128xf32, #tpu.memory_space<hbm>>
        %dma_wait3A_505 = tpu.memref_squeeze %dma_wait3A_504 : memref<1x128x128xf32, #tpu.memory_space<hbm>> -> memref<128x128xf32, #tpu.memory_space<hbm>>
        %dma_wait3A_506 = arith.constant 0 : i32
        %dma_wait3A_507 = arith.constant 0 : i32
        %dma_wait3A_508 = tpu.memref_slice %arg7[%mul3A_2, %dma_wait3A_506, %dma_wait3A_507] : memref<4096x128x128xf32, #tpu.memory_space<hbm>> -> memref<1x128x128xf32, #tpu.memory_space<hbm>>
        %dma_wait3A_509 = tpu.memref_squeeze %dma_wait3A_508 : memref<1x128x128xf32, #tpu.memory_space<hbm>> -> memref<128x128xf32, #tpu.memory_space<hbm>>
        %dma_wait3A_510 = arith.constant 0 : i32
        %dma_wait3A_511 = arith.constant 0 : i32
        %dma_wait3A_512 = tpu.memref_slice %arg14[%dma_wait3A_497, %dma_wait3A_510, %dma_wait3A_511] : memref<2x128x128xf32, #tpu.memory_space<vmem>> -> memref<1x128x128xf32, #tpu.memory_space<vmem>>
        %dma_wait3A_513 = tpu.memref_squeeze %dma_wait3A_512 : memref<1x128x128xf32, #tpu.memory_space<vmem>> -> memref<128x128xf32, #tpu.memory_space<vmem>>
        tpu.wait_dma2 semaphore(%arg19 : memref<!tpu.dma_semaphore, #tpu.memory_space<semaphore_mem>>) src(%dma_wait3A_513 : memref<128x128xf32, #tpu.memory_space<vmem>>) dst(%dma_wait3A_509 : memref<128x128xf32, #tpu.memory_space<hbm>>)
      } else {
      }
      %get3A_309 = arith.index_cast %add3A_289 : i32 to index
      %get3A_310 = arith.constant 0 : index
      %get3A_311 = tpu.vector_load %arg11[%get3A_309, %get3A_310] {strides = array<i32>} : memref<128x128xf32, #tpu.memory_space<vmem>>, vector<1x16xf32>,
      %get3A_312 = vector.shape_cast %get3A_311 : vector<1x16xf32> to vector<16xf32>
      %swap3A_313 = arith.constant 64 : i32
      %swap3A_314 = arith.index_cast %swap3A_313 : i32 to index
      %swap3A_315 = arith.constant 0 : index
      %swap3A_316 = tpu.vector_load %arg13[%swap3A_314, %swap3A_315] {strides = array<i32>} : memref<128x128xf32, #tpu.memory_space<vmem>>, vector<1x16xf32>,
      %swap3A_317 = vector.shape_cast %swap3A_316 : vector<1x16xf32> to vector<16xf32>
      %swap3A_318 = vector.shape_cast %get3A_312 : vector<16xf32> to vector<1x16xf32>
      tpu.vector_store %arg13[%swap3A_314, %swap3A_315], %swap3A_318 {strides = array<i32>} : memref<128x128xf32, #tpu.memory_space<vmem>>, vector<1x16xf32>,
      %get3A_319 = arith.index_cast %add3A_289 : i32 to index
      %get3A_320 = arith.constant 0 : index
      %get3A_321 = tpu.vector_load %arg12[%get3A_319, %get3A_320] {strides = array<i32>} : memref<128x128xf32, #tpu.memory_space<vmem>>, vector<1x16xf32>,
      %get3A_322 = vector.shape_cast %get3A_321 : vector<1x16xf32> to vector<16xf32>
      %swap3A_323 = arith.constant 127 : i32
      %swap3A_324 = arith.index_cast %swap3A_323 : i32 to index
      %swap3A_325 = arith.constant 0 : index
      %swap3A_326 = tpu.vector_load %arg13[%swap3A_324, %swap3A_325] {strides = array<i32>} : memref<128x128xf32, #tpu.memory_space<vmem>>, vector<1x16xf32>,
      %swap3A_327 = vector.shape_cast %swap3A_326 : vector<1x16xf32> to vector<16xf32>
      %swap3A_328 = vector.shape_cast %get3A_322 : vector<16xf32> to vector<1x16xf32>
      tpu.vector_store %arg13[%swap3A_324, %swap3A_325], %swap3A_328 {strides = array<i32>} : memref<128x128xf32, #tpu.memory_space<vmem>>, vector<1x16xf32>,
      %get3A_329 = arith.index_cast %add3A_289 : i32 to index
      %get3A_330 = arith.constant 16 : index
      %get3A_331 = tpu.vector_load %arg11[%get3A_329, %get3A_330] {strides = array<i32>} : memref<128x128xf32, #tpu.memory_space<vmem>>, vector<1x16xf32>,
      %get3A_332 = vector.shape_cast %get3A_331 : vector<1x16xf32> to vector<16xf32>
      %swap3A_333 = arith.constant 64 : i32
      %swap3A_334 = arith.index_cast %swap3A_333 : i32 to index
      %swap3A_335 = arith.constant 16 : index
      %swap3A_336 = tpu.vector_load %arg13[%swap3A_334, %swap3A_335] {strides = array<i32>} : memref<128x128xf32, #tpu.memory_space<vmem>>, vector<1x16xf32>,
      %swap3A_337 = vector.shape_cast %swap3A_336 : vector<1x16xf32> to vector<16xf32>
      %swap3A_338 = vector.shape_cast %get3A_332 : vector<16xf32> to vector<1x16xf32>
      tpu.vector_store %arg13[%swap3A_334, %swap3A_335], %swap3A_338 {strides = array<i32>} : memref<128x128xf32, #tpu.memory_space<vmem>>, vector<1x16xf32>,
      %get3A_339 = arith.index_cast %add3A_289 : i32 to index
      %get3A_340 = arith.constant 16 : index
      %get3A_341 = tpu.vector_load %arg12[%get3A_339, %get3A_340] {strides = array<i32>} : memref<128x128xf32, #tpu.memory_space<vmem>>, vector<1x16xf32>,
      %get3A_342 = vector.shape_cast %get3A_341 : vector<1x16xf32> to vector<16xf32>
      %swap3A_343 = arith.constant 127 : i32
      %swap3A_344 = arith.index_cast %swap3A_343 : i32 to index
      %swap3A_345 = arith.constant 16 : index
      %swap3A_346 = tpu.vector_load %arg13[%swap3A_344, %swap3A_345] {strides = array<i32>} : memref<128x128xf32, #tpu.memory_space<vmem>>, vector<1x16xf32>,
      %swap3A_347 = vector.shape_cast %swap3A_346 : vector<1x16xf32> to vector<16xf32>
      %swap3A_348 = vector.shape_cast %get3A_342 : vector<16xf32> to vector<1x16xf32>
      tpu.vector_store %arg13[%swap3A_344, %swap3A_345], %swap3A_348 {strides = array<i32>} : memref<128x128xf32, #tpu.memory_space<vmem>>, vector<1x16xf32>,
      %get3A_349 = arith.index_cast %add3A_289 : i32 to index
      %get3A_350 = arith.constant 32 : index
      %get3A_351 = tpu.vector_load %arg11[%get3A_349, %get3A_350] {strides = array<i32>} : memref<128x128xf32, #tpu.memory_space<vmem>>, vector<1x16xf32>,
      %get3A_352 = vector.shape_cast %get3A_351 : vector<1x16xf32> to vector<16xf32>
      %swap3A_353 = arith.constant 64 : i32
      %swap3A_354 = arith.index_cast %swap3A_353 : i32 to index
      %swap3A_355 = arith.constant 32 : index
      %swap3A_356 = tpu.vector_load %arg13[%swap3A_354, %swap3A_355] {strides = array<i32>} : memref<128x128xf32, #tpu.memory_space<vmem>>, vector<1x16xf32>,
      %swap3A_357 = vector.shape_cast %swap3A_356 : vector<1x16xf32> to vector<16xf32>
      %swap3A_358 = vector.shape_cast %get3A_352 : vector<16xf32> to vector<1x16xf32>
      tpu.vector_store %arg13[%swap3A_354, %swap3A_355], %swap3A_358 {strides = array<i32>} : memref<128x128xf32, #tpu.memory_space<vmem>>, vector<1x16xf32>,
      %get3A_359 = arith.index_cast %add3A_289 : i32 to index
      %get3A_360 = arith.constant 32 : index
      %get3A_361 = tpu.vector_load %arg12[%get3A_359, %get3A_360] {strides = array<i32>} : memref<128x128xf32, #tpu.memory_space<vmem>>, vector<1x16xf32>,
      %get3A_362 = vector.shape_cast %get3A_361 : vector<1x16xf32> to vector<16xf32>
      %swap3A_363 = arith.constant 127 : i32
      %swap3A_364 = arith.index_cast %swap3A_363 : i32 to index
      %swap3A_365 = arith.constant 32 : index
      %swap3A_366 = tpu.vector_load %arg13[%swap3A_364, %swap3A_365] {strides = array<i32>} : memref<128x128xf32, #tpu.memory_space<vmem>>, vector<1x16xf32>,
      %swap3A_367 = vector.shape_cast %swap3A_366 : vector<1x16xf32> to vector<16xf32>
      %swap3A_368 = vector.shape_cast %get3A_362 : vector<16xf32> to vector<1x16xf32>
      tpu.vector_store %arg13[%swap3A_364, %swap3A_365], %swap3A_368 {strides = array<i32>} : memref<128x128xf32, #tpu.memory_space<vmem>>, vector<1x16xf32>,
      %get3A_369 = arith.index_cast %add3A_289 : i32 to index
      %get3A_370 = arith.constant 48 : index
      %get3A_371 = tpu.vector_load %arg11[%get3A_369, %get3A_370] {strides = array<i32>} : memref<128x128xf32, #tpu.memory_space<vmem>>, vector<1x16xf32>,
      %get3A_372 = vector.shape_cast %get3A_371 : vector<1x16xf32> to vector<16xf32>
      %swap3A_373 = arith.constant 64 : i32
      %swap3A_374 = arith.index_cast %swap3A_373 : i32 to index
      %swap3A_375 = arith.constant 48 : index
      %swap3A_376 = tpu.vector_load %arg13[%swap3A_374, %swap3A_375] {strides = array<i32>} : memref<128x128xf32, #tpu.memory_space<vmem>>, vector<1x16xf32>,
      %swap3A_377 = vector.shape_cast %swap3A_376 : vector<1x16xf32> to vector<16xf32>
      %swap3A_378 = vector.shape_cast %get3A_372 : vector<16xf32> to vector<1x16xf32>
      tpu.vector_store %arg13[%swap3A_374, %swap3A_375], %swap3A_378 {strides = array<i32>} : memref<128x128xf32, #tpu.memory_space<vmem>>, vector<1x16xf32>,
      %get3A_379 = arith.index_cast %add3A_289 : i32 to index
      %get3A_380 = arith.constant 48 : index
      %get3A_381 = tpu.vector_load %arg12[%get3A_379, %get3A_380] {strides = array<i32>} : memref<128x128xf32, #tpu.memory_space<vmem>>, vector<1x16xf32>,
      %get3A_382 = vector.shape_cast %get3A_381 : vector<1x16xf32> to vector<16xf32>
      %swap3A_383 = arith.constant 127 : i32
      %swap3A_384 = arith.index_cast %swap3A_383 : i32 to index
      %swap3A_385 = arith.constant 48 : index
      %swap3A_386 = tpu.vector_load %arg13[%swap3A_384, %swap3A_385] {strides = array<i32>} : memref<128x128xf32, #tpu.memory_space<vmem>>, vector<1x16xf32>,
      %swap3A_387 = vector.shape_cast %swap3A_386 : vector<1x16xf32> to vector<16xf32>
      %swap3A_388 = vector.shape_cast %get3A_382 : vector<16xf32> to vector<1x16xf32>
      tpu.vector_store %arg13[%swap3A_384, %swap3A_385], %swap3A_388 {strides = array<i32>} : memref<128x128xf32, #tpu.memory_space<vmem>>, vector<1x16xf32>,
      %get3A_389 = arith.index_cast %add3A_289 : i32 to index
      %get3A_390 = arith.constant 64 : index
      %get3A_391 = tpu.vector_load %arg11[%get3A_389, %get3A_390] {strides = array<i32>} : memref<128x128xf32, #tpu.memory_space<vmem>>, vector<1x16xf32>,
      %get3A_392 = vector.shape_cast %get3A_391 : vector<1x16xf32> to vector<16xf32>
      %swap3A_393 = arith.constant 64 : i32
      %swap3A_394 = arith.index_cast %swap3A_393 : i32 to index
      %swap3A_395 = arith.constant 64 : index
      %swap3A_396 = tpu.vector_load %arg13[%swap3A_394, %swap3A_395] {strides = array<i32>} : memref<128x128xf32, #tpu.memory_space<vmem>>, vector<1x16xf32>,
      %swap3A_397 = vector.shape_cast %swap3A_396 : vector<1x16xf32> to vector<16xf32>
      %swap3A_398 = vector.shape_cast %get3A_392 : vector<16xf32> to vector<1x16xf32>
      tpu.vector_store %arg13[%swap3A_394, %swap3A_395], %swap3A_398 {strides = array<i32>} : memref<128x128xf32, #tpu.memory_space<vmem>>, vector<1x16xf32>,
      %get3A_399 = arith.index_cast %add3A_289 : i32 to index
      %get3A_400 = arith.constant 64 : index
      %get3A_401 = tpu.vector_load %arg12[%get3A_399, %get3A_400] {strides = array<i32>} : memref<128x128xf32, #tpu.memory_space<vmem>>, vector<1x16xf32>,
      %get3A_402 = vector.shape_cast %get3A_401 : vector<1x16xf32> to vector<16xf32>
      %swap3A_403 = arith.constant 127 : i32
      %swap3A_404 = arith.index_cast %swap3A_403 : i32 to index
      %swap3A_405 = arith.constant 64 : index
      %swap3A_406 = tpu.vector_load %arg13[%swap3A_404, %swap3A_405] {strides = array<i32>} : memref<128x128xf32, #tpu.memory_space<vmem>>, vector<1x16xf32>,
      %swap3A_407 = vector.shape_cast %swap3A_406 : vector<1x16xf32> to vector<16xf32>
      %swap3A_408 = vector.shape_cast %get3A_402 : vector<16xf32> to vector<1x16xf32>
      tpu.vector_store %arg13[%swap3A_404, %swap3A_405], %swap3A_408 {strides = array<i32>} : memref<128x128xf32, #tpu.memory_space<vmem>>, vector<1x16xf32>,
      %get3A_409 = arith.index_cast %add3A_289 : i32 to index
      %get3A_410 = arith.constant 80 : index
      %get3A_411 = tpu.vector_load %arg11[%get3A_409, %get3A_410] {strides = array<i32>} : memref<128x128xf32, #tpu.memory_space<vmem>>, vector<1x16xf32>,
      %get3A_412 = vector.shape_cast %get3A_411 : vector<1x16xf32> to vector<16xf32>
      %swap3A_413 = arith.constant 64 : i32
      %swap3A_414 = arith.index_cast %swap3A_413 : i32 to index
      %swap3A_415 = arith.constant 80 : index
      %swap3A_416 = tpu.vector_load %arg13[%swap3A_414, %swap3A_415] {strides = array<i32>} : memref<128x128xf32, #tpu.memory_space<vmem>>, vector<1x16xf32>,
      %swap3A_417 = vector.shape_cast %swap3A_416 : vector<1x16xf32> to vector<16xf32>
      %swap3A_418 = vector.shape_cast %get3A_412 : vector<16xf32> to vector<1x16xf32>
      tpu.vector_store %arg13[%swap3A_414, %swap3A_415], %swap3A_418 {strides = array<i32>} : memref<128x128xf32, #tpu.memory_space<vmem>>, vector<1x16xf32>,
      %get3A_419 = arith.index_cast %add3A_289 : i32 to index
      %get3A_420 = arith.constant 80 : index
      %get3A_421 = tpu.vector_load %arg12[%get3A_419, %get3A_420] {strides = array<i32>} : memref<128x128xf32, #tpu.memory_space<vmem>>, vector<1x16xf32>,
      %get3A_422 = vector.shape_cast %get3A_421 : vector<1x16xf32> to vector<16xf32>
      %swap3A_423 = arith.constant 127 : i32
      %swap3A_424 = arith.index_cast %swap3A_423 : i32 to index
      %swap3A_425 = arith.constant 80 : index
      %swap3A_426 = tpu.vector_load %arg13[%swap3A_424, %swap3A_425] {strides = array<i32>} : memref<128x128xf32, #tpu.memory_space<vmem>>, vector<1x16xf32>,
      %swap3A_427 = vector.shape_cast %swap3A_426 : vector<1x16xf32> to vector<16xf32>
      %swap3A_428 = vector.shape_cast %get3A_422 : vector<16xf32> to vector<1x16xf32>
      tpu.vector_store %arg13[%swap3A_424, %swap3A_425], %swap3A_428 {strides = array<i32>} : memref<128x128xf32, #tpu.memory_space<vmem>>, vector<1x16xf32>,
      %get3A_429 = arith.index_cast %add3A_289 : i32 to index
      %get3A_430 = arith.constant 96 : index
      %get3A_431 = tpu.vector_load %arg11[%get3A_429, %get3A_430] {strides = array<i32>} : memref<128x128xf32, #tpu.memory_space<vmem>>, vector<1x16xf32>,
      %get3A_432 = vector.shape_cast %get3A_431 : vector<1x16xf32> to vector<16xf32>
      %swap3A_433 = arith.constant 64 : i32
      %swap3A_434 = arith.index_cast %swap3A_433 : i32 to index
      %swap3A_435 = arith.constant 96 : index
      %swap3A_436 = tpu.vector_load %arg13[%swap3A_434, %swap3A_435] {strides = array<i32>} : memref<128x128xf32, #tpu.memory_space<vmem>>, vector<1x16xf32>,
      %swap3A_437 = vector.shape_cast %swap3A_436 : vector<1x16xf32> to vector<16xf32>
      %swap3A_438 = vector.shape_cast %get3A_432 : vector<16xf32> to vector<1x16xf32>
      tpu.vector_store %arg13[%swap3A_434, %swap3A_435], %swap3A_438 {strides = array<i32>} : memref<128x128xf32, #tpu.memory_space<vmem>>, vector<1x16xf32>,
      %get3A_439 = arith.index_cast %add3A_289 : i32 to index
      %get3A_440 = arith.constant 96 : index
      %get3A_441 = tpu.vector_load %arg12[%get3A_439, %get3A_440] {strides = array<i32>} : memref<128x128xf32, #tpu.memory_space<vmem>>, vector<1x16xf32>,
      %get3A_442 = vector.shape_cast %get3A_441 : vector<1x16xf32> to vector<16xf32>
      %swap3A_443 = arith.constant 127 : i32
      %swap3A_444 = arith.index_cast %swap3A_443 : i32 to index
      %swap3A_445 = arith.constant 96 : index
      %swap3A_446 = tpu.vector_load %arg13[%swap3A_444, %swap3A_445] {strides = array<i32>} : memref<128x128xf32, #tpu.memory_space<vmem>>, vector<1x16xf32>,
      %swap3A_447 = vector.shape_cast %swap3A_446 : vector<1x16xf32> to vector<16xf32>
      %swap3A_448 = vector.shape_cast %get3A_442 : vector<16xf32> to vector<1x16xf32>
      tpu.vector_store %arg13[%swap3A_444, %swap3A_445], %swap3A_448 {strides = array<i32>} : memref<128x128xf32, #tpu.memory_space<vmem>>, vector<1x16xf32>,
      %get3A_449 = arith.index_cast %add3A_289 : i32 to index
      %get3A_450 = arith.constant 112 : index
      %get3A_451 = tpu.vector_load %arg11[%get3A_449, %get3A_450] {strides = array<i32>} : memref<128x128xf32, #tpu.memory_space<vmem>>, vector<1x16xf32>,
      %get3A_452 = vector.shape_cast %get3A_451 : vector<1x16xf32> to vector<16xf32>
      %swap3A_453 = arith.constant 64 : i32
      %swap3A_454 = arith.index_cast %swap3A_453 : i32 to index
      %swap3A_455 = arith.constant 112 : index
      %swap3A_456 = tpu.vector_load %arg13[%swap3A_454, %swap3A_455] {strides = array<i32>} : memref<128x128xf32, #tpu.memory_space<vmem>>, vector<1x16xf32>,
      %swap3A_457 = vector.shape_cast %swap3A_456 : vector<1x16xf32> to vector<16xf32>
      %swap3A_458 = vector.shape_cast %get3A_452 : vector<16xf32> to vector<1x16xf32>
      tpu.vector_store %arg13[%swap3A_454, %swap3A_455], %swap3A_458 {strides = array<i32>} : memref<128x128xf32, #tpu.memory_space<vmem>>, vector<1x16xf32>,
      %get3A_459 = arith.index_cast %add3A_289 : i32 to index
      %get3A_460 = arith.constant 112 : index
      %get3A_461 = tpu.vector_load %arg12[%get3A_459, %get3A_460] {strides = array<i32>} : memref<128x128xf32, #tpu.memory_space<vmem>>, vector<1x16xf32>,
      %get3A_462 = vector.shape_cast %get3A_461 : vector<1x16xf32> to vector<16xf32>
      %swap3A_463 = arith.constant 127 : i32
      %swap3A_464 = arith.index_cast %swap3A_463 : i32 to index
      %swap3A_465 = arith.constant 112 : index
      %swap3A_466 = tpu.vector_load %arg13[%swap3A_464, %swap3A_465] {strides = array<i32>} : memref<128x128xf32, #tpu.memory_space<vmem>>, vector<1x16xf32>,
      %swap3A_467 = vector.shape_cast %swap3A_466 : vector<1x16xf32> to vector<16xf32>
      %swap3A_468 = vector.shape_cast %get3A_462 : vector<16xf32> to vector<1x16xf32>
      tpu.vector_store %arg13[%swap3A_464, %swap3A_465], %swap3A_468 {strides = array<i32>} : memref<128x128xf32, #tpu.memory_space<vmem>>, vector<1x16xf32>,
      %parallel_loop3A_469 = arith.constant 0 : i32
      %parallel_loop3A_470 = arith.constant 128 : i32
      %parallel_loop3A_471 = arith.constant 1 : i32
      scf.for %parallel_loop3A_497 = %parallel_loop3A_469 to %parallel_loop3A_470 step %parallel_loop3A_471  : i32 {
        %parallel_loop3A_498 = arith.index_cast %parallel_loop3A_497 : i32 to index
        %parallel_loop3A_499 = memref.load %arg15[%parallel_loop3A_498] : memref<128xi32, #tpu.memory_space<smem>>
        %parallel_loop3A_500 = arith.constant 64 : i32
        %parallel_loop3A_501 = arith.addi %parallel_loop3A_499, %parallel_loop3A_500 : i32
        %parallel_loop3A_502 = arith.index_cast %parallel_loop3A_497 : i32 to index
        %parallel_loop3A_503 = arith.constant 0 : index
        %parallel_loop3A_504 = tpu.vector_load %arg10[%parallel_loop3A_502, %parallel_loop3A_503] {strides = array<i32>} : memref<128x16xf32, #tpu.memory_space<vmem>>, vector<1x16xf32>,
        %parallel_loop3A_505 = vector.shape_cast %parallel_loop3A_504 : vector<1x16xf32> to vector<16xf32>
        %parallel_loop3A_506 = arith.index_cast %parallel_loop3A_501 : i32 to index
        %parallel_loop3A_507 = arith.constant 0 : index
        %parallel_loop3A_508 = tpu.vector_load %arg13[%parallel_loop3A_506, %parallel_loop3A_507] {strides = array<i32>} : memref<128x128xf32, #tpu.memory_space<vmem>>, vector<1x16xf32>,
        %parallel_loop3A_509 = vector.shape_cast %parallel_loop3A_508 : vector<1x16xf32> to vector<16xf32>
        %parallel_loop3A_510 = arith.index_cast %parallel_loop3A_501 : i32 to index
        %parallel_loop3A_511 = arith.constant 16 : index
        %parallel_loop3A_512 = tpu.vector_load %arg13[%parallel_loop3A_510, %parallel_loop3A_511] {strides = array<i32>} : memref<128x128xf32, #tpu.memory_space<vmem>>, vector<1x16xf32>,
        %parallel_loop3A_513 = vector.shape_cast %parallel_loop3A_512 : vector<1x16xf32> to vector<16xf32>
        %parallel_loop3A_514 = arith.index_cast %parallel_loop3A_501 : i32 to index
        %parallel_loop3A_515 = arith.constant 32 : index
        %parallel_loop3A_516 = tpu.vector_load %arg13[%parallel_loop3A_514, %parallel_loop3A_515] {strides = array<i32>} : memref<128x128xf32, #tpu.memory_space<vmem>>, vector<1x16xf32>,
        %parallel_loop3A_517 = vector.shape_cast %parallel_loop3A_516 : vector<1x16xf32> to vector<16xf32>
        %parallel_loop3A_518 = arith.index_cast %parallel_loop3A_501 : i32 to index
        %parallel_loop3A_519 = arith.constant 48 : index
        %parallel_loop3A_520 = tpu.vector_load %arg13[%parallel_loop3A_518, %parallel_loop3A_519] {strides = array<i32>} : memref<128x128xf32, #tpu.memory_space<vmem>>, vector<1x16xf32>,
        %parallel_loop3A_521 = vector.shape_cast %parallel_loop3A_520 : vector<1x16xf32> to vector<16xf32>
        %parallel_loop3A_522 = arith.index_cast %parallel_loop3A_501 : i32 to index
        %parallel_loop3A_523 = arith.constant 64 : index
        %parallel_loop3A_524 = tpu.vector_load %arg13[%parallel_loop3A_522, %parallel_loop3A_523] {strides = array<i32>} : memref<128x128xf32, #tpu.memory_space<vmem>>, vector<1x16xf32>,
        %parallel_loop3A_525 = vector.shape_cast %parallel_loop3A_524 : vector<1x16xf32> to vector<16xf32>
        %parallel_loop3A_526 = arith.index_cast %parallel_loop3A_501 : i32 to index
        %parallel_loop3A_527 = arith.constant 80 : index
        %parallel_loop3A_528 = tpu.vector_load %arg13[%parallel_loop3A_526, %parallel_loop3A_527] {strides = array<i32>} : memref<128x128xf32, #tpu.memory_space<vmem>>, vector<1x16xf32>,
        %parallel_loop3A_529 = vector.shape_cast %parallel_loop3A_528 : vector<1x16xf32> to vector<16xf32>
        %parallel_loop3A_530 = arith.index_cast %parallel_loop3A_501 : i32 to index
        %parallel_loop3A_531 = arith.constant 96 : index
        %parallel_loop3A_532 = tpu.vector_load %arg13[%parallel_loop3A_530, %parallel_loop3A_531] {strides = array<i32>} : memref<128x128xf32, #tpu.memory_space<vmem>>, vector<1x16xf32>,
        %parallel_loop3A_533 = vector.shape_cast %parallel_loop3A_532 : vector<1x16xf32> to vector<16xf32>
        %parallel_loop3A_534 = arith.index_cast %parallel_loop3A_501 : i32 to index
        %parallel_loop3A_535 = arith.constant 112 : index
        %parallel_loop3A_536 = tpu.vector_load %arg13[%parallel_loop3A_534, %parallel_loop3A_535] {strides = array<i32>} : memref<128x128xf32, #tpu.memory_space<vmem>>, vector<1x16xf32>,
        %parallel_loop3A_537 = vector.shape_cast %parallel_loop3A_536 : vector<1x16xf32> to vector<16xf32>
        %parallel_loop3A_538 = arith.constant 1 : i32
        %parallel_loop3A_539 = arith.addi %parallel_loop3A_501, %parallel_loop3A_538 : i32
        %parallel_loop3A_540 = arith.index_cast %parallel_loop3A_539 : i32 to index
        %parallel_loop3A_541 = arith.constant 0 : index
        %parallel_loop3A_542 = tpu.vector_load %arg13[%parallel_loop3A_540, %parallel_loop3A_541] {strides = array<i32>} : memref<128x128xf32, #tpu.memory_space<vmem>>, vector<1x16xf32>,
        %parallel_loop3A_543 = vector.shape_cast %parallel_loop3A_542 : vector<1x16xf32> to vector<16xf32>
        %parallel_loop3A_544 = arith.constant 1 : i32
        %parallel_loop3A_545 = arith.addi %parallel_loop3A_501, %parallel_loop3A_544 : i32
        %parallel_loop3A_546 = arith.index_cast %parallel_loop3A_545 : i32 to index
        %parallel_loop3A_547 = arith.constant 16 : index
        %parallel_loop3A_548 = tpu.vector_load %arg13[%parallel_loop3A_546, %parallel_loop3A_547] {strides = array<i32>} : memref<128x128xf32, #tpu.memory_space<vmem>>, vector<1x16xf32>,
        %parallel_loop3A_549 = vector.shape_cast %parallel_loop3A_548 : vector<1x16xf32> to vector<16xf32>
        %parallel_loop3A_550 = arith.constant 1 : i32
        %parallel_loop3A_551 = arith.addi %parallel_loop3A_501, %parallel_loop3A_550 : i32
        %parallel_loop3A_552 = arith.index_cast %parallel_loop3A_551 : i32 to index
        %parallel_loop3A_553 = arith.constant 32 : index
        %parallel_loop3A_554 = tpu.vector_load %arg13[%parallel_loop3A_552, %parallel_loop3A_553] {strides = array<i32>} : memref<128x128xf32, #tpu.memory_space<vmem>>, vector<1x16xf32>,
        %parallel_loop3A_555 = vector.shape_cast %parallel_loop3A_554 : vector<1x16xf32> to vector<16xf32>
        %parallel_loop3A_556 = arith.constant 1 : i32
        %parallel_loop3A_557 = arith.addi %parallel_loop3A_501, %parallel_loop3A_556 : i32
        %parallel_loop3A_558 = arith.index_cast %parallel_loop3A_557 : i32 to index
        %parallel_loop3A_559 = arith.constant 48 : index
        %parallel_loop3A_560 = tpu.vector_load %arg13[%parallel_loop3A_558, %parallel_loop3A_559] {strides = array<i32>} : memref<128x128xf32, #tpu.memory_space<vmem>>, vector<1x16xf32>,
        %parallel_loop3A_561 = vector.shape_cast %parallel_loop3A_560 : vector<1x16xf32> to vector<16xf32>
        %parallel_loop3A_562 = arith.constant 1 : i32
        %parallel_loop3A_563 = arith.addi %parallel_loop3A_501, %parallel_loop3A_562 : i32
        %parallel_loop3A_564 = arith.index_cast %parallel_loop3A_563 : i32 to index
        %parallel_loop3A_565 = arith.constant 64 : index
        %parallel_loop3A_566 = tpu.vector_load %arg13[%parallel_loop3A_564, %parallel_loop3A_565] {strides = array<i32>} : memref<128x128xf32, #tpu.memory_space<vmem>>, vector<1x16xf32>,
        %parallel_loop3A_567 = vector.shape_cast %parallel_loop3A_566 : vector<1x16xf32> to vector<16xf32>
        %parallel_loop3A_568 = arith.constant 1 : i32
        %parallel_loop3A_569 = arith.addi %parallel_loop3A_501, %parallel_loop3A_568 : i32
        %parallel_loop3A_570 = arith.index_cast %parallel_loop3A_569 : i32 to index
        %parallel_loop3A_571 = arith.constant 80 : index
        %parallel_loop3A_572 = tpu.vector_load %arg13[%parallel_loop3A_570, %parallel_loop3A_571] {strides = array<i32>} : memref<128x128xf32, #tpu.memory_space<vmem>>, vector<1x16xf32>,
        %parallel_loop3A_573 = vector.shape_cast %parallel_loop3A_572 : vector<1x16xf32> to vector<16xf32>
        %parallel_loop3A_574 = arith.constant 1 : i32
        %parallel_loop3A_575 = arith.addi %parallel_loop3A_501, %parallel_loop3A_574 : i32
        %parallel_loop3A_576 = arith.index_cast %parallel_loop3A_575 : i32 to index
        %parallel_loop3A_577 = arith.constant 96 : index
        %parallel_loop3A_578 = tpu.vector_load %arg13[%parallel_loop3A_576, %parallel_loop3A_577] {strides = array<i32>} : memref<128x128xf32, #tpu.memory_space<vmem>>, vector<1x16xf32>,
        %parallel_loop3A_579 = vector.shape_cast %parallel_loop3A_578 : vector<1x16xf32> to vector<16xf32>
        %parallel_loop3A_580 = arith.constant 1 : i32
        %parallel_loop3A_581 = arith.addi %parallel_loop3A_501, %parallel_loop3A_580 : i32
        %parallel_loop3A_582 = arith.index_cast %parallel_loop3A_581 : i32 to index
        %parallel_loop3A_583 = arith.constant 112 : index
        %parallel_loop3A_584 = tpu.vector_load %arg13[%parallel_loop3A_582, %parallel_loop3A_583] {strides = array<i32>} : memref<128x128xf32, #tpu.memory_space<vmem>>, vector<1x16xf32>,
        %parallel_loop3A_585 = vector.shape_cast %parallel_loop3A_584 : vector<1x16xf32> to vector<16xf32>
        %parallel_loop3A_586 = arith.subf %parallel_loop3A_543, %parallel_loop3A_509 : vector<16xf32>
        %parallel_loop3A_587 = arith.mulf %parallel_loop3A_505, %parallel_loop3A_586 : vector<16xf32>
        %parallel_loop3A_588 = arith.addf %parallel_loop3A_509, %parallel_loop3A_587 : vector<16xf32>
        %parallel_loop3A_589 = arith.constant 1 : i32
        %parallel_loop3A_590 = arith.index_cast %parallel_loop3A_589 : i32 to index
        %parallel_loop3A_591 = arith.index_cast %parallel_loop3A_497 : i32 to index
        %parallel_loop3A_592 = arith.constant 0 : index
        %parallel_loop3A_593 = tpu.vector_load %arg14[%parallel_loop3A_590, %parallel_loop3A_591, %parallel_loop3A_592] {strides = array<i32>} : memref<2x128x128xf32, #tpu.memory_space<vmem>>, vector<1x1x16xf32>,
        %parallel_loop3A_594 = vector.shape_cast %parallel_loop3A_593 : vector<1x1x16xf32> to vector<16xf32>
        %parallel_loop3A_595 = vector.shape_cast %parallel_loop3A_588 : vector<16xf32> to vector<1x1x16xf32>
        tpu.vector_store %arg14[%parallel_loop3A_590, %parallel_loop3A_591, %parallel_loop3A_592], %parallel_loop3A_595 {strides = array<i32>} : memref<2x128x128xf32, #tpu.memory_space<vmem>>, vector<1x1x16xf32>,
        %parallel_loop3A_596 = arith.subf %parallel_loop3A_549, %parallel_loop3A_513 : vector<16xf32>
        %parallel_loop3A_597 = arith.mulf %parallel_loop3A_505, %parallel_loop3A_596 : vector<16xf32>
        %parallel_loop3A_598 = arith.addf %parallel_loop3A_513, %parallel_loop3A_597 : vector<16xf32>
        %parallel_loop3A_599 = arith.constant 1 : i32
        %parallel_loop3A_600 = arith.index_cast %parallel_loop3A_599 : i32 to index
        %parallel_loop3A_601 = arith.index_cast %parallel_loop3A_497 : i32 to index
        %parallel_loop3A_602 = arith.constant 16 : index
        %parallel_loop3A_603 = tpu.vector_load %arg14[%parallel_loop3A_600, %parallel_loop3A_601, %parallel_loop3A_602] {strides = array<i32>} : memref<2x128x128xf32, #tpu.memory_space<vmem>>, vector<1x1x16xf32>,
        %parallel_loop3A_604 = vector.shape_cast %parallel_loop3A_603 : vector<1x1x16xf32> to vector<16xf32>
        %parallel_loop3A_605 = vector.shape_cast %parallel_loop3A_598 : vector<16xf32> to vector<1x1x16xf32>
        tpu.vector_store %arg14[%parallel_loop3A_600, %parallel_loop3A_601, %parallel_loop3A_602], %parallel_loop3A_605 {strides = array<i32>} : memref<2x128x128xf32, #tpu.memory_space<vmem>>, vector<1x1x16xf32>,
        %parallel_loop3A_606 = arith.subf %parallel_loop3A_555, %parallel_loop3A_517 : vector<16xf32>
        %parallel_loop3A_607 = arith.mulf %parallel_loop3A_505, %parallel_loop3A_606 : vector<16xf32>
        %parallel_loop3A_608 = arith.addf %parallel_loop3A_517, %parallel_loop3A_607 : vector<16xf32>
        %parallel_loop3A_609 = arith.constant 1 : i32
        %parallel_loop3A_610 = arith.index_cast %parallel_loop3A_609 : i32 to index
        %parallel_loop3A_611 = arith.index_cast %parallel_loop3A_497 : i32 to index
        %parallel_loop3A_612 = arith.constant 32 : index
        %parallel_loop3A_613 = tpu.vector_load %arg14[%parallel_loop3A_610, %parallel_loop3A_611, %parallel_loop3A_612] {strides = array<i32>} : memref<2x128x128xf32, #tpu.memory_space<vmem>>, vector<1x1x16xf32>,
        %parallel_loop3A_614 = vector.shape_cast %parallel_loop3A_613 : vector<1x1x16xf32> to vector<16xf32>
        %parallel_loop3A_615 = vector.shape_cast %parallel_loop3A_608 : vector<16xf32> to vector<1x1x16xf32>
        tpu.vector_store %arg14[%parallel_loop3A_610, %parallel_loop3A_611, %parallel_loop3A_612], %parallel_loop3A_615 {strides = array<i32>} : memref<2x128x128xf32, #tpu.memory_space<vmem>>, vector<1x1x16xf32>,
        %parallel_loop3A_616 = arith.subf %parallel_loop3A_561, %parallel_loop3A_521 : vector<16xf32>
        %parallel_loop3A_617 = arith.mulf %parallel_loop3A_505, %parallel_loop3A_616 : vector<16xf32>
        %parallel_loop3A_618 = arith.addf %parallel_loop3A_521, %parallel_loop3A_617 : vector<16xf32>
        %parallel_loop3A_619 = arith.constant 1 : i32
        %parallel_loop3A_620 = arith.index_cast %parallel_loop3A_619 : i32 to index
        %parallel_loop3A_621 = arith.index_cast %parallel_loop3A_497 : i32 to index
        %parallel_loop3A_622 = arith.constant 48 : index
        %parallel_loop3A_623 = tpu.vector_load %arg14[%parallel_loop3A_620, %parallel_loop3A_621, %parallel_loop3A_622] {strides = array<i32>} : memref<2x128x128xf32, #tpu.memory_space<vmem>>, vector<1x1x16xf32>,
        %parallel_loop3A_624 = vector.shape_cast %parallel_loop3A_623 : vector<1x1x16xf32> to vector<16xf32>
        %parallel_loop3A_625 = vector.shape_cast %parallel_loop3A_618 : vector<16xf32> to vector<1x1x16xf32>
        tpu.vector_store %arg14[%parallel_loop3A_620, %parallel_loop3A_621, %parallel_loop3A_622], %parallel_loop3A_625 {strides = array<i32>} : memref<2x128x128xf32, #tpu.memory_space<vmem>>, vector<1x1x16xf32>,
        %parallel_loop3A_626 = arith.subf %parallel_loop3A_567, %parallel_loop3A_525 : vector<16xf32>
        %parallel_loop3A_627 = arith.mulf %parallel_loop3A_505, %parallel_loop3A_626 : vector<16xf32>
        %parallel_loop3A_628 = arith.addf %parallel_loop3A_525, %parallel_loop3A_627 : vector<16xf32>
        %parallel_loop3A_629 = arith.constant 1 : i32
        %parallel_loop3A_630 = arith.index_cast %parallel_loop3A_629 : i32 to index
        %parallel_loop3A_631 = arith.index_cast %parallel_loop3A_497 : i32 to index
        %parallel_loop3A_632 = arith.constant 64 : index
        %parallel_loop3A_633 = tpu.vector_load %arg14[%parallel_loop3A_630, %parallel_loop3A_631, %parallel_loop3A_632] {strides = array<i32>} : memref<2x128x128xf32, #tpu.memory_space<vmem>>, vector<1x1x16xf32>,
        %parallel_loop3A_634 = vector.shape_cast %parallel_loop3A_633 : vector<1x1x16xf32> to vector<16xf32>
        %parallel_loop3A_635 = vector.shape_cast %parallel_loop3A_628 : vector<16xf32> to vector<1x1x16xf32>
        tpu.vector_store %arg14[%parallel_loop3A_630, %parallel_loop3A_631, %parallel_loop3A_632], %parallel_loop3A_635 {strides = array<i32>} : memref<2x128x128xf32, #tpu.memory_space<vmem>>, vector<1x1x16xf32>,
        %parallel_loop3A_636 = arith.subf %parallel_loop3A_573, %parallel_loop3A_529 : vector<16xf32>
        %parallel_loop3A_637 = arith.mulf %parallel_loop3A_505, %parallel_loop3A_636 : vector<16xf32>
        %parallel_loop3A_638 = arith.addf %parallel_loop3A_529, %parallel_loop3A_637 : vector<16xf32>
        %parallel_loop3A_639 = arith.constant 1 : i32
        %parallel_loop3A_640 = arith.index_cast %parallel_loop3A_639 : i32 to index
        %parallel_loop3A_641 = arith.index_cast %parallel_loop3A_497 : i32 to index
        %parallel_loop3A_642 = arith.constant 80 : index
        %parallel_loop3A_643 = tpu.vector_load %arg14[%parallel_loop3A_640, %parallel_loop3A_641, %parallel_loop3A_642] {strides = array<i32>} : memref<2x128x128xf32, #tpu.memory_space<vmem>>, vector<1x1x16xf32>,
        %parallel_loop3A_644 = vector.shape_cast %parallel_loop3A_643 : vector<1x1x16xf32> to vector<16xf32>
        %parallel_loop3A_645 = vector.shape_cast %parallel_loop3A_638 : vector<16xf32> to vector<1x1x16xf32>
        tpu.vector_store %arg14[%parallel_loop3A_640, %parallel_loop3A_641, %parallel_loop3A_642], %parallel_loop3A_645 {strides = array<i32>} : memref<2x128x128xf32, #tpu.memory_space<vmem>>, vector<1x1x16xf32>,
        %parallel_loop3A_646 = arith.subf %parallel_loop3A_579, %parallel_loop3A_533 : vector<16xf32>
        %parallel_loop3A_647 = arith.mulf %parallel_loop3A_505, %parallel_loop3A_646 : vector<16xf32>
        %parallel_loop3A_648 = arith.addf %parallel_loop3A_533, %parallel_loop3A_647 : vector<16xf32>
        %parallel_loop3A_649 = arith.constant 1 : i32
        %parallel_loop3A_650 = arith.index_cast %parallel_loop3A_649 : i32 to index
        %parallel_loop3A_651 = arith.index_cast %parallel_loop3A_497 : i32 to index
        %parallel_loop3A_652 = arith.constant 96 : index
        %parallel_loop3A_653 = tpu.vector_load %arg14[%parallel_loop3A_650, %parallel_loop3A_651, %parallel_loop3A_652] {strides = array<i32>} : memref<2x128x128xf32, #tpu.memory_space<vmem>>, vector<1x1x16xf32>,
        %parallel_loop3A_654 = vector.shape_cast %parallel_loop3A_653 : vector<1x1x16xf32> to vector<16xf32>
        %parallel_loop3A_655 = vector.shape_cast %parallel_loop3A_648 : vector<16xf32> to vector<1x1x16xf32>
        tpu.vector_store %arg14[%parallel_loop3A_650, %parallel_loop3A_651, %parallel_loop3A_652], %parallel_loop3A_655 {strides = array<i32>} : memref<2x128x128xf32, #tpu.memory_space<vmem>>, vector<1x1x16xf32>,
        %parallel_loop3A_656 = arith.subf %parallel_loop3A_585, %parallel_loop3A_537 : vector<16xf32>
        %parallel_loop3A_657 = arith.mulf %parallel_loop3A_505, %parallel_loop3A_656 : vector<16xf32>
        %parallel_loop3A_658 = arith.addf %parallel_loop3A_537, %parallel_loop3A_657 : vector<16xf32>
        %parallel_loop3A_659 = arith.constant 1 : i32
        %parallel_loop3A_660 = arith.index_cast %parallel_loop3A_659 : i32 to index
        %parallel_loop3A_661 = arith.index_cast %parallel_loop3A_497 : i32 to index
        %parallel_loop3A_662 = arith.constant 112 : index
        %parallel_loop3A_663 = tpu.vector_load %arg14[%parallel_loop3A_660, %parallel_loop3A_661, %parallel_loop3A_662] {strides = array<i32>} : memref<2x128x128xf32, #tpu.memory_space<vmem>>, vector<1x1x16xf32>,
        %parallel_loop3A_664 = vector.shape_cast %parallel_loop3A_663 : vector<1x1x16xf32> to vector<16xf32>
        %parallel_loop3A_665 = vector.shape_cast %parallel_loop3A_658 : vector<16xf32> to vector<1x1x16xf32>
        tpu.vector_store %arg14[%parallel_loop3A_660, %parallel_loop3A_661, %parallel_loop3A_662], %parallel_loop3A_665 {strides = array<i32>} : memref<2x128x128xf32, #tpu.memory_space<vmem>>, vector<1x1x16xf32>,
      } {sc.loop_unroll_factor = 2 : i64, sc.parallel_access}
      %add3A_472 = arith.addi %mul3A_2, %add3A_289 : i32
      %dma_start3A_473 = arith.constant 1 : i32
      %dma_start3A_474 = arith.constant 0 : i32
      %dma_start3A_475 = arith.constant 0 : i32
      %dma_start3A_476 = tpu.memref_slice %arg14[%dma_start3A_473, %dma_start3A_474, %dma_start3A_475] : memref<2x128x128xf32, #tpu.memory_space<vmem>> -> memref<1x128x128xf32, #tpu.memory_space<vmem>>
      %dma_start3A_477 = tpu.memref_squeeze %dma_start3A_476 : memref<1x128x128xf32, #tpu.memory_space<vmem>> -> memref<128x128xf32, #tpu.memory_space<vmem>>
      %dma_start3A_478 = arith.constant 0 : i32
      %dma_start3A_479 = arith.constant 0 : i32
      %dma_start3A_480 = tpu.memref_slice %arg7[%add3A_472, %dma_start3A_478, %dma_start3A_479] : memref<4096x128x128xf32, #tpu.memory_space<hbm>> -> memref<1x128x128xf32, #tpu.memory_space<hbm>>
      %dma_start3A_481 = tpu.memref_squeeze %dma_start3A_480 : memref<1x128x128xf32, #tpu.memory_space<hbm>> -> memref<128x128xf32, #tpu.memory_space<hbm>>
      %dma_start3A_482 = arith.constant 0 : i32
      %dma_start3A_483 = arith.constant 0 : i32
      %dma_start3A_484 = tpu.memref_slice %arg7[%add3A_472, %dma_start3A_482, %dma_start3A_483] : memref<4096x128x128xf32, #tpu.memory_space<hbm>> -> memref<1x128x128xf32, #tpu.memory_space<hbm>>
      %dma_start3A_485 = tpu.memref_squeeze %dma_start3A_484 : memref<1x128x128xf32, #tpu.memory_space<hbm>> -> memref<128x128xf32, #tpu.memory_space<hbm>>
      %dma_start3A_486 = arith.constant 0 : i32
      %dma_start3A_487 = arith.constant 0 : i32
      %dma_start3A_488 = tpu.memref_slice %arg14[%dma_start3A_473, %dma_start3A_486, %dma_start3A_487] : memref<2x128x128xf32, #tpu.memory_space<vmem>> -> memref<1x128x128xf32, #tpu.memory_space<vmem>>
      %dma_start3A_489 = tpu.memref_squeeze %dma_start3A_488 : memref<1x128x128xf32, #tpu.memory_space<vmem>> -> memref<128x128xf32, #tpu.memory_space<vmem>>
      tpu.enqueue_dma source(%dma_start3A_489 : memref<128x128xf32, #tpu.memory_space<vmem>>) target(%dma_start3A_485 : memref<128x128xf32, #tpu.memory_space<hbm>>) target_semaphore(%arg19 : memref<!tpu.dma_semaphore, #tpu.memory_space<semaphore_mem>>)
      %add3A_490 = arith.constant 2 : i32
      %add3A_491 = arith.addi %add3A_289, %add3A_490 : i32
      %lt3A_492 = arith.constant 128 : i32
      %lt3A_493 = arith.cmpi slt, %add3A_491, %lt3A_492 : i32
      %convert_element_type3A_494 = arith.extui %lt3A_493 : i1 to i32
      %cond3A_495 = arith.constant 0 : i32
      %cond3A_496 = arith.cmpi ne, %convert_element_type3A_494, %cond3A_495 : i32
      scf.if %cond3A_496 {
        %add3A_497 = arith.addi %mul3A_2, %add3A_289 : i32
        %add3A_498 = arith.constant 2 : i32
        %add3A_499 = arith.addi %add3A_497, %add3A_498 : i32
        %dma_start3A_500 = arith.constant 65 : i32
        %dma_start3A_501 = arith.constant 0 : i32
        %dma_start3A_502 = tpu.memref_slice %arg13[%dma_start3A_500, %dma_start3A_501] : memref<128x128xf32, #tpu.memory_space<vmem>> -> memref<62x128xf32, #tpu.memory_space<vmem>>
        %dma_start3A_503 = arith.constant 0 : i32
        %dma_start3A_504 = arith.constant 0 : i32
        %dma_start3A_505 = tpu.memref_slice %arg3[%dma_start3A_503, %add3A_499, %dma_start3A_504] : memref<62x4096x128xf32, #tpu.memory_space<hbm>> -> memref<62x1x128xf32, #tpu.memory_space<hbm>>
        %dma_start3A_506 = tpu.memref_squeeze %dma_start3A_505 : memref<62x1x128xf32, #tpu.memory_space<hbm>> -> memref<62x128xf32, #tpu.memory_space<hbm>>
        %dma_start3A_507 = arith.constant 65 : i32
        %dma_start3A_508 = arith.constant 0 : i32
        %dma_start3A_509 = tpu.memref_slice %arg13[%dma_start3A_507, %dma_start3A_508] : memref<128x128xf32, #tpu.memory_space<vmem>> -> memref<62x128xf32, #tpu.memory_space<vmem>>
        %dma_start3A_510 = arith.constant 0 : i32
        %dma_start3A_511 = arith.constant 0 : i32
        %dma_start3A_512 = tpu.memref_slice %arg3[%dma_start3A_510, %add3A_499, %dma_start3A_511] : memref<62x4096x128xf32, #tpu.memory_space<hbm>> -> memref<62x1x128xf32, #tpu.memory_space<hbm>>
        %dma_start3A_513 = tpu.memref_squeeze %dma_start3A_512 : memref<62x1x128xf32, #tpu.memory_space<hbm>> -> memref<62x128xf32, #tpu.memory_space<hbm>>
        tpu.enqueue_dma source(%dma_start3A_513 : memref<62x128xf32, #tpu.memory_space<hbm>>) target(%dma_start3A_509 : memref<62x128xf32, #tpu.memory_space<vmem>>) target_semaphore(%arg17 : memref<!tpu.dma_semaphore, #tpu.memory_space<semaphore_mem>>)
      } else {
      }
    }
    %scan3A_47 = arith.constant 64 : i32
    %dma_wait3A = arith.constant 0 : i32
    %dma_wait3A_48 = arith.constant 0 : i32
    %dma_wait3A_49 = arith.constant 0 : i32
    %dma_wait3A_50 = tpu.memref_slice %arg14[%dma_wait3A, %dma_wait3A_48, %dma_wait3A_49] : memref<2x128x128xf32, #tpu.memory_space<vmem>> -> memref<1x128x128xf32, #tpu.memory_space<vmem>>
    %dma_wait3A_51 = tpu.memref_squeeze %dma_wait3A_50 : memref<1x128x128xf32, #tpu.memory_space<vmem>> -> memref<128x128xf32, #tpu.memory_space<vmem>>
    %dma_wait3A_52 = arith.constant 0 : i32
    %dma_wait3A_53 = arith.constant 0 : i32
    %dma_wait3A_54 = tpu.memref_slice %arg7[%mul3A_2, %dma_wait3A_52, %dma_wait3A_53] : memref<4096x128x128xf32, #tpu.memory_space<hbm>> -> memref<1x128x128xf32, #tpu.memory_space<hbm>>
    %dma_wait3A_55 = tpu.memref_squeeze %dma_wait3A_54 : memref<1x128x128xf32, #tpu.memory_space<hbm>> -> memref<128x128xf32, #tpu.memory_space<hbm>>
    %dma_wait3A_56 = arith.constant 0 : i32
    %dma_wait3A_57 = arith.constant 0 : i32
    %dma_wait3A_58 = tpu.memref_slice %arg7[%mul3A_2, %dma_wait3A_56, %dma_wait3A_57] : memref<4096x128x128xf32, #tpu.memory_space<hbm>> -> memref<1x128x128xf32, #tpu.memory_space<hbm>>
    %dma_wait3A_59 = tpu.memref_squeeze %dma_wait3A_58 : memref<1x128x128xf32, #tpu.memory_space<hbm>> -> memref<128x128xf32, #tpu.memory_space<hbm>>
    %dma_wait3A_60 = arith.constant 0 : i32
    %dma_wait3A_61 = arith.constant 0 : i32
    %dma_wait3A_62 = tpu.memref_slice %arg14[%dma_wait3A, %dma_wait3A_60, %dma_wait3A_61] : memref<2x128x128xf32, #tpu.memory_space<vmem>> -> memref<1x128x128xf32, #tpu.memory_space<vmem>>
    %dma_wait3A_63 = tpu.memref_squeeze %dma_wait3A_62 : memref<1x128x128xf32, #tpu.memory_space<vmem>> -> memref<128x128xf32, #tpu.memory_space<vmem>>
    tpu.wait_dma2 semaphore(%arg18 : memref<!tpu.dma_semaphore, #tpu.memory_space<semaphore_mem>>) src(%dma_wait3A_63 : memref<128x128xf32, #tpu.memory_space<vmem>>) dst(%dma_wait3A_59 : memref<128x128xf32, #tpu.memory_space<hbm>>)
    %dma_wait3A_64 = arith.constant 1 : i32
    %dma_wait3A_65 = arith.constant 0 : i32
    %dma_wait3A_66 = arith.constant 0 : i32
    %dma_wait3A_67 = tpu.memref_slice %arg14[%dma_wait3A_64, %dma_wait3A_65, %dma_wait3A_66] : memref<2x128x128xf32, #tpu.memory_space<vmem>> -> memref<1x128x128xf32, #tpu.memory_space<vmem>>
    %dma_wait3A_68 = tpu.memref_squeeze %dma_wait3A_67 : memref<1x128x128xf32, #tpu.memory_space<vmem>> -> memref<128x128xf32, #tpu.memory_space<vmem>>
    %dma_wait3A_69 = arith.constant 0 : i32
    %dma_wait3A_70 = arith.constant 0 : i32
    %dma_wait3A_71 = tpu.memref_slice %arg7[%mul3A_2, %dma_wait3A_69, %dma_wait3A_70] : memref<4096x128x128xf32, #tpu.memory_space<hbm>> -> memref<1x128x128xf32, #tpu.memory_space<hbm>>
    %dma_wait3A_72 = tpu.memref_squeeze %dma_wait3A_71 : memref<1x128x128xf32, #tpu.memory_space<hbm>> -> memref<128x128xf32, #tpu.memory_space<hbm>>
    %dma_wait3A_73 = arith.constant 0 : i32
    %dma_wait3A_74 = arith.constant 0 : i32
    %dma_wait3A_75 = tpu.memref_slice %arg7[%mul3A_2, %dma_wait3A_73, %dma_wait3A_74] : memref<4096x128x128xf32, #tpu.memory_space<hbm>> -> memref<1x128x128xf32, #tpu.memory_space<hbm>>
    %dma_wait3A_76 = tpu.memref_squeeze %dma_wait3A_75 : memref<1x128x128xf32, #tpu.memory_space<hbm>> -> memref<128x128xf32, #tpu.memory_space<hbm>>
    %dma_wait3A_77 = arith.constant 0 : i32
    %dma_wait3A_78 = arith.constant 0 : i32
    %dma_wait3A_79 = tpu.memref_slice %arg14[%dma_wait3A_64, %dma_wait3A_77, %dma_wait3A_78] : memref<2x128x128xf32, #tpu.memory_space<vmem>> -> memref<1x128x128xf32, #tpu.memory_space<vmem>>
    %dma_wait3A_80 = tpu.memref_squeeze %dma_wait3A_79 : memref<1x128x128xf32, #tpu.memory_space<vmem>> -> memref<128x128xf32, #tpu.memory_space<vmem>>
    tpu.wait_dma2 semaphore(%arg19 : memref<!tpu.dma_semaphore, #tpu.memory_space<semaphore_mem>>) src(%dma_wait3A_80 : memref<128x128xf32, #tpu.memory_space<vmem>>) dst(%dma_wait3A_76 : memref<128x128xf32, #tpu.memory_space<hbm>>)
    return
  }
}

</mosaic_0001>

<sc_bundles>
// kernel: kernel.3.cloned.1.call-start
scs
__scs_entry_jumppad:
0x0: {  	(pc) =	sbr.rel $0x88, $3  }
0x1: {  	(tag) =	ssettag $0x0;
	lr =	simm.s32 $0x1  }
0x2: {  	[smem:$0x3F9C] =	sst lr;
	_ =	strace $0xD0000000  }
0x3: {  	_ = 	snop  }
0x4: {  	_ = 	snop  }
0x5: {  	_ = 	snop  }
0x6: {  	_ = 	snop  }
0x7: {  	_ = 	snop  }
__scs_overlays_trampoline_lowered:
0x8: {  	[smem:$0x3FAB] =	sst s0  }
0x9: {  	[smem:$0x3FAC] =	sst s1  }
0xa: {  	[smem:$0x3FAD] =	sst s2  }
0xb: {  	[smem:$0x3FAE] =	sst s3  }
0xc: {  	[smem:$0x3FAF] =	sst s4  }
0xd: {  	[smem:$0x3FB0] =	sst s5  }
0xe: {  	[smem:$0x3FB1] =	sst s6  }
0xf: {  	[smem:$0x3FB2] =	sst s7  }
0x10: {  	[smem:$0x3FB3] =	sst s8  }
0x11: {  	[smem:$0x3FB4] =	sst s9;
	s0 =	simm.s32 @!p0 $0x0  }
0x12: {  	s1 =	sld [smem:$0x3F9A];
	s0 =	simm.s32 @p0 $0x1  }
0x13: {  	[smem:$0x3FB5] =	sst s0;
	s0 =	simm.s32 @!p1 $0x0  }
0x14: {  	s2 =	sld [smem:$0x3F99];
	s0 =	simm.s32 @p1 $0x1  }
0x15: {  	[smem:$0x3FB6] =	sst s0;
	s0 =	simm.s32 @!p2 $0x0  }
0x16: {  	s3 =	sld [smem:$0x3FDB];
	s0 =	simm.s32 @p2 $0x1  }
0x17: {  	s4 =	simm.s32 $0x1BF5;
	[smem:$0x3FB8] =	sst s0  }
0x18: {  	s0 =	sld [smem:$0x3F9B];
	_ =	swait.ge [sflag:s4], $0x0  }
0x19: {  	s7 =	sld [smem:$0x3F9C]  }
0x1a: {  	s8 =	sadd.s32 $0xFFFFE003, lr  }
0x1b: {  	s9 =	sadd.s32 $0xFFFFFEF7, lr;
	s5 =	simm.s32 $0xFFFFFFFF;
	p2 =	slt.u32 s8, $0xFFFFF086  }
0x1c: {  	p1 =	slt.u32 s9, $0xF7A;
	s5 =	simm.s32 @!p2 $0x0  }
0x1d: {  	s5 =	simm.s32 @p1 $0x1;
	p0 =	seq.s32 s7, s2  }
0x1e: {  	s7 =	smul.u32 @!p0 $0xF7A, s2;
	p2 =	seq.s32 @!p0 s5, $0x0  }
0x1f: {  	s9 =	smul.u32 $0xF7A, s1;
	s8 =	simm.s32 @!p0 $0x1BF5;
	p2 =	por !p2, p0  }
0x20: {  	[sflag:s8] =	ssyncset.s32 @!p0 $0xFFFFF086;
	s6 =	sadd.s32 @!p0 s3, s7;
	s7 =	simm.s32 @!p0 $0x108  }
0x21: {  	s3 =	sadd.s32 s3, s9;
	s6 =	sadd.s32 @!p0 $0x88, s6;
	s7 =	simm.s32 @p2 $0x1082  }
0x22: {  	[simem:s7], [sflag:s8] =	dma.local @!p0 [hbm:s6], $0xF7A  }
0x23: {  	s9 =	sor.u32 $0xD0000000, s2;
	s6 =	simm.s32 $0x108;
	_ =	swait.ge @!p0 [sflag:s8], $0x0  }
0x24: {  	s3 =	sadd.s32 $0x88, s3;
	s6 =	simm.s32 @!p1 $0x1082;
	[sflag:s4] =	ssyncset.s32 $0xFFFFF086  }
0x25: {  	[simem:s6], [sflag:s4] =	dma.local [hbm:s3], $0xF7A  }
0x26: {  	[smem:$0x3F9C] =	sst s1;
	(tag) =	ssettag s2;
	_ =	strace s9  }
0x27: {  	s1 =	sld [smem:$0x3FAC]  }
0x28: {  	s2 =	sld [smem:$0x3FAD]  }
0x29: {  	s4 =	sld [smem:$0x3FAF]  }
0x2a: {  	p0 =	seq.s32 s5, $0x0;
	s5 =	sld [smem:$0x3FB0]  }
0x2b: {  	s6 =	sld [smem:$0x3FB1]  }
0x2c: {  	s7 =	sld [smem:$0x3FB2]  }
0x2d: {  	s3 =	simm.s32 $0x108;
	s8 =	sld [smem:$0x3FB3]  }
0x2e: {  	s3 =	simm.s32 @!p0 $0x1082;
	s9 =	sld [smem:$0x3FB4]  }
0x2f: {  	lr =	sadd.s32 s0, s3;
	s0 =	sld [smem:$0x3FAB]  }
0x30: {  	s3 =	sld [smem:$0x3FAE]  }
0x31: {  	[smem:$0x3FB7] =	sst s10  }
0x32: {  	s10 =	sld [smem:$0x3FB5];
	_ =	sdelay $0x3  }
0x33: {  	p0 =	seq.s32 s10, $0x1;
	s10 =	sld [smem:$0x3FB7];
	_ =	sdelay $0x3  }
0x34: {  	[smem:$0x3FB7] =	sst s10  }
0x35: {  	s10 =	sld [smem:$0x3FB6];
	_ =	sdelay $0x3  }
0x36: {  	p1 =	seq.s32 s10, $0x1;
	s10 =	sld [smem:$0x3FB7];
	_ =	sdelay $0x3  }
0x37: {  	[smem:$0x3FB7] =	sst s10  }
0x38: {  	s10 =	sld [smem:$0x3FB8]  }
0x39: {  	_ = 	snop;
	(pc) =	sbr.ind lr, $3  }
0x3a: {  	_ = 	snop  }
0x3b: {  	_ = 	snop  }
0x3c: {  	p2 =	seq.s32 s10, $0x1;
	s10 =	sld [smem:$0x3FB7]  }
0x3d: {  	_ =	shalt  }
0x3e: {  	_ =	shalt  }
0x3f: {  	_ =	shalt  }
0x40: {  	_ =	shalt  }
0x41: {  	_ =	shalt  }
0x42: {  	_ =	shalt  }
0x43: {  	_ =	shalt  }
0x44: {  	_ =	shalt  }
0x45: {  	_ =	shalt  }
0x46: {  	_ =	shalt  }
0x47: {  	_ =	shalt  }
0x48: {  	_ =	shalt  }
0x49: {  	_ =	shalt  }
0x4a: {  	_ =	shalt  }
0x4b: {  	_ =	shalt  }
0x4c: {  	_ =	shalt  }
0x4d: {  	_ =	shalt  }
0x4e: {  	_ =	shalt  }
0x4f: {  	_ =	shalt  }
0x50: {  	_ =	shalt  }
0x51: {  	_ =	shalt  }
0x52: {  	_ =	shalt  }
0x53: {  	_ =	shalt  }
0x54: {  	_ =	shalt  }
0x55: {  	_ =	shalt  }
0x56: {  	_ =	shalt  }
0x57: {  	_ =	shalt  }
0x58: {  	_ =	shalt  }
0x59: {  	_ =	shalt  }
0x5a: {  	_ =	shalt  }
0x5b: {  	_ =	shalt  }
0x5c: {  	_ =	shalt  }
0x5d: {  	_ =	shalt  }
0x5e: {  	_ =	shalt  }
0x5f: {  	_ =	shalt  }
0x60: {  	_ =	shalt  }
0x61: {  	_ =	shalt  }
0x62: {  	_ =	shalt  }
0x63: {  	_ =	shalt  }
0x64: {  	_ =	shalt  }
0x65: {  	_ =	shalt  }
0x66: {  	_ =	shalt  }
0x67: {  	_ =	shalt  }
0x68: {  	_ =	shalt  }
0x69: {  	_ =	shalt  }
0x6a: {  	_ =	shalt  }
0x6b: {  	_ =	shalt  }
0x6c: {  	_ =	shalt  }
0x6d: {  	_ =	shalt  }
0x6e: {  	_ =	shalt  }
0x6f: {  	_ =	shalt  }
0x70: {  	_ =	shalt  }
0x71: {  	_ =	shalt  }
0x72: {  	_ =	shalt  }
0x73: {  	_ =	shalt  }
0x74: {  	_ =	shalt  }
0x75: {  	_ =	shalt  }
0x76: {  	_ =	shalt  }
0x77: {  	_ =	shalt  }
0x78: {  	_ =	shalt  }
0x79: {  	_ =	shalt  }
0x7a: {  	_ =	shalt  }
0x7b: {  	_ =	shalt  }
0x7c: {  	_ =	shalt  }
0x7d: {  	_ =	shalt  }
0x7e: {  	_ =	shalt  }
0x7f: {  	_ =	shalt  }
0x80: {  	_ =	shalt  }
0x81: {  	_ =	shalt  }
0x82: {  	_ =	shalt  }
0x83: {  	_ =	shalt  }
0x84: {  	_ =	shalt  }
0x85: {  	_ =	shalt  }
0x86: {  	_ =	shalt  }
0x87: {  	_ =	shalt  }
.Lfunc_end0:
.L_simem_size_0:
called_computation_lowered:
.L_overlay_start_0:
0x88: {  	s2 =	sld [smem:$0x3FD9]  }
0x89: {  	s3 =	sld [smem:$0x3FFE];
	_ =	sdelay $0x1  }
0x8a: {  	s1 =	srdreg.scid  }
0x8b: {  	s0 =	sand.u32 $0x1, s1  }
0x8c: {  	s17 =	sshll.u32 s0, $0xA;
	s2 =	sadd.s32 s3, s2  }
0x8d: {  	s2 =	sadd.s32 s2, s17  }
0x8e: {  	[smem:$0x3FC3] =	sst s2  }
0x8f: {  	_ = 	snop  }
0x90: {  	s2 =	sld [smem:$0x3FC9]  }
0x91: {  	s18 =	sld [smem:$0x3FC8]  }
0x92: {  	s4 =	sld [smem:$0x3FC7]  }
0x93: {  	s5 =	sld [smem:$0x3FC6]  }
0x94: {  	s6 =	sld [smem:$0x3FD0];
	(tm) =	ssettm $0x1  }
0x95: {  	s7 =	sld [smem:$0x3FFB];
	_ =	sdelay $0x3  }
0x96: {  	_ =	strace s7  }
0x97: {  	s7 =	sld [smem:$0x3FFC];
	_ =	sdelay $0x3  }
0x98: {  	_ =	strace s7  }
0x99: {  	s7 =	sld [smem:$0x3FFD];
	_ =	sdelay $0x3  }
0x9a: {  	_ =	strace s7  }
0x9b: {  	_ =	strace $0x8FFFFFFF  }
0x9c: {  	s19 =	sld [smem:$0x3FDB];
	_ =	sdelay $0x1  }
0x9d: {  	s8 =	simm.s32 $_scs_section_size  }
0x9e: {  	s9 =	simm.s32 $_size__tile_overlayer_lowered;
	s10 =	simm.s32 $_tile_overlayer_lowered  }
0x9f: {  	s22 =	simm.s32 $0x1BFF;
	s21 =	sshll.u32 s10, $0x1;
	s7 =	sadd.s32 s8, s19  }
0xa0: {  	s11 =	simm.s32 $0x0;
	s20 =	sshll.u32 s9, $0x1;
	s9 =	sadd.s32 s21, s7  }
0xa1: {  	[timem:s11], [sflag:s22] =	dma.local [hbm:s9], s20  }
0xa2: {  	_ =	swait.ge [sflag:s22], s20  }
0xa3: {  	s8 =	ssub.s32 $0x0, s20;
	[sflag:s22] =	ssyncset.done $0x0  }
0xa4: {  	[sflag:s22] =	ssyncadd.s32 s8;
	_ =	sdelay $0x1  }
0xa5: {  	s23 =	simm.s32 $0x1B8B  }
0xa6: {  	_ =	swait.ge [sflag:s23], $0x1  }
0xa7: {  	[sflag:s23] =	ssyncset.done $0x0  }
0xa8: {  	s25 =	simm.s32 $0x1B8E;
	s24 =	sld [smem:$0x3FFE];
	[sflag:s23] =	ssyncadd.s32 $0xFFFFFFFF  }
0xa9: {  	s26 =	simm.s32 $execute0_lowered;
	[smem:$0x3FD2] =	sst s25  }
0xaa: {  	s9 =	sshll.u32 s26, $0x1;
	_ =	strace $0x80000046;
	[dreg:$0x1] =	wrdreg $0xFFFFFFFF  }
0xab: {  	s28 =	simm.s32 $_size_execute0_lowered;
	s7 =	sadd.s32 s7, s9;
	[dreg:$0x0] =	wrdreg $0x0  }
0xac: {  	s9 =	sshll.u32 s28, $0x1;
	[dreg:$0x2] =	wrdreg s7  }
0xad: {  	[dreg:$0x3] =	wrdreg s9  }
0xae: {  	[dreg:$0x4] =	wrdreg $0xC0  }
0xaf: {  	_ =	task [dreg:s11], $0x5FFFF  }
0xb0: {  	[dreg:$0x1] =	wrdreg $0xFFFFFFFF  }
0xb1: {  	[dreg:$0x0] =	wrdreg $0x60  }
0xb2: {  	[dreg:$0x2] =	wrdreg s2  }
0xb3: {  	[dreg:$0x3] =	wrdreg s18  }
0xb4: {  	[dreg:$0x4] =	wrdreg s4  }
0xb5: {  	[dreg:$0x5] =	wrdreg s5  }
0xb6: {  	[dreg:$0x6] =	wrdreg s24  }
0xb7: {  	[dreg:$0x7] =	wrdreg s6  }
0xb8: {  	[dreg:$0x8] =	wrdreg $0x9  }
0xb9: {  	_ =	task.clear_ibuf [dreg:s11], $0x9FFFF;
	_ =	strace $0x90000046  }
0xba: {  	s29 =	simm.s32 $0x9;
	_ =	strace $0x80000048  }
0xbb: {  	_ =	swait.ge [sflag:s29], $0x1  }
0xbc: {  	[sflag:s29] =	ssyncadd.s32 $0xFFFFFFFF  }
0xbd: {  	_ =	strace $0x90000048  }
0xbe: {  	_ =	sfence  }
0xbf: {  	s30 =	sld [smem:$0x0];
	_ =	sdelay $0x2  }
0xc0: {  	s31 =	sshll.u32 s1, $0xD;
	s1 =	sshrl.u32 s1, $0x2  }
0xc1: {  	s3 =	sand.u32 $0x4000, s31;
	s1 =	sadd.s32 s1, s30  }
0xc2: {  	s0 =	sor.u32 s3, s0;
	s1 =	sshll.u32 s1, $0x11  }
0xc3: {  	s0 =	sor.u32 s1, s0  }
0xc4: {  	s0 =	sadd.s32 $0x8F2B, s0  }
0xc5: {  	[sflag:s0] =	ssyncadd.remote.s32 $0x1  }
0xc6: {  	_ =	sfence.sel $0xFFFF  }
0xc7: {  	[dreg:$0x0] =	wrdreg $0xFFFFFFFF;
	(pc) =	sbr.abs _section_cstart, $3  }
0xc8: {  	[dreg:$0x1] =	wrdreg $0xFFFFFFFF  }
0xc9: {  	_ =	task.clear_ibuf [dreg:s11], $0x2FFFF;
	_ =	strace $0x9FFFFFFF  }
0xca: {  	(tm) =	ssettm $0x7FFFFFFF  }
0xcb: {  	_ =	shalt  }
tec
execute0_lowered:
.L_overlay_start_1:
0x0: {  	(tag) =	ssettag $0x1  }
0x1: {  	s0 =	rddreg [dreg:$0x1]  }
0x2: {  	s1 =	rddreg [dreg:$0x2]  }
0x3: {  	s2 =	rddreg [dreg:$0x3]  }
0x4: {  	s4 =	rddreg [dreg:$0x5]  }
0x5: {  	s3 =	srdreg.scid;
	s6 =	stileid.u32  }
0x6: {  	s5 =	simm.s32 $0x0;
	s13 =	simm.s32 $0x5;
	s14 =	simm.s32 $0x80  }
0x7: {  	s17 =	simm.s32 $0x80000;
	s18 =	simm.s32 $0xC180;
	s19 =	simm.s32 $0xE180  }
0x8: {  	s20 =	simm.s32 $0x1;
	s21 =	simm.s32 $0x10100;
	s22 =	simm.s32 $0x2  }
0x9: {  	s23 =	simm.s32 $0x14100;
	s24 =	simm.s32 $0x3;
	s25 =	simm.s32 $0x4  }
0xa: {  	s26 =	simm.s32 $0x0;
	s3 =	sand.u32 $0x1, s3;
	s6 =	sshll.u32 s6, $0x8  }
.Ltmp0:
0xb: {  	[smem:$0x7FF] =	sst s5;
	s7 =	sshll.u32 s3, $0x7;
	(pc) =	sbr.rel .LBB2_1-.Ltmp0, $4  }
0xc: {  	s12 =	sadd.s32 $0x20, s0;
	s3 =	ssub.s32 $0x2, s3;
	s6 =	sor.u32 s7, s6  }
0xd: {  	_ =	strace $0x80000047;
	s31 =	sshrl.u32 s3, $0x1;
	s9 =	sshll.u32 s6, $0x4  }
0xe: {  	s3 =	ssub.s32 s3, s31;
	s7 =	sadd.s32 s1, s9;
	s8 =	sadd.s32 s0, s9  }
0xf: {  	v25 =	vimm.s32 $0x0;
	s9 =	sadd.s32 s2, s9;
	s11 =	smax.u32 s3, $0x1;
	s10 =	sadd.s32 $0x10, s8  }
.LBB2_10:
0x10: {  	s26 =	sadd.s32 $0x1, s26  }
0x11: {  	_ =	swait.ge [sflag:s24], $0x4000;
	p0 =	sne.s32 s26, s11  }
.Ltmp1:
0x12: {  	[sflag:s24] =	ssyncset.done $0x0;
	(pc) =	sbr.rel @!p0 .LBB2_11-.Ltmp1, $4  }
0x13: {  	[sflag:s24] =	ssyncadd.s32 $0xFFFFC000  }
0x14: {  	_ =	swait.ge [sflag:s25], $0x4000  }
0x15: {  	[sflag:s25] =	ssyncset.done $0x0  }
0x16: {  	[sflag:s25] =	ssyncadd.s32 $0xFFFFC000  }
.LBB2_1:
0x17: {  	s0 =	rddreg [dreg:$0x4]  }
0x18: {  	[tilespmem:s5], [sflag:$0x5] =	stream.linear.gather [hbm4b:s0+s5], $0x80, $0x38;
	[tilespmem:$0x18100] =	vst v63  }
0x19: {  	_ =	swait.ge [sflag:s13], $0x80  }
0x1a: {  	[sflag:s13] =	ssyncset.done $0x0  }
0x1b: {  	[sflag:s13] =	ssyncadd.s32 $0xFFFFFF80  }
0x1c: {  	s16 =	rddreg [dreg:$0x0]  }
0x1d: {  	[tilespmem:s14], [sflag:$0x5] =	stream.linear.gather [hbm4b:s16+s5], $0x80, $0x38;
	[tilespmem:$0x18100] =	vst v63  }
0x1e: {  	_ =	swait.ge [sflag:s13], $0x80  }
0x1f: {  	[sflag:s13] =	ssyncset.done $0x0  }
0x20: {  	s30 =	simm.s32 $0x4100;
	[sflag:s13] =	ssyncadd.s32 $0xFFFFFF80  }
0x21: {  	[tilespmem:s30], [sflag:$0x5] =	stream.linear.gather [hbm4b:s7+s5], $0x4000, $0x38;
	[tilespmem:$0x18100] =	vst v63  }
0x22: {  	_ =	swait.ge [sflag:s13], $0x4000  }
0x23: {  	[sflag:s13] =	ssyncset.done $0x0  }
0x24: {  	s31 =	simm.s32 $0x8100;
	[sflag:s13] =	ssyncadd.s32 $0xFFFFC000  }
0x25: {  	[tilespmem:s31], [sflag:$0x5] =	stream.linear.gather [hbm4b:s9+s5], $0x4000, $0x38;
	[tilespmem:$0x18100] =	vst v63  }
0x26: {  	_ =	swait.ge [sflag:s13], $0x4000  }
0x27: {  	[sflag:s13] =	ssyncset.done $0x0  }
0x28: {  	s28 =	simm.s32 $0x500;
	s29 =	simm.s32 $0x0;
	[sflag:s13] =	ssyncadd.s32 $0xFFFFC000  }
.LBB2_2:
0x29: {  	v0 =	vld [tilespmem:$0x0];
	_ =	sdelay $0x4  }
0x2a: {  	v2 =	vbroadcast v0, $0x0;
	v47 =	vbroadcast v0, $0x1  }
0x2b: {  	v14 =	vbroadcast v0, $0x2;
	v6 =	vbroadcast v0, $0x3  }
0x2c: {  	v7 =	vbroadcast v0, $0x4;
	v5 =	vbroadcast v0, $0x5  }
0x2d: {  	v43 =	vld [tilespmem:$0x10];
	v15 =	vbroadcast v0, $0x6;
	v34 =	vbroadcast v0, $0x7  }
0x2e: {  	v8 =	vbroadcast v0, $0x8;
	v37 =	vbroadcast v0, $0x9  }
0x2f: {  	v16 =	vbroadcast v0, $0xA;
	v40 =	vbroadcast v0, $0xB  }
0x30: {  	s30 =	sshra.s32 s29, $0x2;
	v17 =	vbroadcast v0, $0xC;
	v10 =	vbroadcast v0, $0xD  }
0x31: {  	v1 =	vld [tilespmem:s30+$0x80];
	v18 =	vbroadcast v0, $0xE;
	v19 =	vbroadcast v0, $0xF  }
0x32: {  	v29 =	vbroadcast v43, $0x0;
	v11 =	vbroadcast v43, $0x1  }
0x33: {  	v20 =	vbroadcast v43, $0x3;
	v21 =	vbroadcast v43, $0x4  }
0x34: {  	v22 =	vbroadcast v43, $0x5;
	v12 =	vbroadcast v43, $0x7  }
0x35: {  	v23 =	vbroadcast v43, $0x9;
	v24 =	vbroadcast v43, $0xA  }
0x36: {  	v9 =	vbroadcast v43, $0xB;
	v13 =	vbroadcast v43, $0xD;
	vm0 =	vlt.f32 v2, v1  }
0x37: {  	vm1 =	vlt.f32 v47, v1;
	vm9 =	vlt.f32 v14, v1;
	vm10 =	vlt.f32 v6, v1  }
0x38: {  	vm11 =	vlt.f32 v7, v1;
	vm12 =	vlt.f32 v5, v1;
	vm13 =	vlt.f32 v15, v1  }
0x39: {  	vm14 =	vlt.f32 v34, v1;
	vm15 =	vlt.f32 v8, v1;
	vm4 =	vlt.f32 v37, v1  }
0x3a: {  	vm5 =	vlt.f32 v16, v1;
	vm6 =	vlt.f32 v40, v1;
	vm7 =	vlt.f32 v17, v1  }
0x3b: {  	[tilespmem:$0x1FFC0] =	vst v34;
	vm8 =	vlt.f32 v10, v1;
	v34 =	vbroadcast v43, $0xF;
	v3 =	vsel vm0, $0x1, v25  }
0x3c: {  	v4 =	vsel vm1, $0x1, v25;
	v30 =	vsel vm9, $0x1, v25;
	v31 =	vsel vm10, $0x1, v25  }
0x3d: {  	v32 =	vsel vm11, $0x1, v25;
	v33 =	vsel vm12, $0x1, v25;
	v35 =	vsel vm13, $0x1, v25  }
0x3e: {  	v36 =	vsel vm14, $0x1, v25;
	v38 =	vsel vm15, $0x1, v25;
	v39 =	vsel vm4, $0x1, v25  }
0x3f: {  	v41 =	vsel vm5, $0x1, v25;
	v42 =	vsel vm6, $0x1, v25;
	v44 =	vsel vm7, $0x1, v25  }
0x40: {  	v45 =	vsel vm8, $0x1, v25;
	vm9 =	vlt.f32 v18, v1;
	vm10 =	vlt.f32 v19, v1  }
0x41: {  	vm11 =	vlt.f32 v29, v1;
	vm12 =	vlt.f32 v11, v1;
	vm14 =	vlt.f32 v20, v1  }
0x42: {  	vm15 =	vlt.f32 v21, v1;
	vm4 =	vlt.f32 v22, v1;
	v3 =	vadd.s32 v4, v3  }
0x43: {  	vm6 =	vlt.f32 v12, v1;
	vm8 =	vlt.f32 v23, v1;
	v3 =	vadd.s32 v30, v3  }
0x44: {  	v48 =	vsel vm9, $0x1, v25;
	v49 =	vsel vm10, $0x1, v25;
	v3 =	vadd.s32 v31, v3  }
0x45: {  	v50 =	vsel vm11, $0x1, v25;
	v51 =	vsel vm12, $0x1, v25;
	v3 =	vadd.s32 v32, v3  }
0x46: {  	v53 =	vsel vm14, $0x1, v25;
	v54 =	vsel vm15, $0x1, v25;
	v3 =	vadd.s32 v33, v3  }
0x47: {  	v55 =	vsel vm4, $0x1, v25;
	v57 =	vsel vm6, $0x1, v25;
	v3 =	vadd.s32 v35, v3  }
0x48: {  	v59 =	vsel vm8, $0x1, v25;
	vm9 =	vlt.f32 v24, v1;
	v3 =	vadd.s32 v36, v3  }
0x49: {  	vm10 =	vlt.f32 v9, v1;
	vm12 =	vlt.f32 v13, v1;
	v3 =	vadd.s32 v38, v3  }
0x4a: {  	vm14 =	vlt.f32 v34, v1;
	v30 =	vbroadcast v43, $0x2;
	v3 =	vadd.s32 v39, v3  }
0x4b: {  	v60 =	vsel vm9, $0x1, v25;
	v61 =	vsel vm10, $0x1, v25;
	v3 =	vadd.s32 v41, v3  }
0x4c: {  	v4 =	vld [tilespmem:$0x20];
	v63 =	vsel vm12, $0x1, v25;
	v28 =	vsel vm14, $0x1, v25;
	v3 =	vadd.s32 v42, v3  }
0x4d: {  	v31 =	vbroadcast v43, $0x6;
	vm13 =	vlt.f32 v30, v1;
	v3 =	vadd.s32 v44, v3  }
0x4e: {  	v32 =	vbroadcast v43, $0x8;
	v52 =	vsel vm13, $0x1, v25;
	v46 =	vadd.s32 v45, v3  }
0x4f: {  	vm5 =	vlt.f32 v31, v1;
	v33 =	vbroadcast v43, $0xC;
	v0 =	vadd.s32 v48, v46  }
0x50: {  	v56 =	vsel vm5, $0x1, v25;
	vm7 =	vlt.f32 v32, v1;
	v0 =	vadd.s32 v49, v0  }
0x51: {  	v35 =	vbroadcast v4, $0x0;
	v26 =	vbroadcast v4, $0x3;
	v0 =	vadd.s32 v50, v0  }
0x52: {  	[tilespmem:$0x1FFD0] =	vst v37;
	v37 =	vbroadcast v4, $0x5;
	v27 =	vbroadcast v4, $0x9;
	v0 =	vadd.s32 v51, v0  }
0x53: {  	v58 =	vsel vm7, $0x1, v25;
	vm11 =	vlt.f32 v33, v1;
	v0 =	vadd.s32 v52, v0  }
0x54: {  	v36 =	vbroadcast v4, $0x1;
	v62 =	vsel vm11, $0x1, v25;
	v0 =	vadd.s32 v53, v0  }
0x55: {  	vm15 =	vlt.f32 v35, v1;
	vm6 =	vlt.f32 v26, v1;
	v0 =	vadd.s32 v54, v0  }
0x56: {  	vm8 =	vlt.f32 v37, v1;
	vm12 =	vlt.f32 v27, v1;
	v0 =	vadd.s32 v55, v0  }
0x57: {  	v38 =	vsel vm15, $0x1, v25;
	vm4 =	vlt.f32 v36, v1;
	v0 =	vadd.s32 v56, v0  }
0x58: {  	v39 =	vsel vm4, $0x1, v25;
	v48 =	vbroadcast v43, $0xE;
	v0 =	vadd.s32 v57, v0  }
0x59: {  	v41 =	vsel vm6, $0x1, v25;
	v43 =	vsel vm8, $0x1, v25;
	v0 =	vadd.s32 v58, v0  }
0x5a: {  	v49 =	vbroadcast v4, $0x2;
	vm13 =	vlt.f32 v48, v1;
	v0 =	vadd.s32 v59, v0  }
0x5b: {  	[tilespmem:$0x1FFA0] =	vst v6;
	v50 =	vbroadcast v4, $0x4;
	v6 =	vsel vm13, $0x1, v25;
	v0 =	vadd.s32 v60, v0  }
0x5c: {  	vm5 =	vlt.f32 v49, v1;
	v51 =	vbroadcast v4, $0x8;
	v0 =	vadd.s32 v61, v0  }
0x5d: {  	[tilespmem:$0x1FFE0] =	vst v40;
	v40 =	vsel vm5, $0x1, v25;
	vm7 =	vlt.f32 v50, v1;
	v0 =	vadd.s32 v62, v0  }
0x5e: {  	v52 =	vbroadcast v4, $0xA;
	vm11 =	vlt.f32 v51, v1;
	v0 =	vadd.s32 v63, v0  }
0x5f: {  	v42 =	vsel vm7, $0x1, v25;
	v46 =	vsel vm11, $0x1, v25;
	v0 =	vadd.s32 v6, v0  }
0x60: {  	vm13 =	vlt.f32 v52, v1;
	v60 =	vbroadcast v4, $0xE;
	v6 =	vld [tilespmem:$0x30];
	v0 =	vadd.s32 v28, v0  }
0x61: {  	v56 =	vsel vm12, $0x1, v25;
	v57 =	vsel vm13, $0x1, v25;
	v0 =	vadd.s32 v38, v0  }
0x62: {  	vm5 =	vlt.f32 v60, v1;
	v38 =	vbroadcast v4, $0x6;
	v0 =	vadd.s32 v39, v0  }
0x63: {  	v28 =	vsel vm5, $0x1, v25;
	v39 =	vbroadcast v4, $0x7;
	v0 =	vadd.s32 v40, v0  }
0x64: {  	vm9 =	vlt.f32 v38, v1;
	v40 =	vbroadcast v4, $0xB;
	v0 =	vadd.s32 v41, v0  }
0x65: {  	v44 =	vsel vm9, $0x1, v25;
	v41 =	vbroadcast v4, $0xC;
	v61 =	vbroadcast v6, $0x0  }
0x66: {  	vm10 =	vlt.f32 v39, v1;
	v53 =	vbroadcast v6, $0x1;
	v54 =	vbroadcast v6, $0x2  }
0x67: {  	v55 =	vbroadcast v6, $0x3;
	v62 =	vbroadcast v6, $0x4;
	v0 =	vadd.s32 v42, v0  }
0x68: {  	[tilespmem:$0x1FFB0] =	vst v5;
	v5 =	vbroadcast v6, $0xA;
	v45 =	vsel vm10, $0x1, v25;
	v0 =	vadd.s32 v43, v0  }
0x69: {  	vm14 =	vlt.f32 v40, v1;
	v42 =	vbroadcast v4, $0xD;
	v0 =	vadd.s32 v44, v0  }
0x6a: {  	v58 =	vsel vm14, $0x1, v25;
	vm15 =	vlt.f32 v41, v1;
	v0 =	vadd.s32 v45, v0  }
0x6b: {  	v43 =	vbroadcast v4, $0xF;
	vm7 =	vlt.f32 v61, v1;
	v0 =	vadd.s32 v46, v0  }
0x6c: {  	vm8 =	vlt.f32 v53, v1;
	vm9 =	vlt.f32 v54, v1;
	v0 =	vadd.s32 v56, v0  }
0x6d: {  	vm10 =	vlt.f32 v55, v1;
	vm11 =	vlt.f32 v62, v1;
	v0 =	vadd.s32 v57, v0  }
0x6e: {  	v59 =	vsel vm15, $0x1, v25;
	vm4 =	vlt.f32 v42, v1;
	v0 =	vadd.s32 v58, v0  }
0x6f: {  	vm5 =	vlt.f32 v5, v1;
	v63 =	vsel vm4, $0x1, v25;
	v0 =	vadd.s32 v59, v0  }
0x70: {  	vm6 =	vlt.f32 v43, v1;
	v45 =	vsel vm7, $0x1, v25;
	v0 =	vadd.s32 v63, v0  }
0x71: {  	v44 =	vsel vm6, $0x1, v25;
	v46 =	vsel vm8, $0x1, v25;
	v0 =	vadd.s32 v28, v0  }
0x72: {  	v56 =	vbroadcast v6, $0x7;
	v57 =	vsel vm9, $0x1, v25;
	v0 =	vadd.s32 v44, v0  }
0x73: {  	v58 =	vsel vm10, $0x1, v25;
	v63 =	vbroadcast v6, $0x6;
	v0 =	vadd.s32 v45, v0  }
0x74: {  	vm14 =	vlt.f32 v56, v1;
	v44 =	vbroadcast v6, $0x5;
	v0 =	vadd.s32 v46, v0  }
0x75: {  	v59 =	vsel vm11, $0x1, v25;
	vm13 =	vlt.f32 v63, v1;
	v0 =	vadd.s32 v57, v0  }
0x76: {  	vm12 =	vlt.f32 v44, v1;
	v57 =	vbroadcast v6, $0x8;
	v0 =	vadd.s32 v58, v0  }
0x77: {  	v45 =	vsel vm13, $0x1, v25;
	v28 =	vsel vm12, $0x1, v25;
	v0 =	vadd.s32 v59, v0  }
0x78: {  	v58 =	vbroadcast v6, $0x9;
	vm15 =	vlt.f32 v57, v1;
	v0 =	vadd.s32 v28, v0  }
0x79: {  	v46 =	vsel vm14, $0x1, v25;
	v59 =	vsel vm15, $0x1, v25;
	v0 =	vadd.s32 v45, v0  }
0x7a: {  	vm4 =	vlt.f32 v58, v1;
	v45 =	vbroadcast v6, $0xB;
	v0 =	vadd.s32 v46, v0  }
0x7b: {  	v4 =	vbroadcast v6, $0xC;
	v28 =	vsel vm4, $0x1, v25;
	v0 =	vadd.s32 v59, v0  }
0x7c: {  	v59 =	vsel vm5, $0x1, v25;
	vm6 =	vlt.f32 v45, v1;
	v0 =	vadd.s32 v28, v0  }
0x7d: {  	v28 =	vsel vm6, $0x1, v25;
	v0 =	vadd.s32 v59, v0;
	v59 =	vbroadcast v6, $0xD  }
0x7e: {  	vm7 =	vlt.f32 v4, v1;
	v0 =	vadd.s32 v28, v0;
	v28 =	vbroadcast v6, $0xE  }
0x7f: {  	v46 =	vsel vm7, $0x1, v25;
	v6 =	vbroadcast v6, $0xF;
	vm8 =	vlt.f32 v59, v1  }
0x80: {  	v0 =	vadd.s32 v46, v0;
	vm9 =	vlt.f32 v28, v1;
	v46 =	vsel vm8, $0x1, v25  }
0x81: {  	vm10 =	vlt.f32 v6, v1;
	v0 =	vadd.s32 v46, v0;
	v46 =	vsel vm9, $0x1, v25  }
0x82: {  	[tilespmem:$0x1FFF0] =	vst v6;
	v6 =	vsel vm10, $0x1, v25;
	v0 =	vadd.s32 v46, v0  }
0x83: {  	v3 =	vadd.s32 v6, v0  }
0x84: {  	v0 =	vadd.s32 $0xFFFFFFFF, v3  }
0x85: {  	vm11 =	vgt.s32 v0, $0x0  }
0x86: {  	vm12 =	vlt.u32 v3, $0x2;
	v46 =	vnsel vm11, $0x0, v0  }
0x87: {  	v6 =	vnsel vm12, $0x0, v2;
	vm2 =	veq.s32 v0, $0x1;
	v2 =	vmin.u32 v46, $0x3E  }
0x88: {  	v6 =	vsel vm2, v47, v6;
	v46 =	vnsel vm12, $0x0, v47;
	v47 =	vadd.s32 $0x1, v2  }
0x89: {  	vm13 =	veq.s32 v0, $0x2;
	vm14 =	veq.s32 v47, $0x2  }
0x8a: {  	v6 =	vsel vm13, v14, v6;
	v46 =	vsel vm14, v14, v46;
	v14 =	vld [tilespmem:$0x1FFA0];
	_ =	sdelay $0x3  }
0x8b: {  	vm15 =	veq.s32 v0, $0x3;
	vm5 =	veq.s32 v0, $0x4;
	vm4 =	veq.s32 v47, $0x3  }
0x8c: {  	vm7 =	veq.s32 v0, $0x5;
	v6 =	vsel vm15, v14, v6;
	v46 =	vsel vm4, v14, v46;
	v14 =	vld [tilespmem:$0x1FFB0]  }
0x8d: {  	vm9 =	veq.s32 v0, $0x6;
	vm11 =	veq.s32 v0, $0x7;
	vm13 =	veq.s32 v0, $0x8  }
0x8e: {  	vm6 =	veq.s32 v47, $0x4;
	vm8 =	veq.s32 v47, $0x5;
	vm10 =	veq.s32 v47, $0x6  }
0x8f: {  	vm12 =	veq.s32 v47, $0x7;
	v6 =	vsel vm5, v7, v6;
	v7 =	vsel vm6, v7, v46;
	v46 =	vld [tilespmem:$0x1FFC0]  }
0x90: {  	vm14 =	veq.s32 v47, $0x8;
	vm15 =	veq.s32 v0, $0x9;
	vm4 =	veq.s32 v47, $0x9  }
0x91: {  	vm5 =	veq.s32 v0, $0xA;
	v6 =	vsel vm7, v14, v6;
	v7 =	vsel vm8, v14, v7  }
0x92: {  	vm6 =	veq.s32 v47, $0xA;
	v6 =	vsel vm9, v15, v6;
	v7 =	vsel vm10, v15, v7;
	v15 =	vld [tilespmem:$0x1FFD0]  }
0x93: {  	vm7 =	veq.s32 v0, $0xB;
	vm8 =	veq.s32 v47, $0xB;
	vm9 =	veq.s32 v0, $0xC  }
0x94: {  	vm10 =	veq.s32 v47, $0xC;
	v6 =	vsel vm11, v46, v6;
	v7 =	vsel vm12, v46, v7;
	v46 =	vld [tilespmem:$0x1FFE0]  }
0x95: {  	vm11 =	veq.s32 v0, $0xD;
	vm12 =	veq.s32 v47, $0xD;
	v6 =	vsel vm13, v8, v6  }
0x96: {  	v7 =	vsel vm14, v8, v7;
	vm13 =	veq.s32 v0, $0xE;
	vm14 =	veq.s32 v47, $0xE  }
0x97: {  	v6 =	vsel vm15, v15, v6;
	v7 =	vsel vm4, v15, v7;
	vm15 =	veq.s32 v0, $0xF  }
0x98: {  	vm4 =	veq.s32 v47, $0xF;
	v6 =	vsel vm5, v16, v6;
	v7 =	vsel vm6, v16, v7  }
0x99: {  	vm5 =	veq.s32 v0, $0x10;
	vm6 =	veq.s32 v47, $0x10;
	v6 =	vsel vm7, v46, v6  }
0x9a: {  	v7 =	vsel vm8, v46, v7;
	vm7 =	veq.s32 v0, $0x11;
	vm8 =	veq.s32 v47, $0x11  }
0x9b: {  	v6 =	vsel vm9, v17, v6;
	v7 =	vsel vm10, v17, v7;
	vm9 =	veq.s32 v0, $0x12  }
0x9c: {  	vm10 =	veq.s32 v47, $0x12;
	v6 =	vsel vm11, v10, v6;
	v7 =	vsel vm12, v10, v7  }
0x9d: {  	vm11 =	veq.s32 v0, $0x13;
	vm12 =	veq.s32 v47, $0x13;
	v6 =	vsel vm13, v18, v6  }
0x9e: {  	v7 =	vsel vm14, v18, v7;
	vm13 =	veq.s32 v0, $0x14;
	vm14 =	veq.s32 v47, $0x14  }
0x9f: {  	v6 =	vsel vm15, v19, v6;
	v7 =	vsel vm4, v19, v7;
	vm15 =	veq.s32 v0, $0x15  }
0xa0: {  	vm4 =	veq.s32 v47, $0x15;
	v6 =	vsel vm5, v29, v6;
	v7 =	vsel vm6, v29, v7  }
0xa1: {  	vm5 =	veq.s32 v0, $0x16;
	vm6 =	veq.s32 v47, $0x16;
	v6 =	vsel vm7, v11, v6  }
0xa2: {  	v7 =	vsel vm8, v11, v7;
	vm7 =	veq.s32 v0, $0x17;
	vm8 =	veq.s32 v47, $0x17  }
0xa3: {  	v6 =	vsel vm9, v30, v6;
	v7 =	vsel vm10, v30, v7;
	vm9 =	veq.s32 v0, $0x18  }
0xa4: {  	vm10 =	veq.s32 v47, $0x18;
	v6 =	vsel vm11, v20, v6;
	v7 =	vsel vm12, v20, v7  }
0xa5: {  	vm11 =	veq.s32 v0, $0x19;
	vm12 =	veq.s32 v47, $0x19;
	v6 =	vsel vm13, v21, v6  }
0xa6: {  	v7 =	vsel vm14, v21, v7;
	vm13 =	veq.s32 v0, $0x1A;
	vm14 =	veq.s32 v47, $0x1A  }
0xa7: {  	v6 =	vsel vm15, v22, v6;
	v7 =	vsel vm4, v22, v7;
	vm15 =	veq.s32 v0, $0x1B  }
0xa8: {  	vm4 =	veq.s32 v47, $0x1B;
	v6 =	vsel vm5, v31, v6;
	v7 =	vsel vm6, v31, v7  }
0xa9: {  	vm5 =	veq.s32 v0, $0x1C;
	vm6 =	veq.s32 v47, $0x1C;
	v6 =	vsel vm7, v12, v6  }
0xaa: {  	v7 =	vsel vm8, v12, v7;
	vm7 =	veq.s32 v0, $0x1D;
	vm8 =	veq.s32 v47, $0x1D  }
0xab: {  	v6 =	vsel vm9, v32, v6;
	v7 =	vsel vm10, v32, v7;
	vm9 =	veq.s32 v0, $0x1E  }
0xac: {  	vm10 =	veq.s32 v47, $0x1E;
	v6 =	vsel vm11, v23, v6;
	v7 =	vsel vm12, v23, v7  }
0xad: {  	vm11 =	veq.s32 v0, $0x1F;
	vm12 =	veq.s32 v47, $0x1F;
	v6 =	vsel vm13, v24, v6  }
0xae: {  	v7 =	vsel vm14, v24, v7;
	vm13 =	veq.s32 v0, $0x20;
	vm14 =	veq.s32 v47, $0x20  }
0xaf: {  	v6 =	vsel vm15, v9, v6;
	v7 =	vsel vm4, v9, v7;
	vm15 =	veq.s32 v0, $0x21  }
0xb0: {  	vm4 =	veq.s32 v47, $0x21;
	v6 =	vsel vm5, v33, v6;
	v7 =	vsel vm6, v33, v7  }
0xb1: {  	vm5 =	veq.s32 v0, $0x22;
	vm6 =	veq.s32 v47, $0x22;
	v6 =	vsel vm7, v13, v6  }
0xb2: {  	v7 =	vsel vm8, v13, v7;
	vm7 =	veq.s32 v0, $0x23;
	vm8 =	veq.s32 v47, $0x23  }
0xb3: {  	v6 =	vsel vm9, v48, v6;
	v7 =	vsel vm10, v48, v7;
	vm9 =	veq.s32 v0, $0x24  }
0xb4: {  	vm10 =	veq.s32 v47, $0x24;
	v6 =	vsel vm11, v34, v6;
	v7 =	vsel vm12, v34, v7  }
0xb5: {  	vm11 =	veq.s32 v0, $0x25;
	vm12 =	veq.s32 v47, $0x25;
	v6 =	vsel vm13, v35, v6  }
0xb6: {  	v7 =	vsel vm14, v35, v7;
	vm13 =	veq.s32 v0, $0x26;
	vm14 =	veq.s32 v47, $0x26  }
0xb7: {  	v6 =	vsel vm15, v36, v6;
	v7 =	vsel vm4, v36, v7;
	vm15 =	veq.s32 v0, $0x27  }
0xb8: {  	vm4 =	veq.s32 v47, $0x27;
	v6 =	vsel vm5, v49, v6;
	v7 =	vsel vm6, v49, v7  }
0xb9: {  	vm5 =	veq.s32 v0, $0x28;
	vm6 =	veq.s32 v47, $0x28;
	v6 =	vsel vm7, v26, v6  }
0xba: {  	v7 =	vsel vm8, v26, v7;
	vm7 =	veq.s32 v0, $0x29;
	vm8 =	veq.s32 v47, $0x29  }
0xbb: {  	v6 =	vsel vm9, v50, v6;
	v7 =	vsel vm10, v50, v7;
	vm9 =	veq.s32 v0, $0x2A  }
0xbc: {  	vm10 =	veq.s32 v47, $0x2A;
	v6 =	vsel vm11, v37, v6;
	v7 =	vsel vm12, v37, v7  }
0xbd: {  	vm11 =	veq.s32 v0, $0x2B;
	vm12 =	veq.s32 v47, $0x2B;
	v6 =	vsel vm13, v38, v6  }
0xbe: {  	v7 =	vsel vm14, v38, v7;
	vm13 =	veq.s32 v0, $0x2C;
	vm14 =	veq.s32 v47, $0x2C  }
0xbf: {  	v6 =	vsel vm15, v39, v6;
	v7 =	vsel vm4, v39, v7;
	vm15 =	veq.s32 v0, $0x2D  }
0xc0: {  	vm4 =	veq.s32 v47, $0x2D;
	v6 =	vsel vm5, v51, v6;
	v7 =	vsel vm6, v51, v7  }
0xc1: {  	vm5 =	veq.s32 v0, $0x2E;
	vm6 =	veq.s32 v47, $0x2E;
	v6 =	vsel vm7, v27, v6  }
0xc2: {  	v7 =	vsel vm8, v27, v7;
	vm7 =	veq.s32 v0, $0x2F;
	vm8 =	veq.s32 v47, $0x2F  }
0xc3: {  	v6 =	vsel vm9, v52, v6;
	v7 =	vsel vm10, v52, v7;
	vm9 =	veq.s32 v0, $0x30  }
0xc4: {  	vm10 =	veq.s32 v47, $0x30;
	v6 =	vsel vm11, v40, v6;
	v7 =	vsel vm12, v40, v7  }
0xc5: {  	vm11 =	veq.s32 v0, $0x31;
	vm12 =	veq.s32 v47, $0x31;
	v6 =	vsel vm13, v41, v6  }
0xc6: {  	v7 =	vsel vm14, v41, v7;
	vm13 =	veq.s32 v0, $0x32;
	vm14 =	veq.s32 v47, $0x32  }
0xc7: {  	v6 =	vsel vm15, v42, v6;
	v7 =	vsel vm4, v42, v7;
	vm15 =	veq.s32 v0, $0x33  }
0xc8: {  	vm4 =	veq.s32 v47, $0x33;
	v6 =	vsel vm5, v60, v6;
	v7 =	vsel vm6, v60, v7  }
0xc9: {  	vm5 =	veq.s32 v0, $0x34;
	vm6 =	veq.s32 v47, $0x34;
	v6 =	vsel vm7, v43, v6  }
0xca: {  	v7 =	vsel vm8, v43, v7;
	vm7 =	veq.s32 v0, $0x35;
	vm8 =	veq.s32 v47, $0x35  }
0xcb: {  	v6 =	vsel vm9, v61, v6;
	v7 =	vsel vm10, v61, v7;
	vm9 =	veq.s32 v0, $0x36  }
0xcc: {  	vm10 =	veq.s32 v47, $0x36;
	v6 =	vsel vm11, v53, v6;
	v7 =	vsel vm12, v53, v7  }
0xcd: {  	vm11 =	veq.s32 v0, $0x37;
	vm12 =	veq.s32 v47, $0x37;
	v6 =	vsel vm13, v54, v6  }
0xce: {  	v7 =	vsel vm14, v54, v7;
	vm13 =	veq.s32 v0, $0x38;
	vm14 =	veq.s32 v47, $0x38  }
0xcf: {  	v6 =	vsel vm15, v55, v6;
	v7 =	vsel vm4, v55, v7;
	vm15 =	veq.s32 v0, $0x39  }
0xd0: {  	vm4 =	veq.s32 v47, $0x39;
	v6 =	vsel vm5, v62, v6;
	v7 =	vsel vm6, v62, v7  }
0xd1: {  	vm5 =	veq.s32 v0, $0x3A;
	v6 =	vsel vm7, v44, v6;
	v7 =	vsel vm8, v44, v7  }
0xd2: {  	vm6 =	veq.s32 v47, $0x3A;
	v6 =	vsel vm9, v63, v6;
	v7 =	vsel vm10, v63, v7  }
0xd3: {  	vm7 =	veq.s32 v0, $0x3B;
	v6 =	vsel vm11, v56, v6;
	v7 =	vsel vm12, v56, v7  }
0xd4: {  	vm8 =	veq.s32 v47, $0x3B;
	v6 =	vsel vm13, v57, v6;
	v7 =	vsel vm14, v57, v7  }
0xd5: {  	vm9 =	veq.s32 v0, $0x3C;
	v6 =	vsel vm15, v58, v6;
	v7 =	vsel vm4, v58, v7  }
0xd6: {  	v48 =	vld [tilespmem:$0x1FFF0];
	vm10 =	veq.s32 v47, $0x3C;
	v6 =	vsel vm5, v5, v6;
	v5 =	vsel vm6, v5, v7  }
0xd7: {  	vm11 =	veq.s32 v0, $0x3D;
	v6 =	vsel vm7, v45, v6;
	v5 =	vsel vm8, v45, v5  }
0xd8: {  	vm12 =	veq.s32 v47, $0x3D;
	v6 =	vsel vm9, v4, v6;
	v4 =	vsel vm10, v4, v5  }
0xd9: {  	vm13 =	veq.s32 v47, $0x3E;
	vm14 =	vgt.u32 v3, $0x3E;
	v4 =	vsel vm12, v59, v4  }
0xda: {  	vm15 =	veq.s32 v47, $0x3F;
	v0 =	vsel vm11, v59, v6;
	v47 =	vsel vm13, v28, v4  }
0xdb: {  	v0 =	vsel vm14, v28, v0;
	v3 =	vsel vm15, v48, v47  }
0xdc: {  	v3 =	vsub.f32 v3, v0  }
0xdd: {  	(v2sf) =	vpush v2, $0x0  }
0xde: {  	(v2sf) =	vpush v2, $0x1;
	v3 =	vadd.f32 $1.000000010e-10, v3  }
0xdf: {  	(v2sf) =	vpush v2, $0x2  }
0xe0: {  	(v2sf) =	vpush v2, $0x3;
	(erf) = vrcp.f32 v3  }
0xe1: {  	(v2sf) =	vpush v2, $0x4  }
0xe2: {  	(v2sf) =	vpush v2, $0x5  }
0xe3: {  	(v2sf) =	vpush v2, $0x6  }
0xe4: {  	(v2sf) =	vpush v2, $0x7  }
0xe5: {  	(v2sf) =	vpush v2, $0x8  }
0xe6: {  	(v2sf) =	vpush v2, $0x9  }
0xe7: {  	(v2sf) =	vpush v2, $0xA  }
0xe8: {  	(v2sf) =	vpush v2, $0xB;
	v0 =	vsub.f32 v1, v0  }
0xe9: {  	v49 =	vpop (erf)  }
0xea: {  	(v2sf) =	vpush v2, $0xC;
	v0 =	vmul.f32 v49, v0  }
0xeb: {  	(v2sf) =	vpush v2, $0xD  }
0xec: {  	(v2sf) =	vpush v2, $0xE;
	s0 =	spop (v2sf);
	v1 =	vbroadcast v0, $0x0  }
0xed: {  	(v2sf) =	vpush v2, $0xF;
	[smem:s30] =	sst s0;
	s15 =	spop (v2sf);
	v50 =	vbroadcast v0, $0x1  }
0xee: {  	[smem:s30+$0x1] =	sst s15;
	s16 =	spop (v2sf);
	v51 =	vbroadcast v0, $0x2;
	[tilespmem:s28+$0xFFFFFC00] =	vst v1  }
0xef: {  	[smem:s30+$0x2] =	sst s16;
	s31 =	spop (v2sf);
	v52 =	vbroadcast v0, $0x3;
	[tilespmem:s28+$0xFFFFFC80] =	vst v50  }
0xf0: {  	[smem:s30+$0x3] =	sst s31;
	s1 =	spop (v2sf);
	v53 =	vbroadcast v0, $0x4;
	[tilespmem:s28+$0xFFFFFD00] =	vst v51  }
0xf1: {  	[smem:s30+$0x4] =	sst s1;
	s2 =	spop (v2sf);
	v54 =	vbroadcast v0, $0x5;
	[tilespmem:s28+$0xFFFFFD80] =	vst v52  }
0xf2: {  	[smem:s30+$0x5] =	sst s2;
	s3 =	spop (v2sf);
	v55 =	vbroadcast v0, $0x6;
	[tilespmem:s28+$0xFFFFFE00] =	vst v53  }
0xf3: {  	[smem:s30+$0x6] =	sst s3;
	s15 =	spop (v2sf);
	v56 =	vbroadcast v0, $0x7;
	[tilespmem:s28+$0xFFFFFE80] =	vst v54  }
0xf4: {  	[smem:s30+$0x7] =	sst s15;
	s16 =	spop (v2sf);
	v57 =	vbroadcast v0, $0x8;
	[tilespmem:s28+$0xFFFFFF00] =	vst v55  }
0xf5: {  	[smem:s30+$0x8] =	sst s16;
	s31 =	spop (v2sf);
	v58 =	vbroadcast v0, $0x9;
	[tilespmem:s28+$0xFFFFFF80] =	vst v56  }
0xf6: {  	[smem:s30+$0x9] =	sst s31;
	s1 =	spop (v2sf);
	v59 =	vbroadcast v0, $0xA;
	[tilespmem:s28+$0x0] =	vst v57  }
0xf7: {  	[smem:s30+$0xA] =	sst s1;
	s2 =	spop (v2sf);
	v60 =	vbroadcast v0, $0xB;
	[tilespmem:s28+$0x80] =	vst v58  }
0xf8: {  	p0 =	sne.s32 s29, $0x1C0;
	[smem:s30+$0xB] =	sst s2;
	v61 =	vbroadcast v0, $0xC;
	[tilespmem:s28+$0x100] =	vst v59  }
.Ltmp2:
0xf9: {  	s3 =	spop (v2sf);
	v62 =	vbroadcast v0, $0xD;
	[tilespmem:s28+$0x180] =	vst v60;
	(pc) =	sbr.rel @p0 .LBB2_2-.Ltmp2, $4  }
0xfa: {  	[smem:s30+$0xC] =	sst s3;
	s15 =	spop (v2sf);
	v63 =	vbroadcast v0, $0xE;
	[tilespmem:s28+$0x200] =	vst v61  }
0xfb: {  	[smem:s30+$0xD] =	sst s15;
	s16 =	spop (v2sf);
	v0 =	vbroadcast v0, $0xF;
	[tilespmem:s28+$0x280] =	vst v62  }
0xfc: {  	[smem:s30+$0xE] =	sst s16;
	s31 =	spop (v2sf);
	[tilespmem:s28+$0x300] =	vst v63  }
0xfd: {  	s29 =	sadd.s32 $0x40, s29;
	[smem:s30+$0xF] =	sst s31;
	[tilespmem:s28+$0x380] =	vst v0;
	s28 =	sadd.s32 $0x800, s28  }
0xfe: {  	[tilespmem:s18], [sflag:$0x1] =	stream.strided.gather [hbm4b:s8+s14], $0x1F00, s17, s14, $0x38;
	[tilespmem:$0x18100] =	vst v63  }
0xff: {  	s28 =	simm.s32 $0x0  }
0x100: {  	[tilespmem:s19], [sflag:$0x2] =	stream.strided.gather [hbm4b:s10+s14], $0x1F00, s17, s14, $0x38;
	[tilespmem:$0x18100] =	vst v63  }
.LBB2_4:
0x101: {  	_ =	swait.ge [sflag:s20], $0x1F00  }
0x102: {  	p0 =	seq.s32 s28, $0x0;
	[sflag:s20] =	ssyncset.done $0x0  }
0x103: {  	s0 =	simm.s32 @!p0 $0x3;
	[sflag:s20] =	ssyncadd.s32 $0xFFFFE100  }
0x104: {  	_ =	swait.ge @!p0 [sflag:s0], $0x4000  }
0x105: {  	[sflag:s0] =	ssyncset.done @!p0 $0x0  }
0x106: {  	s16 =	sshll.u32 s28, $0x8;
	[sflag:s0] =	ssyncadd.s32 @!p0 $0xFFFFC000  }
0x107: {  	v0 =	vld [tilespmem:s16+$0x4100];
	_ =	sdelay $0x4  }
0x108: {  	[tilespmem:$0xC100] =	vst v0  }
0x109: {  	v0 =	vld [tilespmem:s16+$0x8100];
	_ =	sdelay $0x4  }
0x10a: {  	[tilespmem:$0xE080] =	vst v0  }
0x10b: {  	v0 =	vld [tilespmem:s16+$0x4110];
	_ =	sdelay $0x4  }
0x10c: {  	[tilespmem:$0xC110] =	vst v0  }
0x10d: {  	v0 =	vld [tilespmem:s16+$0x8110];
	_ =	sdelay $0x4  }
0x10e: {  	[tilespmem:$0xE090] =	vst v0  }
0x10f: {  	v0 =	vld [tilespmem:s16+$0x4120];
	_ =	sdelay $0x4  }
0x110: {  	[tilespmem:$0xC120] =	vst v0  }
0x111: {  	v0 =	vld [tilespmem:s16+$0x8120];
	_ =	sdelay $0x4  }
0x112: {  	[tilespmem:$0xE0A0] =	vst v0  }
0x113: {  	v0 =	vld [tilespmem:s16+$0x4130];
	_ =	sdelay $0x4  }
0x114: {  	[tilespmem:$0xC130] =	vst v0  }
0x115: {  	v0 =	vld [tilespmem:s16+$0x8130];
	_ =	sdelay $0x4  }
0x116: {  	[tilespmem:$0xE0B0] =	vst v0  }
0x117: {  	v0 =	vld [tilespmem:s16+$0x4140];
	_ =	sdelay $0x4  }
0x118: {  	[tilespmem:$0xC140] =	vst v0  }
0x119: {  	v0 =	vld [tilespmem:s16+$0x8140];
	_ =	sdelay $0x4  }
0x11a: {  	[tilespmem:$0xE0C0] =	vst v0  }
0x11b: {  	v0 =	vld [tilespmem:s16+$0x4150];
	_ =	sdelay $0x4  }
0x11c: {  	[tilespmem:$0xC150] =	vst v0  }
0x11d: {  	v0 =	vld [tilespmem:s16+$0x8150];
	_ =	sdelay $0x4  }
0x11e: {  	[tilespmem:$0xE0D0] =	vst v0  }
0x11f: {  	v0 =	vld [tilespmem:s16+$0x4160];
	_ =	sdelay $0x4  }
0x120: {  	[tilespmem:$0xC160] =	vst v0  }
0x121: {  	v0 =	vld [tilespmem:s16+$0x8160];
	_ =	sdelay $0x4  }
0x122: {  	[tilespmem:$0xE0E0] =	vst v0  }
0x123: {  	v0 =	vld [tilespmem:s16+$0x4170];
	_ =	sdelay $0x4  }
0x124: {  	[tilespmem:$0xC170] =	vst v0  }
0x125: {  	v0 =	vld [tilespmem:s16+$0x8170];
	_ =	sdelay $0x4  }
0x126: {  	[tilespmem:$0xE0F0] =	vst v0  }
0x127: {  	s0 =	sld [smem:$0x1];
	_ =	sdelay $0x2  }
0x128: {  	s30 =	simm.s32 $0x180;
	s0 =	sshll.u32 s0, $0x9  }
0x129: {  	s1 =	sld [smem:$0x0];
	v6 =	vld [tilespmem:s30+$0x0];
	s0 =	sshra.s32 s0, $0x2  }
0x12a: {  	v4 =	vld [tilespmem:s0+$0xC100]  }
0x12b: {  	v5 =	vld [tilespmem:s0+$0xC110]  }
0x12c: {  	v7 =	vld [tilespmem:s0+$0xC120]  }
0x12d: {  	v3 =	vld [tilespmem:s0+$0xC170]  }
0x12e: {  	v0 =	vld [tilespmem:s0+$0xC1F0]  }
0x12f: {  	v8 =	vld [tilespmem:s0+$0xC130]  }
0x130: {  	v9 =	vld [tilespmem:s0+$0xC140]  }
0x131: {  	v11 =	vld [tilespmem:s0+$0xC150]  }
0x132: {  	v12 =	vld [tilespmem:s0+$0xC160]  }
0x133: {  	v1 =	vld [tilespmem:s0+$0xC180]  }
0x134: {  	v10 =	vld [tilespmem:s0+$0xC190]  }
0x135: {  	v13 =	vld [tilespmem:s0+$0xC1A0]  }
0x136: {  	v15 =	vld [tilespmem:s0+$0xC1B0]  }
0x137: {  	v16 =	vld [tilespmem:s0+$0xC1C0]  }
0x138: {  	s1 =	sshll.u32 s1, $0x9;
	v17 =	vld [tilespmem:s0+$0xC1D0]  }
0x139: {  	s1 =	sshra.s32 s1, $0x2;
	v18 =	vld [tilespmem:s0+$0xC1E0];
	v0 =	vsub.f32 v0, v3  }
0x13a: {  	v2 =	vld [tilespmem:s1+$0xC100];
	v19 =	vsub.f32 v1, v4  }
0x13b: {  	v10 =	vsub.f32 v10, v5;
	v1 =	vld [tilespmem:s1+$0xC110];
	v20 =	vmul.f32 v0, v6  }
0x13c: {  	v13 =	vsub.f32 v13, v7;
	v15 =	vsub.f32 v15, v8;
	v19 =	vmul.f32 v19, v6;
	v0 =	vld [tilespmem:s1+$0xC120]  }
0x13d: {  	v16 =	vsub.f32 v16, v9;
	v10 =	vmul.f32 v10, v6;
	v20 =	vadd.f32 v20, v3;
	v3 =	vld [tilespmem:s1+$0xC130]  }
0x13e: {  	s29 =	simm.s32 $0x10180;
	v17 =	vsub.f32 v17, v11;
	v13 =	vmul.f32 v13, v6;
	v19 =	vadd.f32 v19, v4;
	v4 =	vld [tilespmem:s1+$0xC140]  }
0x13f: {  	v18 =	vsub.f32 v18, v12;
	v15 =	vmul.f32 v15, v6;
	v10 =	vadd.f32 v10, v5;
	v5 =	vld [tilespmem:s1+$0xC150];
	[tilespmem:s29+$0x70] =	vst v20  }
0x140: {  	v16 =	vmul.f32 v16, v6;
	v13 =	vadd.f32 v13, v7;
	v7 =	vld [tilespmem:s1+$0xC160];
	[tilespmem:s29+$0x0] =	vst v19  }
0x141: {  	v17 =	vmul.f32 v17, v6;
	v6 =	vmul.f32 v18, v6;
	v15 =	vadd.f32 v15, v8;
	v8 =	vld [tilespmem:s1+$0xC170];
	[tilespmem:s29+$0x10] =	vst v10  }
0x142: {  	v9 =	vadd.f32 v16, v9;
	[tilespmem:s29+$0x20] =	vst v13;
	v10 =	vld [tilespmem:s1+$0xC180]  }
0x143: {  	v6 =	vadd.f32 v6, v12;
	[tilespmem:s29+$0x30] =	vst v15;
	v15 =	vadd.f32 v17, v11;
	v11 =	vld [tilespmem:s1+$0xC190]  }
0x144: {  	[tilespmem:s29+$0x40] =	vst v9;
	v13 =	vld [tilespmem:s1+$0xC1A0]  }
0x145: {  	v12 =	vld [tilespmem:s1+$0xC1B0];
	[tilespmem:s29+$0x60] =	vst v6  }
0x146: {  	s31 =	sshll.u32 s28, $0x1;
	s2 =	simm.s32 $0x0;
	s0 =	simm.s32 $0x3;
	v9 =	vld [tilespmem:s1+$0xC1C0];
	[tilespmem:s29+$0x50] =	vst v15  }
.LBB2_5:
0x147: {  	s3 =	sld [smem:s0+$0x0];
	v6 =	vld [tilespmem:s1+$0xC1D0];
	v10 =	vsub.f32 v10, v2  }
0x148: {  	s15 =	sld [smem:s0+$0xFFFFFFFF];
	v15 =	vld [tilespmem:s1+$0xC1E0];
	v11 =	vsub.f32 v11, v1  }
0x149: {  	v16 =	vld [tilespmem:s1+$0xC1F0];
	v13 =	vsub.f32 v13, v0  }
0x14a: {  	s1 =	sshll.u32 s3, $0x9;
	v17 =	vld [tilespmem:s30+$0xFFFFFF80];
	v12 =	vsub.f32 v12, v3;
	s30 =	sadd.s32 $0x100, s30  }
0x14b: {  	s2 =	sadd.s32 $0x2, s2;
	s15 =	sshll.u32 s15, $0x9;
	v18 =	vld [tilespmem:s30+$0x0];
	s3 =	sshra.s32 s1, $0x2;
	v9 =	vsub.f32 v9, v4  }
0x14c: {  	p1 =	slt.u32 s2, $0x7E;
	s1 =	sshra.s32 s15, $0x2;
	v19 =	vld [tilespmem:s3+$0xC100];
	v6 =	vsub.f32 v6, v5  }
0x14d: {  	v20 =	vld [tilespmem:s3+$0xC110];
	v15 =	vsub.f32 v15, v7  }
0x14e: {  	v21 =	vld [tilespmem:s3+$0xC120];
	v16 =	vsub.f32 v16, v8  }
0x14f: {  	v22 =	vld [tilespmem:s3+$0xC170];
	v10 =	vmul.f32 v10, v17;
	v11 =	vmul.f32 v11, v17  }
0x150: {  	v13 =	vmul.f32 v13, v17;
	v12 =	vmul.f32 v12, v17;
	v23 =	vld [tilespmem:s3+$0xC1F0]  }
0x151: {  	v9 =	vmul.f32 v9, v17;
	v6 =	vmul.f32 v6, v17;
	v24 =	vld [tilespmem:s3+$0xC130];
	v2 =	vadd.f32 v10, v2  }
0x152: {  	v1 =	vadd.f32 v11, v1;
	v11 =	vmul.f32 v15, v17;
	v15 =	vmul.f32 v16, v17;
	v10 =	vld [tilespmem:s3+$0xC140]  }
0x153: {  	v0 =	vadd.f32 v13, v0;
	v16 =	vld [tilespmem:s3+$0xC150];
	[tilespmem:s29+$0xFFFFFF80] =	vst v2;
	v2 =	vadd.f32 v12, v3  }
0x154: {  	v3 =	vadd.f32 v6, v5;
	v12 =	vld [tilespmem:s3+$0xC160];
	[tilespmem:s29+$0xFFFFFF90] =	vst v1;
	v1 =	vadd.f32 v9, v4  }
0x155: {  	v4 =	vld [tilespmem:s3+$0xC180];
	v5 =	vsub.f32 v23, v22;
	[tilespmem:s29+$0xFFFFFFA0] =	vst v0;
	v0 =	vadd.f32 v11, v7  }
0x156: {  	v6 =	vld [tilespmem:s3+$0xC190];
	[tilespmem:s29+$0xFFFFFFB0] =	vst v2;
	v2 =	vadd.f32 v15, v8  }
0x157: {  	v7 =	vld [tilespmem:s3+$0xC1A0];
	v5 =	vmul.f32 v5, v18;
	[tilespmem:s29+$0xFFFFFFC0] =	vst v1  }
0x158: {  	v8 =	vld [tilespmem:s3+$0xC1B0];
	[tilespmem:s29+$0xFFFFFFD0] =	vst v3  }
0x159: {  	v3 =	vld [tilespmem:s3+$0xC1C0];
	v1 =	vadd.f32 v5, v22;
	[tilespmem:s29+$0xFFFFFFE0] =	vst v0  }
0x15a: {  	v5 =	vld [tilespmem:s3+$0xC1D0];
	v0 =	vsub.f32 v4, v19;
	[tilespmem:s29+$0xFFFFFFF0] =	vst v2;
	s29 =	sadd.s32 $0x100, s29  }
0x15b: {  	v9 =	vld [tilespmem:s3+$0xC1E0];
	v4 =	vsub.f32 v6, v20;
	[tilespmem:s29+$0x70] =	vst v1  }
0x15c: {  	v2 =	vld [tilespmem:s1+$0xC100];
	v6 =	vmul.f32 v0, v18;
	v7 =	vsub.f32 v7, v21  }
0x15d: {  	v1 =	vld [tilespmem:s1+$0xC110];
	v4 =	vmul.f32 v4, v18;
	v8 =	vsub.f32 v8, v24  }
0x15e: {  	v0 =	vld [tilespmem:s1+$0xC120];
	v6 =	vadd.f32 v6, v19;
	v7 =	vmul.f32 v7, v18;
	v11 =	vsub.f32 v3, v10  }
0x15f: {  	v3 =	vld [tilespmem:s1+$0xC130];
	v13 =	vadd.f32 v4, v20;
	v8 =	vmul.f32 v8, v18;
	v15 =	vsub.f32 v5, v16  }
0x160: {  	v4 =	vld [tilespmem:s1+$0xC140];
	[tilespmem:s29+$0x0] =	vst v6;
	v6 =	vadd.f32 v7, v21;
	v11 =	vmul.f32 v11, v18;
	v9 =	vsub.f32 v9, v12  }
0x161: {  	v5 =	vld [tilespmem:s1+$0xC150];
	[tilespmem:s29+$0x10] =	vst v13;
	v13 =	vadd.f32 v8, v24;
	v15 =	vmul.f32 v15, v18  }
0x162: {  	v7 =	vld [tilespmem:s1+$0xC160];
	[tilespmem:s29+$0x20] =	vst v6;
	v6 =	vadd.f32 v11, v10;
	v9 =	vmul.f32 v9, v18  }
0x163: {  	v8 =	vld [tilespmem:s1+$0xC170];
	[tilespmem:s29+$0x30] =	vst v13;
	v13 =	vadd.f32 v15, v16  }
.Ltmp3:
0x164: {  	v10 =	vld [tilespmem:s1+$0xC180];
	[tilespmem:s29+$0x40] =	vst v6;
	v6 =	vadd.f32 v9, v12;
	(pc) =	sbr.rel @p1 .LBB2_5-.Ltmp3, $4  }
0x165: {  	v11 =	vld [tilespmem:s1+$0xC190];
	[tilespmem:s29+$0x50] =	vst v13  }
0x166: {  	v13 =	vld [tilespmem:s1+$0xC1A0];
	[tilespmem:s29+$0x60] =	vst v6  }
0x167: {  	v12 =	vld [tilespmem:s1+$0xC1B0]  }
0x168: {  	s0 =	sadd.s32 $0x2, s0;
	v9 =	vld [tilespmem:s1+$0xC1C0]  }
0x169: {  	v6 =	vld [tilespmem:s30+$0xFFFFFF80];
	_ =	sdelay $0x2  }
0x16a: {  	v15 =	vld [tilespmem:s1+$0xC1D0];
	v10 =	vsub.f32 v10, v2  }
0x16b: {  	v16 =	vld [tilespmem:s1+$0xC1E0];
	v11 =	vsub.f32 v11, v1  }
0x16c: {  	v17 =	vld [tilespmem:s1+$0xC1F0];
	v13 =	vsub.f32 v13, v0;
	v10 =	vmul.f32 v10, v6  }
0x16d: {  	v12 =	vsub.f32 v12, v3;
	v11 =	vmul.f32 v11, v6  }
0x16e: {  	v9 =	vsub.f32 v9, v4;
	v13 =	vmul.f32 v13, v6;
	v2 =	vadd.f32 v10, v2  }
0x16f: {  	v12 =	vmul.f32 v12, v6;
	v10 =	vsub.f32 v15, v5;
	v1 =	vadd.f32 v11, v1  }
0x170: {  	v9 =	vmul.f32 v9, v6;
	v11 =	vsub.f32 v16, v7;
	v0 =	vadd.f32 v13, v0;
	[tilespmem:s29+$0xFFFFFF80] =	vst v2  }
0x171: {  	v3 =	vadd.f32 v12, v3;
	v2 =	vsub.f32 v17, v8;
	v10 =	vmul.f32 v10, v6;
	[tilespmem:s29+$0xFFFFFF90] =	vst v1  }
0x172: {  	v4 =	vadd.f32 v9, v4;
	v1 =	vmul.f32 v11, v6;
	[tilespmem:s29+$0xFFFFFFA0] =	vst v0  }
0x173: {  	[tilespmem:s29+$0xFFFFFFB0] =	vst v3;
	v0 =	vmul.f32 v2, v6;
	v2 =	vadd.f32 v10, v5  }
0x174: {  	[tilespmem:s29+$0xFFFFFFC0] =	vst v4;
	v1 =	vadd.f32 v1, v7  }
0x175: {  	s0 =	sor.u32 s6, s31;
	v0 =	vadd.f32 v0, v8;
	[tilespmem:s29+$0xFFFFFFD0] =	vst v2  }
0x176: {  	p1 =	seq.s32 s28, $0x3F;
	s3 =	sshll.u32 s0, $0xB;
	[tilespmem:s29+$0xFFFFFFE0] =	vst v1  }
0x177: {  	s0 =	sshll.u32 @!p1 s0, $0x4;
	s2 =	simm.s32 @!p1 $0x80000;
	s1 =	sadd.s32 s4, s3;
	[tilespmem:s29+$0xFFFFFFF0] =	vst v0  }
0x178: {  	[hbm4b:s1+s5] =	stream.linear.scatter [tilespmem:s21], [sflag:$0x3], $0x4000, $0x38;
	[tilespmem:$0x18100] =	vst v63  }
0x179: {  	s0 =	sadd.s32 @!p1 s12, s0;
	s3 =	simm.s32 @!p1 $0xC180;
	s1 =	simm.s32 @!p1 $0x80  }
0x17a: {  	[tilespmem:s3], [sflag:$0x1] =	stream.strided.gather @!p1 [hbm4b:s0+s1], $0x1F00, s2, s1, $0x38;
	[tilespmem:$0x18100] =	vst v63  }
0x17b: {  	_ =	swait.ge [sflag:s22], $0x1F00  }
0x17c: {  	[sflag:s22] =	ssyncset.done $0x0  }
0x17d: {  	s0 =	simm.s32 @!p0 $0x4;
	[sflag:s22] =	ssyncadd.s32 $0xFFFFE100  }
0x17e: {  	_ =	swait.ge @!p0 [sflag:s0], $0x4000  }
0x17f: {  	s29 =	sor.u32 $0x1, s31;
	[sflag:s0] =	ssyncset.done @!p0 $0x0  }
0x180: {  	s15 =	sshll.u32 s29, $0x7;
	[sflag:s0] =	ssyncadd.s32 @!p0 $0xFFFFC000  }
0x181: {  	v0 =	vld [tilespmem:s15+$0x4100];
	_ =	sdelay $0x4  }
0x182: {  	[tilespmem:$0xE100] =	vst v0  }
0x183: {  	v0 =	vld [tilespmem:s15+$0x8100];
	_ =	sdelay $0x4  }
0x184: {  	[tilespmem:$0x10080] =	vst v0  }
0x185: {  	v0 =	vld [tilespmem:s15+$0x4110];
	_ =	sdelay $0x4  }
0x186: {  	[tilespmem:$0xE110] =	vst v0  }
0x187: {  	v0 =	vld [tilespmem:s15+$0x8110];
	_ =	sdelay $0x4  }
0x188: {  	[tilespmem:$0x10090] =	vst v0  }
0x189: {  	v0 =	vld [tilespmem:s15+$0x4120];
	_ =	sdelay $0x4  }
0x18a: {  	[tilespmem:$0xE120] =	vst v0  }
0x18b: {  	v0 =	vld [tilespmem:s15+$0x8120];
	_ =	sdelay $0x4  }
0x18c: {  	[tilespmem:$0x100A0] =	vst v0  }
0x18d: {  	v0 =	vld [tilespmem:s15+$0x4130];
	_ =	sdelay $0x4  }
0x18e: {  	[tilespmem:$0xE130] =	vst v0  }
0x18f: {  	v0 =	vld [tilespmem:s15+$0x8130];
	_ =	sdelay $0x4  }
0x190: {  	[tilespmem:$0x100B0] =	vst v0  }
0x191: {  	v0 =	vld [tilespmem:s15+$0x4140];
	_ =	sdelay $0x4  }
0x192: {  	[tilespmem:$0xE140] =	vst v0  }
0x193: {  	v0 =	vld [tilespmem:s15+$0x8140];
	_ =	sdelay $0x4  }
0x194: {  	[tilespmem:$0x100C0] =	vst v0  }
0x195: {  	v0 =	vld [tilespmem:s15+$0x4150];
	_ =	sdelay $0x4  }
0x196: {  	[tilespmem:$0xE150] =	vst v0  }
0x197: {  	v0 =	vld [tilespmem:s15+$0x8150];
	_ =	sdelay $0x4  }
0x198: {  	[tilespmem:$0x100D0] =	vst v0  }
0x199: {  	v0 =	vld [tilespmem:s15+$0x4160];
	_ =	sdelay $0x4  }
0x19a: {  	[tilespmem:$0xE160] =	vst v0  }
0x19b: {  	v0 =	vld [tilespmem:s15+$0x8160];
	_ =	sdelay $0x4  }
0x19c: {  	[tilespmem:$0x100E0] =	vst v0  }
0x19d: {  	v0 =	vld [tilespmem:s15+$0x4170];
	_ =	sdelay $0x4  }
0x19e: {  	[tilespmem:$0xE170] =	vst v0  }
0x19f: {  	v0 =	vld [tilespmem:s15+$0x8170];
	_ =	sdelay $0x4  }
0x1a0: {  	[tilespmem:$0x100F0] =	vst v0  }
0x1a1: {  	s0 =	sld [smem:$0x1];
	_ =	sdelay $0x2  }
0x1a2: {  	s30 =	simm.s32 $0x0;
	s0 =	sshll.u32 s0, $0x9  }
0x1a3: {  	s16 =	sld [smem:$0x0];
	v6 =	vld [tilespmem:s30+$0x180];
	s0 =	sshra.s32 s0, $0x2  }
0x1a4: {  	v4 =	vld [tilespmem:s0+$0xE100]  }
0x1a5: {  	v5 =	vld [tilespmem:s0+$0xE110]  }
0x1a6: {  	v7 =	vld [tilespmem:s0+$0xE120]  }
0x1a7: {  	v3 =	vld [tilespmem:s0+$0xE170]  }
0x1a8: {  	v0 =	vld [tilespmem:s0+$0xE1F0]  }
0x1a9: {  	v8 =	vld [tilespmem:s0+$0xE130]  }
0x1aa: {  	v9 =	vld [tilespmem:s0+$0xE140]  }
0x1ab: {  	v10 =	vld [tilespmem:s0+$0xE150]  }
0x1ac: {  	v13 =	vld [tilespmem:s0+$0xE160]  }
0x1ad: {  	v1 =	vld [tilespmem:s0+$0xE180]  }
0x1ae: {  	v11 =	vld [tilespmem:s0+$0xE190]  }
0x1af: {  	v12 =	vld [tilespmem:s0+$0xE1A0]  }
0x1b0: {  	v15 =	vld [tilespmem:s0+$0xE1B0]  }
0x1b1: {  	v62 =	vld [tilespmem:s0+$0xE1C0]  }
0x1b2: {  	s1 =	sshll.u32 s16, $0x9;
	v63 =	vld [tilespmem:s0+$0xE1D0]  }
0x1b3: {  	s1 =	sshra.s32 s1, $0x2;
	v18 =	vld [tilespmem:s0+$0xE1E0];
	v0 =	vsub.f32 v0, v3  }
0x1b4: {  	v2 =	vld [tilespmem:s1+$0xE100];
	v19 =	vsub.f32 v1, v4  }
0x1b5: {  	v11 =	vsub.f32 v11, v5;
	v1 =	vld [tilespmem:s1+$0xE110];
	v20 =	vmul.f32 v0, v6  }
0x1b6: {  	v12 =	vsub.f32 v12, v7;
	v19 =	vmul.f32 v19, v6;
	v0 =	vld [tilespmem:s1+$0xE120]  }
0x1b7: {  	v15 =	vsub.f32 v15, v8;
	v11 =	vmul.f32 v11, v6;
	v20 =	vadd.f32 v20, v3;
	v3 =	vld [tilespmem:s1+$0xE130]  }
0x1b8: {  	v16 =	vsub.f32 v62, v9;
	v12 =	vmul.f32 v12, v6;
	v19 =	vadd.f32 v19, v4;
	v4 =	vld [tilespmem:s1+$0xE140]  }
0x1b9: {  	v17 =	vsub.f32 v63, v10;
	v15 =	vmul.f32 v15, v6;
	v11 =	vadd.f32 v11, v5;
	v5 =	vld [tilespmem:s1+$0xE150];
	[tilespmem:s30+$0x141F0] =	vst v20  }
0x1ba: {  	v18 =	vsub.f32 v18, v13;
	v16 =	vmul.f32 v16, v6;
	v12 =	vadd.f32 v12, v7;
	v7 =	vld [tilespmem:s1+$0xE160];
	[tilespmem:s30+$0x14180] =	vst v19  }
0x1bb: {  	v17 =	vmul.f32 v17, v6;
	v15 =	vadd.f32 v15, v8;
	v8 =	vld [tilespmem:s1+$0xE170];
	[tilespmem:s30+$0x14190] =	vst v11  }
0x1bc: {  	v6 =	vmul.f32 v18, v6;
	v9 =	vadd.f32 v16, v9;
	[tilespmem:s30+$0x141A0] =	vst v12;
	v11 =	vld [tilespmem:s1+$0xE180]  }
0x1bd: {  	v10 =	vadd.f32 v17, v10;
	[tilespmem:s30+$0x141B0] =	vst v15;
	v12 =	vld [tilespmem:s1+$0xE190]  }
0x1be: {  	v6 =	vadd.f32 v6, v13;
	v13 =	vld [tilespmem:s1+$0xE1A0];
	[tilespmem:s30+$0x141C0] =	vst v9  }
0x1bf: {  	[tilespmem:s30+$0x141D0] =	vst v10;
	v10 =	vld [tilespmem:s1+$0xE1B0]  }
0x1c0: {  	s31 =	simm.s32 $0x0;
	s2 =	simm.s32 $0x0;
	s0 =	simm.s32 $0x3;
	[tilespmem:s30+$0x141E0] =	vst v6;
	v9 =	vld [tilespmem:s1+$0xE1C0]  }
.LBB2_7:
0x1c1: {  	s15 =	sld [smem:s0+$0x0];
	v6 =	vld [tilespmem:s1+$0xE1D0];
	v11 =	vsub.f32 v11, v2  }
0x1c2: {  	s16 =	sld [smem:s0+$0xFFFFFFFF];
	v15 =	vld [tilespmem:s1+$0xE1E0];
	v12 =	vsub.f32 v12, v1  }
0x1c3: {  	s31 =	sadd.s32 $0x400, s31;
	v16 =	vld [tilespmem:s1+$0xE1F0];
	v13 =	vsub.f32 v13, v0  }
0x1c4: {  	s3 =	sshra.s32 s31, $0x2;
	s1 =	sshll.u32 s15, $0x9;
	v17 =	vld [tilespmem:s30+$0x100];
	v10 =	vsub.f32 v10, v3  }
0x1c5: {  	s2 =	sadd.s32 $0x2, s2;
	s16 =	sshll.u32 s16, $0x9;
	v18 =	vld [tilespmem:s3+$0x180];
	s15 =	sshra.s32 s1, $0x2;
	v9 =	vsub.f32 v9, v4  }
0x1c6: {  	p0 =	slt.u32 s2, $0x7E;
	s1 =	sshra.s32 s16, $0x2;
	v19 =	vld [tilespmem:s15+$0xE100];
	v6 =	vsub.f32 v6, v5  }
0x1c7: {  	v20 =	vld [tilespmem:s15+$0xE110];
	v15 =	vsub.f32 v15, v7  }
0x1c8: {  	v21 =	vld [tilespmem:s15+$0xE120];
	v16 =	vsub.f32 v16, v8  }
0x1c9: {  	v22 =	vld [tilespmem:s15+$0xE170];
	v11 =	vmul.f32 v11, v17;
	v12 =	vmul.f32 v12, v17  }
0x1ca: {  	v13 =	vmul.f32 v13, v17;
	v10 =	vmul.f32 v10, v17;
	v23 =	vld [tilespmem:s15+$0xE1F0]  }
0x1cb: {  	v9 =	vmul.f32 v9, v17;
	v6 =	vmul.f32 v6, v17;
	v24 =	vld [tilespmem:s15+$0xE130];
	v2 =	vadd.f32 v11, v2  }
0x1cc: {  	v1 =	vadd.f32 v12, v1;
	v12 =	vmul.f32 v15, v17;
	v15 =	vmul.f32 v16, v17;
	v11 =	vld [tilespmem:s15+$0xE140]  }
0x1cd: {  	v0 =	vadd.f32 v13, v0;
	v16 =	vld [tilespmem:s15+$0xE150];
	[tilespmem:s30+$0x14100] =	vst v2;
	v2 =	vadd.f32 v10, v3  }
0x1ce: {  	v3 =	vadd.f32 v6, v5;
	v10 =	vld [tilespmem:s15+$0xE160];
	[tilespmem:s30+$0x14110] =	vst v1;
	v1 =	vadd.f32 v9, v4  }
0x1cf: {  	v4 =	vld [tilespmem:s15+$0xE180];
	v5 =	vsub.f32 v23, v22;
	[tilespmem:s30+$0x14120] =	vst v0;
	v0 =	vadd.f32 v12, v7  }
0x1d0: {  	v6 =	vld [tilespmem:s15+$0xE190];
	[tilespmem:s30+$0x14130] =	vst v2;
	v2 =	vadd.f32 v15, v8  }
0x1d1: {  	v7 =	vld [tilespmem:s15+$0xE1A0];
	v5 =	vmul.f32 v5, v18;
	[tilespmem:s30+$0x14140] =	vst v1  }
0x1d2: {  	v8 =	vld [tilespmem:s15+$0xE1B0];
	[tilespmem:s30+$0x14150] =	vst v3  }
0x1d3: {  	v3 =	vld [tilespmem:s15+$0xE1C0];
	v1 =	vadd.f32 v5, v22;
	[tilespmem:s30+$0x14160] =	vst v0  }
0x1d4: {  	v5 =	vld [tilespmem:s15+$0xE1D0];
	v0 =	vsub.f32 v4, v19;
	[tilespmem:s30+$0x14170] =	vst v2;
	s30 =	smov.u32 s3  }
0x1d5: {  	v9 =	vld [tilespmem:s15+$0xE1E0];
	v4 =	vsub.f32 v6, v20;
	[tilespmem:s30+$0x141F0] =	vst v1  }
0x1d6: {  	v2 =	vld [tilespmem:s1+$0xE100];
	v6 =	vmul.f32 v0, v18;
	v7 =	vsub.f32 v7, v21  }
0x1d7: {  	v1 =	vld [tilespmem:s1+$0xE110];
	v4 =	vmul.f32 v4, v18;
	v8 =	vsub.f32 v8, v24  }
0x1d8: {  	v0 =	vld [tilespmem:s1+$0xE120];
	v6 =	vadd.f32 v6, v19;
	v7 =	vmul.f32 v7, v18;
	v12 =	vsub.f32 v3, v11  }
0x1d9: {  	v3 =	vld [tilespmem:s1+$0xE130];
	v13 =	vadd.f32 v4, v20;
	v8 =	vmul.f32 v8, v18;
	v15 =	vsub.f32 v5, v16  }
0x1da: {  	v4 =	vld [tilespmem:s1+$0xE140];
	[tilespmem:s30+$0x14180] =	vst v6;
	v6 =	vadd.f32 v7, v21;
	v12 =	vmul.f32 v12, v18;
	v9 =	vsub.f32 v9, v10  }
0x1db: {  	v5 =	vld [tilespmem:s1+$0xE150];
	[tilespmem:s30+$0x14190] =	vst v13;
	v13 =	vadd.f32 v8, v24;
	v15 =	vmul.f32 v15, v18  }
0x1dc: {  	v7 =	vld [tilespmem:s1+$0xE160];
	[tilespmem:s30+$0x141A0] =	vst v6;
	v6 =	vadd.f32 v12, v11;
	v9 =	vmul.f32 v9, v18  }
0x1dd: {  	v8 =	vld [tilespmem:s1+$0xE170];
	[tilespmem:s30+$0x141B0] =	vst v13;
	v13 =	vadd.f32 v15, v16  }
.Ltmp4:
0x1de: {  	v11 =	vld [tilespmem:s1+$0xE180];
	[tilespmem:s30+$0x141C0] =	vst v6;
	v6 =	vadd.f32 v9, v10;
	(pc) =	sbr.rel @p0 .LBB2_7-.Ltmp4, $4  }
0x1df: {  	v12 =	vld [tilespmem:s1+$0xE190];
	[tilespmem:s30+$0x141D0] =	vst v13  }
0x1e0: {  	v13 =	vld [tilespmem:s1+$0xE1A0];
	[tilespmem:s30+$0x141E0] =	vst v6  }
0x1e1: {  	v10 =	vld [tilespmem:s1+$0xE1B0]  }
0x1e2: {  	s0 =	sadd.s32 $0x2, s0;
	v9 =	vld [tilespmem:s1+$0xE1C0]  }
0x1e3: {  	v6 =	vld [tilespmem:s30+$0x100];
	_ =	sdelay $0x2  }
0x1e4: {  	v15 =	vld [tilespmem:s1+$0xE1D0];
	v11 =	vsub.f32 v11, v2  }
0x1e5: {  	v16 =	vld [tilespmem:s1+$0xE1E0];
	v12 =	vsub.f32 v12, v1  }
0x1e6: {  	v17 =	vld [tilespmem:s1+$0xE1F0];
	v13 =	vsub.f32 v13, v0;
	v11 =	vmul.f32 v11, v6  }
0x1e7: {  	v10 =	vsub.f32 v10, v3;
	v12 =	vmul.f32 v12, v6  }
0x1e8: {  	v9 =	vsub.f32 v9, v4;
	v13 =	vmul.f32 v13, v6;
	v53 =	vadd.f32 v11, v2  }
0x1e9: {  	v54 =	vsub.f32 v15, v5;
	v10 =	vmul.f32 v10, v6;
	v55 =	vadd.f32 v12, v1  }
0x1ea: {  	v56 =	vsub.f32 v16, v7;
	v9 =	vmul.f32 v9, v6;
	v57 =	vadd.f32 v13, v0;
	[tilespmem:s30+$0x14100] =	vst v53  }
0x1eb: {  	v58 =	vsub.f32 v17, v8;
	v11 =	vmul.f32 v54, v6;
	v59 =	vadd.f32 v10, v3;
	[tilespmem:s30+$0x14110] =	vst v55  }
0x1ec: {  	v60 =	vmul.f32 v56, v6;
	v61 =	vadd.f32 v9, v4;
	[tilespmem:s30+$0x14120] =	vst v57  }
0x1ed: {  	v62 =	vmul.f32 v58, v6;
	v63 =	vadd.f32 v11, v5;
	[tilespmem:s30+$0x14130] =	vst v59  }
.Ltmp5:
0x1ee: {  	v1 =	vadd.f32 v60, v7;
	[tilespmem:s30+$0x14140] =	vst v61;
	(pc) =	sbr.rel @p1 .LBB2_10-.Ltmp5, $4  }
0x1ef: {  	s0 =	sor.u32 s6, s29;
	v0 =	vadd.f32 v62, v8;
	[tilespmem:s30+$0x14150] =	vst v63  }
0x1f0: {  	s31 =	sshll.u32 s0, $0xB;
	[tilespmem:s30+$0x14160] =	vst v1  }
0x1f1: {  	s1 =	sadd.s32 s4, s31;
	[tilespmem:s30+$0x14170] =	vst v0  }
0x1f2: {  	[hbm4b:s1+s5] =	stream.linear.scatter [tilespmem:s23], [sflag:$0x4], $0x4000, $0x38;
	[tilespmem:$0x18100] =	vst v63  }
.Ltmp6:
0x1f3: {  	(pc) =	sbr.rel .LBB2_4-.Ltmp6, $4  }
0x1f4: {  	_ = 	snop  }
0x1f5: {  	s0 =	sshll.u32 s0, $0x4  }
0x1f6: {  	s28 =	sadd.s32 $0x1, s28;
	s0 =	sadd.s32 s12, s0  }
0x1f7: {  	[tilespmem:s19], [sflag:$0x2] =	stream.strided.gather [hbm4b:s0+s14], $0x1F00, s17, s14, $0x38;
	[tilespmem:$0x18100] =	vst v63  }
.LBB2_11:
0x1f8: {  	_ =	sfence.sel $0x180000  }
0x1f9: {  	[bflag:$0x0] =	sbarrier.arrive $0xFFFF  }
0x1fa: {  	_ =	strace $0x90000047  }
0x1fb: {  	s0 =	stileid.u32;
	[bflag:$0x2] =	sbarrier.arrive $0xFFFF  }
0x1fc: {  	p0 =	sne.s32 s0, $0x0;
	s0 =	rddreg [dreg:$0x6]  }
0x1fd: {  	s0 =	sadd.s32 @!p0 $0x100000, s0  }
0x1fe: {  	[sflag:s0] =	ssyncadd.tile.s32 @!p0 $0x1;
	_ =	shalt  }
.Lfunc_end2:
_tile_overlayer_lowered:
.L_overlay_start_2:
0x1ff: {  	(tag) =	ssettag $0x2  }
0x200: {  	s0 =	rddreg [dreg:$0x0];
	s2 =	stileid.u32  }
0x201: {  	s1 =	rddreg [dreg:$0x1];
	p0 =	sne.s32 s2, $0x0  }
0x202: {  	s3 =	rddreg [dreg:$0x2];
	[bflag:$0x3] =	sbarrier.arrive $0xFFFF;
	s2 =	simm.s32 @!p0 $0x1C05  }
0x203: {  	[timem:s3], [sflag:s2] =	dma.local @!p0 [hbm:s0], s1  }
0x204: {  	s0 =	simm.s32 @!p0 $0x5  }
0x205: {  	_ =	swait.ge @!p0 [sflag:s0], s1  }
0x206: {  	s1 =	ssub.s32 @!p0 $0x0, s1;
	[sflag:s0] =	ssyncset.done @!p0 $0x0  }
0x207: {  	[sflag:s0] =	ssyncadd.s32 @!p0 s1  }
0x208: {  	[bflag:$0x3] =	sbarrier.arrive $0xFFFF  }
0x209: {  	_ =	shalt  }

</sc_bundles>
